<compile_context>
chip_gen: v7x
topology: tpu7x:2x2x1
jax: 0.10.2.dev20260603
libtpu: 0.0.44.dev20260713+nightly
codegen_flags: <defaults>
</compile_context>

<pallas_src>
import functools

import jax
import jax.numpy as jnp
from jax import lax
from jax.experimental import pallas as pl
from jax.experimental.pallas import tpu as pltpu
from jax.experimental.pallas import tpu_sc as plsc

EPS = 1e-5
B = 16
N1 = 1024
S1 = 512
S2 = 256
K = 32
F32 = jnp.float32
I32 = jnp.int32



def _fps_body(npoint, px_ref, py_ref, pz_ref, idx_ref, cx_ref, cy_ref, cz_ref):
    X = px_ref[...]
    Y = py_ref[...]
    Z = pz_ref[...]
    b, n = X.shape
    lane = lax.broadcasted_iota(I32, (b, n), 1)

    def step(i, carry):
        dist, far = carry
        mask = lane == far
        cx = jnp.sum(jnp.where(mask, X, 0.0), axis=1, keepdims=True)
        cy = jnp.sum(jnp.where(mask, Y, 0.0), axis=1, keepdims=True)
        cz = jnp.sum(jnp.where(mask, Z, 0.0), axis=1, keepdims=True)
        idx_ref[pl.ds(i, 1), :] = far.reshape(1, b)
        cx_ref[pl.ds(i, 1), :] = cx.reshape(1, b)
        cy_ref[pl.ds(i, 1), :] = cy.reshape(1, b)
        cz_ref[pl.ds(i, 1), :] = cz.reshape(1, b)
        d = (X - cx) ** 2 + (Y - cy) ** 2 + (Z - cz) ** 2
        dist = jnp.minimum(dist, d)
        m = jnp.max(dist, axis=1, keepdims=True)
        t = jnp.where(dist == m, lane, n)
        far = jnp.min(t, axis=1, keepdims=True).astype(I32)
        return dist, far

    init = (jnp.full((b, n), 1e10, dtype=F32), jnp.zeros((b, 1), dtype=I32))
    lax.fori_loop(0, npoint, step, init)


def _fps(px, py, pz, npoint):
    b, n = px.shape
    out_shapes = (
        jax.ShapeDtypeStruct((npoint, b), I32),
        jax.ShapeDtypeStruct((npoint, b), F32),
        jax.ShapeDtypeStruct((npoint, b), F32),
        jax.ShapeDtypeStruct((npoint, b), F32),
    )
    return pl.pallas_call(
        functools.partial(_fps_body, npoint),
        out_shape=out_shapes,
    )(px, py, pz)



def _knn_body(n_per_batch, q_ref, pt_ref, idx_ref):
    q = q_ref[...]
    p3 = pt_ref[0]
    s = q.shape[0]
    n = p3.shape[1]
    qn = jnp.sum(q * q, axis=1, keepdims=True)
    pn = jnp.sum(p3 * p3, axis=0, keepdims=True)
    D = -2.0 * jnp.dot(q, p3, preferred_element_type=F32)
    D = D + qn
    D = D + pn
    lane_f = lax.broadcasted_iota(I32, (s, n), 1).astype(F32)
    colid = lax.broadcasted_iota(I32, (s, K), 1)
    INF = jnp.float32(3.0e38)
    BIG = jnp.float32(1.0e9)

    def it(i, carry):
        D, acc = carry
        m = jnp.min(D, axis=1, keepdims=True)
        t = jnp.where(D == m, lane_f, BIG)
        idxf = jnp.min(t, axis=1, keepdims=True)
        D = jnp.where(t == idxf, INF, D)
        acc = jnp.where(colid == i, idxf.astype(I32), acc)
        return D, acc

    _, acc = lax.fori_loop(0, K, it, (D, jnp.zeros((s, K), I32)))
    bidx = pl.program_id(0)
    idx_ref[...] = acc + bidx * n_per_batch


def _knn(qrows, pt, s_per_batch, n_per_batch):
    return pl.pallas_call(
        functools.partial(_knn_body, n_per_batch),
        grid=(B,),
        in_specs=[
            pl.BlockSpec((s_per_batch, 3), lambda i: (i, 0)),
            pl.BlockSpec((1, 3, n_per_batch), lambda i: (i, 0, 0)),
        ],
        out_specs=pl.BlockSpec((s_per_batch, K), lambda i: (i, 0)),
        out_shape=jax.ShapeDtypeStruct((B * s_per_batch, K), I32),
        compiler_params=pltpu.CompilerParams(
            dimension_semantics=("arbitrary",)),
    )(qrows, pt)



def _d0_body(x_ref, w1_ref, g1_ref, b1_ref, w2_ref, g2_ref, b2_ref,
             wa_ref, wfull_ref, g_out_ref, gb_out_ref):
    x = x_ref[...]
    h = lax.dot_general(x, w1_ref[...], (((1,), (1,)), ((), ())),
                        preferred_element_type=F32)
    mean = jnp.mean(h, axis=0, keepdims=True)
    var = jnp.mean((h - mean) ** 2, axis=0, keepdims=True)
    h = (h - mean) / jnp.sqrt(var + EPS) * g1_ref[...] + b1_ref[...]
    h = jnp.maximum(h, 0.0)
    h = lax.dot_general(h, w2_ref[...], (((1,), (1,)), ((), ())),
                        preferred_element_type=F32)
    mean = jnp.mean(h, axis=0, keepdims=True)
    var = jnp.mean((h - mean) ** 2, axis=0, keepdims=True)
    h = (h - mean) / jnp.sqrt(var + EPS) * g2_ref[...] + b2_ref[...]
    h = jnp.maximum(h, 0.0)
    wa = wa_ref[...]
    wb = wfull_ref[...][:, 64:]
    g_out_ref[...] = lax.dot_general(h, wa, (((1,), (1,)), ((), ())),
                                     preferred_element_type=F32)
    gb_out_ref[...] = lax.dot_general(h, wb - wa, (((1,), (1,)), ((), ())),
                                      preferred_element_type=F32)


def _d0(xrows, W1, g1, b1, W2, g2, b2, sg1_W1):
    bn = xrows.shape[0]
    return pl.pallas_call(
        _d0_body,
        out_shape=(
            jax.ShapeDtypeStruct((bn, 128), F32),
            jax.ShapeDtypeStruct((bn, 128), F32),
        ),
    )(xrows, W1, g1.reshape(1, -1), b1.reshape(1, -1), W2,
      g2.reshape(1, -1), b2.reshape(1, -1), sg1_W1[:, :64], sg1_W1)



def _sc_gather(knn_idx2d, fps_idx2d, gtab, gbtab, width):
    cg = knn_idx2d.shape[0]
    cc = fps_idx2d.shape[0]
    n_workers = 32
    per_g = cg // n_workers
    per_c = cc // n_workers
    nf = 4 if width <= 128 else 2
    assert per_g % nf == 0
    mesh = plsc.VectorSubcoreMesh(core_axis_name="c", subcore_axis_name="s")

    @functools.partial(
        pl.kernel,
        mesh=mesh,
        out_type=(
            jax.ShapeDtypeStruct((cg * 128, width), F32),
            jax.ShapeDtypeStruct((cc * 128, width), F32),
        ),
        scratch_types=[
            pltpu.VMEM((128,), I32),
            pltpu.VMEM((128,), I32),
            pltpu.VMEM((128,), I32),
            pltpu.VMEM((128,), I32),
            pltpu.VMEM((nf * 128, width), F32),
            pltpu.SemaphoreType.DMA,
        ],
    )
    def k(knn_hbm, fps_hbm, g_hbm, gb_hbm, outg_hbm, outc_hbm,
          i0, i1, i2, i3, rows_v, sem):
        cid = lax.axis_index("c")
        sid = lax.axis_index("s")
        wid = sid * 2 + cid
        idxs = [i0, i1, i2, i3][:nf]

        def body(i, _):
            base = wid * per_g + i * nf
            for j in range(nf):
                pltpu.sync_copy(knn_hbm.at[base + j], idxs[j])
            hs = [pltpu.async_copy(g_hbm.at[idxs[j]],
                                   rows_v.at[pl.ds(j * 128, 128)], sem)
                  for j in range(nf)]
            for h in hs:
                h.wait()
            pltpu.sync_copy(rows_v, outg_hbm.at[pl.ds(base * 128, nf * 128)])
            return 0

        lax.fori_loop(0, per_g // nf, body, 0)

        def body_c(i, _):
            ci = wid * per_c + i
            pltpu.sync_copy(fps_hbm.at[ci], i0)
            pltpu.async_copy(gb_hbm.at[i0],
                             rows_v.at[pl.ds(0, 128)], sem).wait()
            pltpu.sync_copy(rows_v.at[pl.ds(0, 128)],
                            outc_hbm.at[pl.ds(ci * 128, 128)])
            return 0

        lax.fori_loop(0, per_c, body_c, 0)

    return k(knn_idx2d, fps_idx2d, gtab, gbtab)



_GB = 64


def _p1_body(nsteps, minv, g_ref, c_ref, mean_ref, var_ref, acc):
    y = g_ref[...].reshape(_GB, K, g_ref.shape[1])
    y = y + c_ref[...][:, None, :]
    s = jnp.sum(y, axis=(0, 1), keepdims=True)[0]
    sq = jnp.sum(y * y, axis=(0, 1), keepdims=True)[0]

    @pl.when(pl.program_id(0) == 0)
    def _():
        acc[...] = jnp.zeros_like(acc)

    acc[0:1, :] += s
    acc[1:2, :] += sq

    @pl.when(pl.program_id(0) == nsteps - 1)
    def _():
        mean = acc[0:1, :] * minv
        mean_ref[...] = mean
        var_ref[...] = acc[1:2, :] * minv - mean * mean


def _p1(grouped, crows, width, n_groups):
    nsteps = n_groups // _GB
    minv = 1.0 / (n_groups * K)
    return pl.pallas_call(
        functools.partial(_p1_body, nsteps, minv),
        grid=(nsteps,),
        in_specs=[
            pl.BlockSpec((_GB * K, width), lambda i: (i, 0)),
            pl.BlockSpec((_GB, width), lambda i: (i, 0)),
        ],
        out_specs=[
            pl.BlockSpec((1, width), lambda i: (0, 0)),
            pl.BlockSpec((1, width), lambda i: (0, 0)),
        ],
        out_shape=(
            jax.ShapeDtypeStruct((1, width), F32),
            jax.ShapeDtypeStruct((1, width), F32),
        ),
        scratch_shapes=[pltpu.VMEM((2, width), F32)],
        compiler_params=pltpu.CompilerParams(
            dimension_semantics=("arbitrary",)),
    )(grouped, crows)


def _p2_body(nsteps, g_ref, c_ref, mean_ref, var_ref, gam_ref, bet_ref,
             w2_ref, gmax_ref, stats_ref, acc):
    w = g_ref.shape[1]
    y = g_ref[...].reshape(_GB, K, w) + c_ref[...][:, None, :]
    scale = gam_ref[...] / jnp.sqrt(var_ref[...] + EPS)
    z = jnp.maximum((y - mean_ref[...][:, None, :]) * scale[:, None, :]
                    + bet_ref[...][:, None, :], 0.0)
    z2 = z.reshape(_GB * K, w)
    y2 = lax.dot_general(z2, w2_ref[...], (((1,), (1,)), ((), ())),
                         preferred_element_type=F32)
    o = y2.shape[1]
    s = jnp.sum(y2, axis=0, keepdims=True)
    sq = jnp.sum(y2 * y2, axis=0, keepdims=True)

    @pl.when(pl.program_id(0) == 0)
    def _():
        acc[...] = jnp.zeros_like(acc)

    acc[0:1, :] += s
    acc[1:2, :] += sq
    gmax_ref[...] = jnp.max(y2.reshape(_GB, K, o), axis=1)

    @pl.when(pl.program_id(0) == nsteps - 1)
    def _():
        stats_ref[...] = acc[...]


def _p2(grouped, crows, mean, var, gam, bet, W2, width, n_groups):
    nsteps = n_groups // _GB
    return pl.pallas_call(
        functools.partial(_p2_body, nsteps),
        grid=(nsteps,),
        in_specs=[
            pl.BlockSpec((_GB * K, width), lambda i: (i, 0)),
            pl.BlockSpec((_GB, width), lambda i: (i, 0)),
            pl.BlockSpec((1, width), lambda i: (0, 0)),
            pl.BlockSpec((1, width), lambda i: (0, 0)),
            pl.BlockSpec((1, width), lambda i: (0, 0)),
            pl.BlockSpec((1, width), lambda i: (0, 0)),
            pl.BlockSpec((width, width), lambda i: (0, 0)),
        ],
        out_specs=[
            pl.BlockSpec((_GB, width), lambda i: (i, 0)),
            pl.BlockSpec((2, width), lambda i: (0, 0)),
        ],
        out_shape=(
            jax.ShapeDtypeStruct((n_groups, width), F32),
            jax.ShapeDtypeStruct((2, width), F32),
        ),
        scratch_shapes=[pltpu.VMEM((2, width), F32)],
        compiler_params=pltpu.CompilerParams(
            dimension_semantics=("arbitrary",)),
    )(grouped, crows, mean, var, gam, bet, W2)


def _p3_body(minv, has_tables, gmax_ref, stats_ref, gam_ref, bet_ref,
             wa_ref, wfull_ref, out_ref, *table_refs):
    mean = stats_ref[0:1, :] * minv
    var = stats_ref[1:2, :] * minv - mean * mean
    scale = gam_ref[...] / jnp.sqrt(var + EPS)
    out = jnp.maximum((gmax_ref[...] - mean) * scale + bet_ref[...], 0.0)
    out_ref[...] = out
    if has_tables:
        half = wa_ref.shape[1]
        wa = wa_ref[...]
        wb = wfull_ref[...][:, half:]
        table_refs[0][...] = lax.dot_general(
            out, wa, (((1,), (1,)), ((), ())), preferred_element_type=F32)
        table_refs[1][...] = lax.dot_general(
            out, wb - wa, (((1,), (1,)), ((), ())), preferred_element_type=F32)


def _p3(gmax, stats, gam, bet, width, n_groups, next_w1=None):
    minv = 1.0 / (n_groups * K)
    has_tables = next_w1 is not None
    nb = 2048
    nsteps = n_groups // nb if n_groups >= nb else 1
    nb = min(nb, n_groups)
    out_shapes = [jax.ShapeDtypeStruct((n_groups, width), F32)]
    out_specs = [pl.BlockSpec((nb, width), lambda i: (i, 0))]
    if has_tables:
        ow = next_w1.shape[0]
        out_shapes += [jax.ShapeDtypeStruct((n_groups, ow), F32)] * 2
        out_specs += [pl.BlockSpec((nb, ow), lambda i: (i, 0))] * 2
        wa = next_w1[:, :width]
        wfull = next_w1
    else:
        wa = jnp.zeros((8, width), F32)
        wfull = jnp.zeros((8, 2 * width), F32)
    res = pl.pallas_call(
        functools.partial(_p3_body, minv, has_tables),
        grid=(nsteps,),
        in_specs=[
            pl.BlockSpec((nb, width), lambda i: (i, 0)),
            pl.BlockSpec((2, width), lambda i: (0, 0)),
            pl.BlockSpec((1, width), lambda i: (0, 0)),
            pl.BlockSpec((1, width), lambda i: (0, 0)),
            pl.BlockSpec(wa.shape, lambda i: (0, 0)),
            pl.BlockSpec(wfull.shape, lambda i: (0, 0)),
        ],
        out_specs=out_specs,
        out_shape=tuple(out_shapes),
        compiler_params=pltpu.CompilerParams(
            dimension_semantics=("arbitrary",)),
    )(gmax, stats, gam, bet, wa, wfull)
    return res



def kernel(x, W1, g1, b1, W2, g2, b2, sg1_W1, sg1_g1, sg1_b1, sg1_W2,
           sg1_g2, sg1_b2, sg2_W1, sg2_g1, sg2_b1, sg2_W2, sg2_g2, sg2_b2):
    px = x[:, 0, :]
    py = x[:, 1, :]
    pz = x[:, 2, :]

    idx1, cx1, cy1, cz1 = _fps(px, py, pz, S1)
    q1 = jnp.stack([cx1.T, cy1.T, cz1.T], axis=-1).reshape(B * S1, 3)
    fps1_flat = (idx1.T + jnp.arange(B, dtype=I32)[:, None] * N1).reshape(-1)

    knn1 = _knn(q1, x, S1, N1)

    xrows = jnp.transpose(x, (0, 2, 1)).reshape(B * N1, 3)
    G1, G1b = _d0(xrows, W1, g1, b1, W2, g2, b2, sg1_W1)

    ng1 = B * S1
    grouped1, c1 = _sc_gather(knn1.reshape(-1, 128), fps1_flat.reshape(-1, 128),
                              G1, G1b, 128)

    px1, py1, pz1 = cx1.T, cy1.T, cz1.T
    idx2, cx2, cy2, cz2 = _fps(px1, py1, pz1, S2)
    q2 = jnp.stack([cx2.T, cy2.T, cz2.T], axis=-1).reshape(B * S2, 3)
    fps2_flat = (idx2.T + jnp.arange(B, dtype=I32)[:, None] * S1).reshape(-1)
    pt2 = jnp.stack([px1, py1, pz1], axis=1)
    knn2 = _knn(q2, pt2, S2, S1)
    mean1, var1 = _p1(grouped1, c1, 128, ng1)
    gmax1, stats1 = _p2(grouped1, c1, mean1, var1, sg1_g1.reshape(1, -1),
                        sg1_b1.reshape(1, -1), sg1_W2, 128, ng1)
    _f1, G2, G2b = _p3(gmax1, stats1, sg1_g2.reshape(1, -1),
                       sg1_b2.reshape(1, -1), 128, ng1, next_w1=sg2_W1)

    ng2 = B * S2
    grouped2, c2 = _sc_gather(knn2.reshape(-1, 128), fps2_flat.reshape(-1, 128),
                              G2, G2b, 256)
    mean2, var2 = _p1(grouped2, c2, 256, ng2)
    gmax2, stats2 = _p2(grouped2, c2, mean2, var2, sg2_g1.reshape(1, -1),
                        sg2_b1.reshape(1, -1), sg2_W2, 256, ng2)
    (f2rows,) = _p3(gmax2, stats2, sg2_g2.reshape(1, -1),
                    sg2_b2.reshape(1, -1), 256, ng2)

    return jnp.transpose(f2rows.reshape(B, S2, 256), (0, 2, 1))

# --- scband reference (transcript-rebuilt; emitter-appended) ---
"""Pipeline reference for scband-neighbor-embedding-25855703122101 (READ-ONLY COPY).

The authoritative reference and input builder live on the scoring server;
editing this copy changes nothing except your own understanding.
"""

import jax, jax.numpy as jnp
import numpy as np

EPS = 1e-5

def conv1x1(x, W):
    return jnp.einsum('oc,bcl->bol', W, x)

def bn_relu(x, g, b):
    mean = jnp.mean(x, axis=(0, 2), keepdims=True)
    var = jnp.var(x, axis=(0, 2), keepdims=True)
    y = (x - mean) / jnp.sqrt(var + EPS) * g[None, :, None] + b[None, :, None]
    return jax.nn.relu(y)

def index_points(points, idx):
    B = points.shape[0]
    bidx = jnp.arange(B).reshape((B,) + (1,) * (idx.ndim - 1))
    return points[bidx, idx]

def farthest_point_sample(xyz, npoint):
    B, N, _ = xyz.shape
    def step(carry, _):
        distance, farthest = carry
        centroid = xyz[jnp.arange(B), farthest][:, None, :]
        d = jnp.sum((xyz - centroid) ** 2, axis=-1)
        distance = jnp.minimum(distance, d)
        new_farthest = jnp.argmax(distance, axis=-1).astype(jnp.int32)
        return (distance, new_farthest), farthest
    init = (jnp.full((B, N), 1e10, dtype=xyz.dtype), jnp.zeros((B,), dtype=jnp.int32))
    _, idxs = jax.lax.scan(step, init, None, length=npoint)
    return jnp.transpose(idxs)

def square_distance(src, dst):
    d = -2.0 * jnp.einsum('bnc,bmc->bnm', src, dst)
    d = d + jnp.sum(src ** 2, -1)[:, :, None]
    d = d + jnp.sum(dst ** 2, -1)[:, None, :]
    return d

def knn_point(k, xyz, new_xyz):
    sqrdists = square_distance(new_xyz, xyz)
    _, idx = jax.lax.top_k(-sqrdists, k)
    return idx

def sg_apply(x, fps_idx, knn_idx, W1, g1, b1, W2, g2, b2):
    feats = jnp.transpose(x, (0, 2, 1))
    new_features = index_points(feats, fps_idx)
    grouped = index_points(feats, knn_idx)
    normed = grouped - new_features[:, :, None, :]
    agg = jnp.concatenate([normed, jnp.broadcast_to(new_features[:, :, None, :], normed.shape)], axis=-1)
    b_, s_, k_, d_ = agg.shape
    nf = jnp.transpose(agg, (0, 1, 3, 2)).reshape(b_ * s_, d_, k_)
    nf = bn_relu(conv1x1(nf, W1), g1, b1)
    nf = bn_relu(conv1x1(nf, W2), g2, b2)
    nf = jnp.max(nf, axis=2)
    return jnp.transpose(nf.reshape(b_, s_, -1), (0, 2, 1))

def setup_inputs(seed: int = 0):
    key = jax.random.key(seed)
    ks = [jax.random.fold_in(key, i) for i in range(8)]
    inp = {}
    inp['x'] = jax.random.normal(ks[0], (16, 3, 1024), dtype=jnp.float32)
    inp['W1'] = jax.random.normal(ks[1], (64, 3), dtype=jnp.float32) * 0.1
    inp['g1'] = jnp.ones((64,), jnp.float32); inp['b1'] = jnp.zeros((64,), jnp.float32)
    inp['W2'] = jax.random.normal(ks[2], (64, 64), dtype=jnp.float32) * 0.1
    inp['g2'] = jnp.ones((64,), jnp.float32); inp['b2'] = jnp.zeros((64,), jnp.float32)
    inp['sg1_W1'] = jax.random.normal(ks[3], (128, 128), dtype=jnp.float32) * 0.1
    inp['sg1_g1'] = jnp.ones((128,), jnp.float32); inp['sg1_b1'] = jnp.zeros((128,), jnp.float32)
    inp['sg1_W2'] = jax.random.normal(ks[4], (128, 128), dtype=jnp.float32) * 0.1
    inp['sg1_g2'] = jnp.ones((128,), jnp.float32); inp['sg1_b2'] = jnp.zeros((128,), jnp.float32)
    inp['sg2_W1'] = jax.random.normal(ks[5], (256, 256), dtype=jnp.float32) * 0.1
    inp['sg2_g1'] = jnp.ones((256,), jnp.float32); inp['sg2_b1'] = jnp.zeros((256,), jnp.float32)
    inp['sg2_W2'] = jax.random.normal(ks[6], (256, 256), dtype=jnp.float32) * 0.1
    inp['sg2_g2'] = jnp.ones((256,), jnp.float32); inp['sg2_b2'] = jnp.zeros((256,), jnp.float32)
    return inp

def reference(x, W1, g1, b1, W2, g2, b2, sg1_W1, sg1_g1, sg1_b1, sg1_W2, sg1_g2, sg1_b2, sg2_W1, sg2_g1, sg2_b1, sg2_W2, sg2_g2, sg2_b2):
    xyz = jnp.transpose(x, (0, 2, 1))
    fps_idx1 = farthest_point_sample(xyz, 512)
    xyz1 = index_points(xyz, fps_idx1)
    knn_idx1 = knn_point(32, xyz, xyz1)
    fps_idx2 = farthest_point_sample(xyz1, 256)
    xyz2 = index_points(xyz1, fps_idx2)
    knn_idx2 = knn_point(32, xyz1, xyz2)
    f = bn_relu(conv1x1(x, W1), g1, b1)
    f = bn_relu(conv1x1(f, W2), g2, b2)
    f1 = sg_apply(f, fps_idx1, knn_idx1, sg1_W1, sg1_g1, sg1_b1, sg1_W2, sg1_g2, sg1_b2)
    f2 = sg_apply(f1, fps_idx2, knn_idx2, sg2_W1, sg2_g1, sg2_b1, sg2_W2, sg2_g2, sg2_b2)
    return f2

if __name__ == "__main__":
    import jax
    _d = setup_inputs()
    print(jax.jit(kernel)(*tuple(_d.values())))

</pallas_src>

<mosaic_0001>
#map = affine_map<(d0, d1) -> (0, 0)>
module attributes {stable_mosaic.version = 14 : i64} {
  func.func @k(%arg0: i32, %arg1: i32, %arg2: memref<2048x128xi32, #tpu.memory_space<hbm>>, %arg3: memref<64x128xi32, #tpu.memory_space<hbm>>, %arg4: memref<16384x128xf32, #tpu.memory_space<hbm>>, %arg5: memref<16384x128xf32, #tpu.memory_space<hbm>>, %arg6: memref<262144x128xf32, #tpu.memory_space<hbm>>, %arg7: memref<8192x128xf32, #tpu.memory_space<hbm>>, %arg8: memref<128xi32, #tpu.memory_space<vmem>>, %arg9: memref<128xi32, #tpu.memory_space<vmem>>, %arg10: memref<128xi32, #tpu.memory_space<vmem>>, %arg11: memref<128xi32, #tpu.memory_space<vmem>>, %arg12: memref<512x128xf32, #tpu.memory_space<vmem>>, %arg13: memref<!tpu.dma_semaphore, #tpu.memory_space<semaphore_mem>>) attributes {dimension_semantics = [#tpu.dimension_semantics<core_parallel>, #tpu.dimension_semantics<subcore_parallel>], iteration_bounds = array<i64: 2, 16>, scalar_prefetch = 0 : i64, scratch_operands = 6 : i64, tpu.core_type = #tpu.core_type<sc_vector_subcore>, window_params = [{transform_indices = #map}, {transform_indices = #map}, {transform_indices = #map}, {transform_indices = #map}, {transform_indices = #map}, {transform_indices = #map}]} {
    %mul3A = arith.constant 2 : i32
    %mul3A_0 = arith.muli %arg1, %mul3A : i32
    %add3A = arith.addi %mul3A_0, %arg0 : i32
    %scan3A = arith.constant 0 : i32
    %scan3A_1 = arith.constant 0 : i32
    %scan3A_2 = arith.constant 16 : i32
    %scan3A_3 = arith.addi %scan3A_1, %scan3A_2 : i32
    %scan3A_4 = arith.constant 1 : i32
    %scan3A_5 = scf.for %scan3A_14 = %scan3A_1 to %scan3A_3 step %scan3A_4 iter_args(%scan3A_15 = %scan3A) -> (i32)  : i32 {
      %mul3A_16 = arith.constant 64 : i32
      %mul3A_17 = arith.muli %add3A, %mul3A_16 : i32
      %mul3A_18 = arith.constant 4 : i32
      %mul3A_19 = arith.muli %scan3A_14, %mul3A_18 : i32
      %add3A_20 = arith.addi %mul3A_17, %mul3A_19 : i32
      %add3A_21 = arith.constant 0 : i32
      %add3A_22 = arith.addi %add3A_20, %add3A_21 : i32
      "tpu.region"() ({
        %run_scoped3A = tpu.sem_alloc : memref<!tpu.dma_semaphore, #tpu.memory_space<semaphore_mem>>
        %dma_start3A_78 = arith.constant 0 : i32
        %dma_start3A_79 = tpu.memref_slice %arg2[%add3A_22, %dma_start3A_78] : memref<2048x128xi32, #tpu.memory_space<hbm>> -> memref<1x128xi32, #tpu.memory_space<hbm>>
        %dma_start3A_80 = tpu.memref_squeeze %dma_start3A_79 : memref<1x128xi32, #tpu.memory_space<hbm>> -> memref<128xi32, #tpu.memory_space<hbm>>
        %dma_start3A_81 = arith.constant 0 : i32
        %dma_start3A_82 = tpu.memref_slice %arg2[%add3A_22, %dma_start3A_81] : memref<2048x128xi32, #tpu.memory_space<hbm>> -> memref<1x128xi32, #tpu.memory_space<hbm>>
        %dma_start3A_83 = tpu.memref_squeeze %dma_start3A_82 : memref<1x128xi32, #tpu.memory_space<hbm>> -> memref<128xi32, #tpu.memory_space<hbm>>
        tpu.enqueue_dma source(%dma_start3A_83 : memref<128xi32, #tpu.memory_space<hbm>>) target(%arg8 : memref<128xi32, #tpu.memory_space<vmem>>) target_semaphore(%run_scoped3A : memref<!tpu.dma_semaphore, #tpu.memory_space<semaphore_mem>>)
        %dma_wait3A_84 = arith.constant 0 : i32
        %dma_wait3A_85 = tpu.memref_slice %arg2[%add3A_22, %dma_wait3A_84] : memref<2048x128xi32, #tpu.memory_space<hbm>> -> memref<1x128xi32, #tpu.memory_space<hbm>>
        %dma_wait3A_86 = tpu.memref_squeeze %dma_wait3A_85 : memref<1x128xi32, #tpu.memory_space<hbm>> -> memref<128xi32, #tpu.memory_space<hbm>>
        %dma_wait3A_87 = arith.constant 0 : i32
        %dma_wait3A_88 = tpu.memref_slice %arg2[%add3A_22, %dma_wait3A_87] : memref<2048x128xi32, #tpu.memory_space<hbm>> -> memref<1x128xi32, #tpu.memory_space<hbm>>
        %dma_wait3A_89 = tpu.memref_squeeze %dma_wait3A_88 : memref<1x128xi32, #tpu.memory_space<hbm>> -> memref<128xi32, #tpu.memory_space<hbm>>
        tpu.wait_dma2 semaphore(%run_scoped3A : memref<!tpu.dma_semaphore, #tpu.memory_space<semaphore_mem>>) src(%dma_wait3A_89 : memref<128xi32, #tpu.memory_space<hbm>>) dst(%arg8 : memref<128xi32, #tpu.memory_space<vmem>>)
        tpu.yield
      }) : () -> ()
      %add3A_23 = arith.constant 1 : i32
      %add3A_24 = arith.addi %add3A_20, %add3A_23 : i32
      "tpu.region"() ({
        %run_scoped3A = tpu.sem_alloc : memref<!tpu.dma_semaphore, #tpu.memory_space<semaphore_mem>>
        %dma_start3A_78 = arith.constant 0 : i32
        %dma_start3A_79 = tpu.memref_slice %arg2[%add3A_24, %dma_start3A_78] : memref<2048x128xi32, #tpu.memory_space<hbm>> -> memref<1x128xi32, #tpu.memory_space<hbm>>
        %dma_start3A_80 = tpu.memref_squeeze %dma_start3A_79 : memref<1x128xi32, #tpu.memory_space<hbm>> -> memref<128xi32, #tpu.memory_space<hbm>>
        %dma_start3A_81 = arith.constant 0 : i32
        %dma_start3A_82 = tpu.memref_slice %arg2[%add3A_24, %dma_start3A_81] : memref<2048x128xi32, #tpu.memory_space<hbm>> -> memref<1x128xi32, #tpu.memory_space<hbm>>
        %dma_start3A_83 = tpu.memref_squeeze %dma_start3A_82 : memref<1x128xi32, #tpu.memory_space<hbm>> -> memref<128xi32, #tpu.memory_space<hbm>>
        tpu.enqueue_dma source(%dma_start3A_83 : memref<128xi32, #tpu.memory_space<hbm>>) target(%arg9 : memref<128xi32, #tpu.memory_space<vmem>>) target_semaphore(%run_scoped3A : memref<!tpu.dma_semaphore, #tpu.memory_space<semaphore_mem>>)
        %dma_wait3A_84 = arith.constant 0 : i32
        %dma_wait3A_85 = tpu.memref_slice %arg2[%add3A_24, %dma_wait3A_84] : memref<2048x128xi32, #tpu.memory_space<hbm>> -> memref<1x128xi32, #tpu.memory_space<hbm>>
        %dma_wait3A_86 = tpu.memref_squeeze %dma_wait3A_85 : memref<1x128xi32, #tpu.memory_space<hbm>> -> memref<128xi32, #tpu.memory_space<hbm>>
        %dma_wait3A_87 = arith.constant 0 : i32
        %dma_wait3A_88 = tpu.memref_slice %arg2[%add3A_24, %dma_wait3A_87] : memref<2048x128xi32, #tpu.memory_space<hbm>> -> memref<1x128xi32, #tpu.memory_space<hbm>>
        %dma_wait3A_89 = tpu.memref_squeeze %dma_wait3A_88 : memref<1x128xi32, #tpu.memory_space<hbm>> -> memref<128xi32, #tpu.memory_space<hbm>>
        tpu.wait_dma2 semaphore(%run_scoped3A : memref<!tpu.dma_semaphore, #tpu.memory_space<semaphore_mem>>) src(%dma_wait3A_89 : memref<128xi32, #tpu.memory_space<hbm>>) dst(%arg9 : memref<128xi32, #tpu.memory_space<vmem>>)
        tpu.yield
      }) : () -> ()
      %add3A_25 = arith.constant 2 : i32
      %add3A_26 = arith.addi %add3A_20, %add3A_25 : i32
      "tpu.region"() ({
        %run_scoped3A = tpu.sem_alloc : memref<!tpu.dma_semaphore, #tpu.memory_space<semaphore_mem>>
        %dma_start3A_78 = arith.constant 0 : i32
        %dma_start3A_79 = tpu.memref_slice %arg2[%add3A_26, %dma_start3A_78] : memref<2048x128xi32, #tpu.memory_space<hbm>> -> memref<1x128xi32, #tpu.memory_space<hbm>>
        %dma_start3A_80 = tpu.memref_squeeze %dma_start3A_79 : memref<1x128xi32, #tpu.memory_space<hbm>> -> memref<128xi32, #tpu.memory_space<hbm>>
        %dma_start3A_81 = arith.constant 0 : i32
        %dma_start3A_82 = tpu.memref_slice %arg2[%add3A_26, %dma_start3A_81] : memref<2048x128xi32, #tpu.memory_space<hbm>> -> memref<1x128xi32, #tpu.memory_space<hbm>>
        %dma_start3A_83 = tpu.memref_squeeze %dma_start3A_82 : memref<1x128xi32, #tpu.memory_space<hbm>> -> memref<128xi32, #tpu.memory_space<hbm>>
        tpu.enqueue_dma source(%dma_start3A_83 : memref<128xi32, #tpu.memory_space<hbm>>) target(%arg10 : memref<128xi32, #tpu.memory_space<vmem>>) target_semaphore(%run_scoped3A : memref<!tpu.dma_semaphore, #tpu.memory_space<semaphore_mem>>)
        %dma_wait3A_84 = arith.constant 0 : i32
        %dma_wait3A_85 = tpu.memref_slice %arg2[%add3A_26, %dma_wait3A_84] : memref<2048x128xi32, #tpu.memory_space<hbm>> -> memref<1x128xi32, #tpu.memory_space<hbm>>
        %dma_wait3A_86 = tpu.memref_squeeze %dma_wait3A_85 : memref<1x128xi32, #tpu.memory_space<hbm>> -> memref<128xi32, #tpu.memory_space<hbm>>
        %dma_wait3A_87 = arith.constant 0 : i32
        %dma_wait3A_88 = tpu.memref_slice %arg2[%add3A_26, %dma_wait3A_87] : memref<2048x128xi32, #tpu.memory_space<hbm>> -> memref<1x128xi32, #tpu.memory_space<hbm>>
        %dma_wait3A_89 = tpu.memref_squeeze %dma_wait3A_88 : memref<1x128xi32, #tpu.memory_space<hbm>> -> memref<128xi32, #tpu.memory_space<hbm>>
        tpu.wait_dma2 semaphore(%run_scoped3A : memref<!tpu.dma_semaphore, #tpu.memory_space<semaphore_mem>>) src(%dma_wait3A_89 : memref<128xi32, #tpu.memory_space<hbm>>) dst(%arg10 : memref<128xi32, #tpu.memory_space<vmem>>)
        tpu.yield
      }) : () -> ()
      %add3A_27 = arith.constant 3 : i32
      %add3A_28 = arith.addi %add3A_20, %add3A_27 : i32
      "tpu.region"() ({
        %run_scoped3A = tpu.sem_alloc : memref<!tpu.dma_semaphore, #tpu.memory_space<semaphore_mem>>
        %dma_start3A_78 = arith.constant 0 : i32
        %dma_start3A_79 = tpu.memref_slice %arg2[%add3A_28, %dma_start3A_78] : memref<2048x128xi32, #tpu.memory_space<hbm>> -> memref<1x128xi32, #tpu.memory_space<hbm>>
        %dma_start3A_80 = tpu.memref_squeeze %dma_start3A_79 : memref<1x128xi32, #tpu.memory_space<hbm>> -> memref<128xi32, #tpu.memory_space<hbm>>
        %dma_start3A_81 = arith.constant 0 : i32
        %dma_start3A_82 = tpu.memref_slice %arg2[%add3A_28, %dma_start3A_81] : memref<2048x128xi32, #tpu.memory_space<hbm>> -> memref<1x128xi32, #tpu.memory_space<hbm>>
        %dma_start3A_83 = tpu.memref_squeeze %dma_start3A_82 : memref<1x128xi32, #tpu.memory_space<hbm>> -> memref<128xi32, #tpu.memory_space<hbm>>
        tpu.enqueue_dma source(%dma_start3A_83 : memref<128xi32, #tpu.memory_space<hbm>>) target(%arg11 : memref<128xi32, #tpu.memory_space<vmem>>) target_semaphore(%run_scoped3A : memref<!tpu.dma_semaphore, #tpu.memory_space<semaphore_mem>>)
        %dma_wait3A_84 = arith.constant 0 : i32
        %dma_wait3A_85 = tpu.memref_slice %arg2[%add3A_28, %dma_wait3A_84] : memref<2048x128xi32, #tpu.memory_space<hbm>> -> memref<1x128xi32, #tpu.memory_space<hbm>>
        %dma_wait3A_86 = tpu.memref_squeeze %dma_wait3A_85 : memref<1x128xi32, #tpu.memory_space<hbm>> -> memref<128xi32, #tpu.memory_space<hbm>>
        %dma_wait3A_87 = arith.constant 0 : i32
        %dma_wait3A_88 = tpu.memref_slice %arg2[%add3A_28, %dma_wait3A_87] : memref<2048x128xi32, #tpu.memory_space<hbm>> -> memref<1x128xi32, #tpu.memory_space<hbm>>
        %dma_wait3A_89 = tpu.memref_squeeze %dma_wait3A_88 : memref<1x128xi32, #tpu.memory_space<hbm>> -> memref<128xi32, #tpu.memory_space<hbm>>
        tpu.wait_dma2 semaphore(%run_scoped3A : memref<!tpu.dma_semaphore, #tpu.memory_space<semaphore_mem>>) src(%dma_wait3A_89 : memref<128xi32, #tpu.memory_space<hbm>>) dst(%arg11 : memref<128xi32, #tpu.memory_space<vmem>>)
        tpu.yield
      }) : () -> ()
      %dma_start3A = arith.constant 0 : i32
      %dma_start3A_29 = arith.constant 0 : i32
      %dma_start3A_30 = tpu.memref_slice %arg12[%dma_start3A, %dma_start3A_29] : memref<512x128xf32, #tpu.memory_space<vmem>> -> memref<128x128xf32, #tpu.memory_space<vmem>>
      %dma_start3A_31 = arith.constant 0 : i32
      %dma_start3A_32 = arith.constant 0 : i32
      %dma_start3A_33 = tpu.memref_slice %arg4[%dma_start3A_31, %dma_start3A_32] : memref<16384x128xf32, #tpu.memory_space<hbm>> -> memref<16384x128xf32, #tpu.memory_space<hbm>>
      tpu.enqueue_indirect_dma source(%dma_start3A_33 : memref<16384x128xf32, #tpu.memory_space<hbm>>) target(%dma_start3A_30 : memref<128x128xf32, #tpu.memory_space<vmem>>) offsets(%arg8 : memref<128xi32, #tpu.memory_space<vmem>>) semaphore(%arg13 : memref<!tpu.dma_semaphore, #tpu.memory_space<semaphore_mem>>)
      %dma_start3A_34 = arith.constant 128 : i32
      %dma_start3A_35 = arith.constant 0 : i32
      %dma_start3A_36 = tpu.memref_slice %arg12[%dma_start3A_34, %dma_start3A_35] : memref<512x128xf32, #tpu.memory_space<vmem>> -> memref<128x128xf32, #tpu.memory_space<vmem>>
      %dma_start3A_37 = arith.constant 0 : i32
      %dma_start3A_38 = arith.constant 0 : i32
      %dma_start3A_39 = tpu.memref_slice %arg4[%dma_start3A_37, %dma_start3A_38] : memref<16384x128xf32, #tpu.memory_space<hbm>> -> memref<16384x128xf32, #tpu.memory_space<hbm>>
      tpu.enqueue_indirect_dma source(%dma_start3A_39 : memref<16384x128xf32, #tpu.memory_space<hbm>>) target(%dma_start3A_36 : memref<128x128xf32, #tpu.memory_space<vmem>>) offsets(%arg9 : memref<128xi32, #tpu.memory_space<vmem>>) semaphore(%arg13 : memref<!tpu.dma_semaphore, #tpu.memory_space<semaphore_mem>>)
      %dma_start3A_40 = arith.constant 256 : i32
      %dma_start3A_41 = arith.constant 0 : i32
      %dma_start3A_42 = tpu.memref_slice %arg12[%dma_start3A_40, %dma_start3A_41] : memref<512x128xf32, #tpu.memory_space<vmem>> -> memref<128x128xf32, #tpu.memory_space<vmem>>
      %dma_start3A_43 = arith.constant 0 : i32
      %dma_start3A_44 = arith.constant 0 : i32
      %dma_start3A_45 = tpu.memref_slice %arg4[%dma_start3A_43, %dma_start3A_44] : memref<16384x128xf32, #tpu.memory_space<hbm>> -> memref<16384x128xf32, #tpu.memory_space<hbm>>
      tpu.enqueue_indirect_dma source(%dma_start3A_45 : memref<16384x128xf32, #tpu.memory_space<hbm>>) target(%dma_start3A_42 : memref<128x128xf32, #tpu.memory_space<vmem>>) offsets(%arg10 : memref<128xi32, #tpu.memory_space<vmem>>) semaphore(%arg13 : memref<!tpu.dma_semaphore, #tpu.memory_space<semaphore_mem>>)
      %dma_start3A_46 = arith.constant 384 : i32
      %dma_start3A_47 = arith.constant 0 : i32
      %dma_start3A_48 = tpu.memref_slice %arg12[%dma_start3A_46, %dma_start3A_47] : memref<512x128xf32, #tpu.memory_space<vmem>> -> memref<128x128xf32, #tpu.memory_space<vmem>>
      %dma_start3A_49 = arith.constant 0 : i32
      %dma_start3A_50 = arith.constant 0 : i32
      %dma_start3A_51 = tpu.memref_slice %arg4[%dma_start3A_49, %dma_start3A_50] : memref<16384x128xf32, #tpu.memory_space<hbm>> -> memref<16384x128xf32, #tpu.memory_space<hbm>>
      tpu.enqueue_indirect_dma source(%dma_start3A_51 : memref<16384x128xf32, #tpu.memory_space<hbm>>) target(%dma_start3A_48 : memref<128x128xf32, #tpu.memory_space<vmem>>) offsets(%arg11 : memref<128xi32, #tpu.memory_space<vmem>>) semaphore(%arg13 : memref<!tpu.dma_semaphore, #tpu.memory_space<semaphore_mem>>)
      %dma_wait3A = arith.constant 0 : i32
      %dma_wait3A_52 = arith.constant 0 : i32
      %dma_wait3A_53 = tpu.memref_slice %arg12[%dma_wait3A, %dma_wait3A_52] : memref<512x128xf32, #tpu.memory_space<vmem>> -> memref<128x128xf32, #tpu.memory_space<vmem>>
      %dma_wait3A_54 = arith.constant 0 : i32
      %dma_wait3A_55 = arith.constant 0 : i32
      %dma_wait3A_56 = tpu.memref_slice %arg4[%dma_wait3A_54, %dma_wait3A_55] : memref<16384x128xf32, #tpu.memory_space<hbm>> -> memref<16384x128xf32, #tpu.memory_space<hbm>>
      tpu.wait_indirect_dma semaphore(%arg13 : memref<!tpu.dma_semaphore, #tpu.memory_space<semaphore_mem>>) src(%dma_wait3A_56 : memref<16384x128xf32, #tpu.memory_space<hbm>>) dst(%dma_wait3A_53 : memref<128x128xf32, #tpu.memory_space<vmem>>)
      %dma_wait3A_57 = arith.constant 128 : i32
      %dma_wait3A_58 = arith.constant 0 : i32
      %dma_wait3A_59 = tpu.memref_slice %arg12[%dma_wait3A_57, %dma_wait3A_58] : memref<512x128xf32, #tpu.memory_space<vmem>> -> memref<128x128xf32, #tpu.memory_space<vmem>>
      %dma_wait3A_60 = arith.constant 0 : i32
      %dma_wait3A_61 = arith.constant 0 : i32
      %dma_wait3A_62 = tpu.memref_slice %arg4[%dma_wait3A_60, %dma_wait3A_61] : memref<16384x128xf32, #tpu.memory_space<hbm>> -> memref<16384x128xf32, #tpu.memory_space<hbm>>
      tpu.wait_indirect_dma semaphore(%arg13 : memref<!tpu.dma_semaphore, #tpu.memory_space<semaphore_mem>>) src(%dma_wait3A_62 : memref<16384x128xf32, #tpu.memory_space<hbm>>) dst(%dma_wait3A_59 : memref<128x128xf32, #tpu.memory_space<vmem>>)
      %dma_wait3A_63 = arith.constant 256 : i32
      %dma_wait3A_64 = arith.constant 0 : i32
      %dma_wait3A_65 = tpu.memref_slice %arg12[%dma_wait3A_63, %dma_wait3A_64] : memref<512x128xf32, #tpu.memory_space<vmem>> -> memref<128x128xf32, #tpu.memory_space<vmem>>
      %dma_wait3A_66 = arith.constant 0 : i32
      %dma_wait3A_67 = arith.constant 0 : i32
      %dma_wait3A_68 = tpu.memref_slice %arg4[%dma_wait3A_66, %dma_wait3A_67] : memref<16384x128xf32, #tpu.memory_space<hbm>> -> memref<16384x128xf32, #tpu.memory_space<hbm>>
      tpu.wait_indirect_dma semaphore(%arg13 : memref<!tpu.dma_semaphore, #tpu.memory_space<semaphore_mem>>) src(%dma_wait3A_68 : memref<16384x128xf32, #tpu.memory_space<hbm>>) dst(%dma_wait3A_65 : memref<128x128xf32, #tpu.memory_space<vmem>>)
      %dma_wait3A_69 = arith.constant 384 : i32
      %dma_wait3A_70 = arith.constant 0 : i32
      %dma_wait3A_71 = tpu.memref_slice %arg12[%dma_wait3A_69, %dma_wait3A_70] : memref<512x128xf32, #tpu.memory_space<vmem>> -> memref<128x128xf32, #tpu.memory_space<vmem>>
      %dma_wait3A_72 = arith.constant 0 : i32
      %dma_wait3A_73 = arith.constant 0 : i32
      %dma_wait3A_74 = tpu.memref_slice %arg4[%dma_wait3A_72, %dma_wait3A_73] : memref<16384x128xf32, #tpu.memory_space<hbm>> -> memref<16384x128xf32, #tpu.memory_space<hbm>>
      tpu.wait_indirect_dma semaphore(%arg13 : memref<!tpu.dma_semaphore, #tpu.memory_space<semaphore_mem>>) src(%dma_wait3A_74 : memref<16384x128xf32, #tpu.memory_space<hbm>>) dst(%dma_wait3A_71 : memref<128x128xf32, #tpu.memory_space<vmem>>)
      %mul3A_75 = arith.constant 128 : i32
      %mul3A_76 = arith.muli %add3A_20, %mul3A_75 : i32
      "tpu.region"() ({
        %run_scoped3A = tpu.sem_alloc : memref<!tpu.dma_semaphore, #tpu.memory_space<semaphore_mem>>
        %dma_start3A_78 = arith.constant 0 : i32
        %dma_start3A_79 = tpu.memref_slice %arg6[%mul3A_76, %dma_start3A_78] : memref<262144x128xf32, #tpu.memory_space<hbm>> -> memref<512x128xf32, #tpu.memory_space<hbm>>
        %dma_start3A_80 = arith.constant 0 : i32
        %dma_start3A_81 = tpu.memref_slice %arg6[%mul3A_76, %dma_start3A_80] : memref<262144x128xf32, #tpu.memory_space<hbm>> -> memref<512x128xf32, #tpu.memory_space<hbm>>
        tpu.enqueue_dma source(%arg12 : memref<512x128xf32, #tpu.memory_space<vmem>>) target(%dma_start3A_81 : memref<512x128xf32, #tpu.memory_space<hbm>>) target_semaphore(%run_scoped3A : memref<!tpu.dma_semaphore, #tpu.memory_space<semaphore_mem>>)
        %dma_wait3A_82 = arith.constant 0 : i32
        %dma_wait3A_83 = tpu.memref_slice %arg6[%mul3A_76, %dma_wait3A_82] : memref<262144x128xf32, #tpu.memory_space<hbm>> -> memref<512x128xf32, #tpu.memory_space<hbm>>
        %dma_wait3A_84 = arith.constant 0 : i32
        %dma_wait3A_85 = tpu.memref_slice %arg6[%mul3A_76, %dma_wait3A_84] : memref<262144x128xf32, #tpu.memory_space<hbm>> -> memref<512x128xf32, #tpu.memory_space<hbm>>
        tpu.wait_dma2 semaphore(%run_scoped3A : memref<!tpu.dma_semaphore, #tpu.memory_space<semaphore_mem>>) src(%arg12 : memref<512x128xf32, #tpu.memory_space<vmem>>) dst(%dma_wait3A_85 : memref<512x128xf32, #tpu.memory_space<hbm>>)
        tpu.yield
      }) : () -> ()
      %scan3A_77 = arith.constant 0 : i32
      scf.yield %scan3A_77 : i32
    }
    %scan3A_6 = arith.constant 16 : i32
    %scan3A_7 = arith.constant 0 : i32
    %scan3A_8 = arith.constant 0 : i32
    %scan3A_9 = arith.constant 2 : i32
    %scan3A_10 = arith.addi %scan3A_8, %scan3A_9 : i32
    %scan3A_11 = arith.constant 1 : i32
    %scan3A_12 = scf.for %scan3A_14 = %scan3A_8 to %scan3A_10 step %scan3A_11 iter_args(%scan3A_15 = %scan3A_7) -> (i32)  : i32 {
      %mul3A_16 = arith.constant 2 : i32
      %mul3A_17 = arith.muli %add3A, %mul3A_16 : i32
      %add3A_18 = arith.addi %mul3A_17, %scan3A_14 : i32
      "tpu.region"() ({
        %run_scoped3A = tpu.sem_alloc : memref<!tpu.dma_semaphore, #tpu.memory_space<semaphore_mem>>
        %dma_start3A_32 = arith.constant 0 : i32
        %dma_start3A_33 = tpu.memref_slice %arg3[%add3A_18, %dma_start3A_32] : memref<64x128xi32, #tpu.memory_space<hbm>> -> memref<1x128xi32, #tpu.memory_space<hbm>>
        %dma_start3A_34 = tpu.memref_squeeze %dma_start3A_33 : memref<1x128xi32, #tpu.memory_space<hbm>> -> memref<128xi32, #tpu.memory_space<hbm>>
        %dma_start3A_35 = arith.constant 0 : i32
        %dma_start3A_36 = tpu.memref_slice %arg3[%add3A_18, %dma_start3A_35] : memref<64x128xi32, #tpu.memory_space<hbm>> -> memref<1x128xi32, #tpu.memory_space<hbm>>
        %dma_start3A_37 = tpu.memref_squeeze %dma_start3A_36 : memref<1x128xi32, #tpu.memory_space<hbm>> -> memref<128xi32, #tpu.memory_space<hbm>>
        tpu.enqueue_dma source(%dma_start3A_37 : memref<128xi32, #tpu.memory_space<hbm>>) target(%arg8 : memref<128xi32, #tpu.memory_space<vmem>>) target_semaphore(%run_scoped3A : memref<!tpu.dma_semaphore, #tpu.memory_space<semaphore_mem>>)
        %dma_wait3A_38 = arith.constant 0 : i32
        %dma_wait3A_39 = tpu.memref_slice %arg3[%add3A_18, %dma_wait3A_38] : memref<64x128xi32, #tpu.memory_space<hbm>> -> memref<1x128xi32, #tpu.memory_space<hbm>>
        %dma_wait3A_40 = tpu.memref_squeeze %dma_wait3A_39 : memref<1x128xi32, #tpu.memory_space<hbm>> -> memref<128xi32, #tpu.memory_space<hbm>>
        %dma_wait3A_41 = arith.constant 0 : i32
        %dma_wait3A_42 = tpu.memref_slice %arg3[%add3A_18, %dma_wait3A_41] : memref<64x128xi32, #tpu.memory_space<hbm>> -> memref<1x128xi32, #tpu.memory_space<hbm>>
        %dma_wait3A_43 = tpu.memref_squeeze %dma_wait3A_42 : memref<1x128xi32, #tpu.memory_space<hbm>> -> memref<128xi32, #tpu.memory_space<hbm>>
        tpu.wait_dma2 semaphore(%run_scoped3A : memref<!tpu.dma_semaphore, #tpu.memory_space<semaphore_mem>>) src(%dma_wait3A_43 : memref<128xi32, #tpu.memory_space<hbm>>) dst(%arg8 : memref<128xi32, #tpu.memory_space<vmem>>)
        tpu.yield
      }) : () -> ()
      %dma_start3A = arith.constant 0 : i32
      %dma_start3A_19 = arith.constant 0 : i32
      %dma_start3A_20 = tpu.memref_slice %arg12[%dma_start3A, %dma_start3A_19] : memref<512x128xf32, #tpu.memory_space<vmem>> -> memref<128x128xf32, #tpu.memory_space<vmem>>
      %dma_start3A_21 = arith.constant 0 : i32
      %dma_start3A_22 = arith.constant 0 : i32
      %dma_start3A_23 = tpu.memref_slice %arg5[%dma_start3A_21, %dma_start3A_22] : memref<16384x128xf32, #tpu.memory_space<hbm>> -> memref<16384x128xf32, #tpu.memory_space<hbm>>
      tpu.enqueue_indirect_dma source(%dma_start3A_23 : memref<16384x128xf32, #tpu.memory_space<hbm>>) target(%dma_start3A_20 : memref<128x128xf32, #tpu.memory_space<vmem>>) offsets(%arg8 : memref<128xi32, #tpu.memory_space<vmem>>) semaphore(%arg13 : memref<!tpu.dma_semaphore, #tpu.memory_space<semaphore_mem>>)
      %dma_wait3A = arith.constant 0 : i32
      %dma_wait3A_24 = arith.constant 0 : i32
      %dma_wait3A_25 = tpu.memref_slice %arg12[%dma_wait3A, %dma_wait3A_24] : memref<512x128xf32, #tpu.memory_space<vmem>> -> memref<128x128xf32, #tpu.memory_space<vmem>>
      %dma_wait3A_26 = arith.constant 0 : i32
      %dma_wait3A_27 = arith.constant 0 : i32
      %dma_wait3A_28 = tpu.memref_slice %arg5[%dma_wait3A_26, %dma_wait3A_27] : memref<16384x128xf32, #tpu.memory_space<hbm>> -> memref<16384x128xf32, #tpu.memory_space<hbm>>
      tpu.wait_indirect_dma semaphore(%arg13 : memref<!tpu.dma_semaphore, #tpu.memory_space<semaphore_mem>>) src(%dma_wait3A_28 : memref<16384x128xf32, #tpu.memory_space<hbm>>) dst(%dma_wait3A_25 : memref<128x128xf32, #tpu.memory_space<vmem>>)
      %mul3A_29 = arith.constant 128 : i32
      %mul3A_30 = arith.muli %add3A_18, %mul3A_29 : i32
      "tpu.region"() ({
        %run_scoped3A = tpu.sem_alloc : memref<!tpu.dma_semaphore, #tpu.memory_space<semaphore_mem>>
        %dma_start3A_32 = arith.constant 0 : i32
        %dma_start3A_33 = arith.constant 0 : i32
        %dma_start3A_34 = tpu.memref_slice %arg12[%dma_start3A_32, %dma_start3A_33] : memref<512x128xf32, #tpu.memory_space<vmem>> -> memref<128x128xf32, #tpu.memory_space<vmem>>
        %dma_start3A_35 = arith.constant 0 : i32
        %dma_start3A_36 = tpu.memref_slice %arg7[%mul3A_30, %dma_start3A_35] : memref<8192x128xf32, #tpu.memory_space<hbm>> -> memref<128x128xf32, #tpu.memory_space<hbm>>
        %dma_start3A_37 = arith.constant 0 : i32
        %dma_start3A_38 = tpu.memref_slice %arg7[%mul3A_30, %dma_start3A_37] : memref<8192x128xf32, #tpu.memory_space<hbm>> -> memref<128x128xf32, #tpu.memory_space<hbm>>
        %dma_start3A_39 = arith.constant 0 : i32
        %dma_start3A_40 = arith.constant 0 : i32
        %dma_start3A_41 = tpu.memref_slice %arg12[%dma_start3A_39, %dma_start3A_40] : memref<512x128xf32, #tpu.memory_space<vmem>> -> memref<128x128xf32, #tpu.memory_space<vmem>>
        tpu.enqueue_dma source(%dma_start3A_41 : memref<128x128xf32, #tpu.memory_space<vmem>>) target(%dma_start3A_38 : memref<128x128xf32, #tpu.memory_space<hbm>>) target_semaphore(%run_scoped3A : memref<!tpu.dma_semaphore, #tpu.memory_space<semaphore_mem>>)
        %dma_wait3A_42 = arith.constant 0 : i32
        %dma_wait3A_43 = arith.constant 0 : i32
        %dma_wait3A_44 = tpu.memref_slice %arg12[%dma_wait3A_42, %dma_wait3A_43] : memref<512x128xf32, #tpu.memory_space<vmem>> -> memref<128x128xf32, #tpu.memory_space<vmem>>
        %dma_wait3A_45 = arith.constant 0 : i32
        %dma_wait3A_46 = tpu.memref_slice %arg7[%mul3A_30, %dma_wait3A_45] : memref<8192x128xf32, #tpu.memory_space<hbm>> -> memref<128x128xf32, #tpu.memory_space<hbm>>
        %dma_wait3A_47 = arith.constant 0 : i32
        %dma_wait3A_48 = tpu.memref_slice %arg7[%mul3A_30, %dma_wait3A_47] : memref<8192x128xf32, #tpu.memory_space<hbm>> -> memref<128x128xf32, #tpu.memory_space<hbm>>
        %dma_wait3A_49 = arith.constant 0 : i32
        %dma_wait3A_50 = arith.constant 0 : i32
        %dma_wait3A_51 = tpu.memref_slice %arg12[%dma_wait3A_49, %dma_wait3A_50] : memref<512x128xf32, #tpu.memory_space<vmem>> -> memref<128x128xf32, #tpu.memory_space<vmem>>
        tpu.wait_dma2 semaphore(%run_scoped3A : memref<!tpu.dma_semaphore, #tpu.memory_space<semaphore_mem>>) src(%dma_wait3A_51 : memref<128x128xf32, #tpu.memory_space<vmem>>) dst(%dma_wait3A_48 : memref<128x128xf32, #tpu.memory_space<hbm>>)
        tpu.yield
      }) : () -> ()
      %scan3A_31 = arith.constant 0 : i32
      scf.yield %scan3A_31 : i32
    }
    %scan3A_13 = arith.constant 2 : i32
    return
  }
}

#map = affine_map<(d0, d1) -> (0, 0)>
module attributes {stable_mosaic.version = 14 : i64} {
  func.func @k(%arg0: i32, %arg1: i32, %arg2: memref<1024x128xi32, #tpu.memory_space<hbm>>, %arg3: memref<32x128xi32, #tpu.memory_space<hbm>>, %arg4: memref<8192x256xf32, #tpu.memory_space<hbm>>, %arg5: memref<8192x256xf32, #tpu.memory_space<hbm>>, %arg6: memref<131072x256xf32, #tpu.memory_space<hbm>>, %arg7: memref<4096x256xf32, #tpu.memory_space<hbm>>, %arg8: memref<128xi32, #tpu.memory_space<vmem>>, %arg9: memref<128xi32, #tpu.memory_space<vmem>>, %arg10: memref<128xi32, #tpu.memory_space<vmem>>, %arg11: memref<128xi32, #tpu.memory_space<vmem>>, %arg12: memref<256x256xf32, #tpu.memory_space<vmem>>, %arg13: memref<!tpu.dma_semaphore, #tpu.memory_space<semaphore_mem>>) attributes {dimension_semantics = [#tpu.dimension_semantics<core_parallel>, #tpu.dimension_semantics<subcore_parallel>], iteration_bounds = array<i64: 2, 16>, scalar_prefetch = 0 : i64, scratch_operands = 6 : i64, tpu.core_type = #tpu.core_type<sc_vector_subcore>, window_params = [{transform_indices = #map}, {transform_indices = #map}, {transform_indices = #map}, {transform_indices = #map}, {transform_indices = #map}, {transform_indices = #map}]} {
    %mul3A = arith.constant 2 : i32
    %mul3A_0 = arith.muli %arg1, %mul3A : i32
    %add3A = arith.addi %mul3A_0, %arg0 : i32
    %scan3A = arith.constant 0 : i32
    %scan3A_1 = arith.constant 0 : i32
    %scan3A_2 = arith.constant 16 : i32
    %scan3A_3 = arith.addi %scan3A_1, %scan3A_2 : i32
    %scan3A_4 = arith.constant 1 : i32
    %scan3A_5 = scf.for %scan3A_26 = %scan3A_1 to %scan3A_3 step %scan3A_4 iter_args(%scan3A_27 = %scan3A) -> (i32)  : i32 {
      %mul3A_28 = arith.constant 32 : i32
      %mul3A_29 = arith.muli %add3A, %mul3A_28 : i32
      %mul3A_30 = arith.constant 2 : i32
      %mul3A_31 = arith.muli %scan3A_26, %mul3A_30 : i32
      %add3A_32 = arith.addi %mul3A_29, %mul3A_31 : i32
      %add3A_33 = arith.constant 0 : i32
      %add3A_34 = arith.addi %add3A_32, %add3A_33 : i32
      "tpu.region"() ({
        %run_scoped3A = tpu.sem_alloc : memref<!tpu.dma_semaphore, #tpu.memory_space<semaphore_mem>>
        %dma_start3A_64 = arith.constant 0 : i32
        %dma_start3A_65 = tpu.memref_slice %arg2[%add3A_34, %dma_start3A_64] : memref<1024x128xi32, #tpu.memory_space<hbm>> -> memref<1x128xi32, #tpu.memory_space<hbm>>
        %dma_start3A_66 = tpu.memref_squeeze %dma_start3A_65 : memref<1x128xi32, #tpu.memory_space<hbm>> -> memref<128xi32, #tpu.memory_space<hbm>>
        %dma_start3A_67 = arith.constant 0 : i32
        %dma_start3A_68 = tpu.memref_slice %arg2[%add3A_34, %dma_start3A_67] : memref<1024x128xi32, #tpu.memory_space<hbm>> -> memref<1x128xi32, #tpu.memory_space<hbm>>
        %dma_start3A_69 = tpu.memref_squeeze %dma_start3A_68 : memref<1x128xi32, #tpu.memory_space<hbm>> -> memref<128xi32, #tpu.memory_space<hbm>>
        tpu.enqueue_dma source(%dma_start3A_69 : memref<128xi32, #tpu.memory_space<hbm>>) target(%arg8 : memref<128xi32, #tpu.memory_space<vmem>>) target_semaphore(%run_scoped3A : memref<!tpu.dma_semaphore, #tpu.memory_space<semaphore_mem>>)
        %dma_wait3A_70 = arith.constant 0 : i32
        %dma_wait3A_71 = tpu.memref_slice %arg2[%add3A_34, %dma_wait3A_70] : memref<1024x128xi32, #tpu.memory_space<hbm>> -> memref<1x128xi32, #tpu.memory_space<hbm>>
        %dma_wait3A_72 = tpu.memref_squeeze %dma_wait3A_71 : memref<1x128xi32, #tpu.memory_space<hbm>> -> memref<128xi32, #tpu.memory_space<hbm>>
        %dma_wait3A_73 = arith.constant 0 : i32
        %dma_wait3A_74 = tpu.memref_slice %arg2[%add3A_34, %dma_wait3A_73] : memref<1024x128xi32, #tpu.memory_space<hbm>> -> memref<1x128xi32, #tpu.memory_space<hbm>>
        %dma_wait3A_75 = tpu.memref_squeeze %dma_wait3A_74 : memref<1x128xi32, #tpu.memory_space<hbm>> -> memref<128xi32, #tpu.memory_space<hbm>>
        tpu.wait_dma2 semaphore(%run_scoped3A : memref<!tpu.dma_semaphore, #tpu.memory_space<semaphore_mem>>) src(%dma_wait3A_75 : memref<128xi32, #tpu.memory_space<hbm>>) dst(%arg8 : memref<128xi32, #tpu.memory_space<vmem>>)
        tpu.yield
      }) : () -> ()
      %add3A_35 = arith.constant 1 : i32
      %add3A_36 = arith.addi %add3A_32, %add3A_35 : i32
      "tpu.region"() ({
        %run_scoped3A = tpu.sem_alloc : memref<!tpu.dma_semaphore, #tpu.memory_space<semaphore_mem>>
        %dma_start3A_64 = arith.constant 0 : i32
        %dma_start3A_65 = tpu.memref_slice %arg2[%add3A_36, %dma_start3A_64] : memref<1024x128xi32, #tpu.memory_space<hbm>> -> memref<1x128xi32, #tpu.memory_space<hbm>>
        %dma_start3A_66 = tpu.memref_squeeze %dma_start3A_65 : memref<1x128xi32, #tpu.memory_space<hbm>> -> memref<128xi32, #tpu.memory_space<hbm>>
        %dma_start3A_67 = arith.constant 0 : i32
        %dma_start3A_68 = tpu.memref_slice %arg2[%add3A_36, %dma_start3A_67] : memref<1024x128xi32, #tpu.memory_space<hbm>> -> memref<1x128xi32, #tpu.memory_space<hbm>>
        %dma_start3A_69 = tpu.memref_squeeze %dma_start3A_68 : memref<1x128xi32, #tpu.memory_space<hbm>> -> memref<128xi32, #tpu.memory_space<hbm>>
        tpu.enqueue_dma source(%dma_start3A_69 : memref<128xi32, #tpu.memory_space<hbm>>) target(%arg9 : memref<128xi32, #tpu.memory_space<vmem>>) target_semaphore(%run_scoped3A : memref<!tpu.dma_semaphore, #tpu.memory_space<semaphore_mem>>)
        %dma_wait3A_70 = arith.constant 0 : i32
        %dma_wait3A_71 = tpu.memref_slice %arg2[%add3A_36, %dma_wait3A_70] : memref<1024x128xi32, #tpu.memory_space<hbm>> -> memref<1x128xi32, #tpu.memory_space<hbm>>
        %dma_wait3A_72 = tpu.memref_squeeze %dma_wait3A_71 : memref<1x128xi32, #tpu.memory_space<hbm>> -> memref<128xi32, #tpu.memory_space<hbm>>
        %dma_wait3A_73 = arith.constant 0 : i32
        %dma_wait3A_74 = tpu.memref_slice %arg2[%add3A_36, %dma_wait3A_73] : memref<1024x128xi32, #tpu.memory_space<hbm>> -> memref<1x128xi32, #tpu.memory_space<hbm>>
        %dma_wait3A_75 = tpu.memref_squeeze %dma_wait3A_74 : memref<1x128xi32, #tpu.memory_space<hbm>> -> memref<128xi32, #tpu.memory_space<hbm>>
        tpu.wait_dma2 semaphore(%run_scoped3A : memref<!tpu.dma_semaphore, #tpu.memory_space<semaphore_mem>>) src(%dma_wait3A_75 : memref<128xi32, #tpu.memory_space<hbm>>) dst(%arg9 : memref<128xi32, #tpu.memory_space<vmem>>)
        tpu.yield
      }) : () -> ()
      %dma_start3A_37 = arith.constant 0 : i32
      %dma_start3A_38 = arith.constant 0 : i32
      %dma_start3A_39 = tpu.memref_slice %arg12[%dma_start3A_37, %dma_start3A_38] : memref<256x256xf32, #tpu.memory_space<vmem>> -> memref<128x256xf32, #tpu.memory_space<vmem>>
      %dma_start3A_40 = arith.constant 0 : i32
      %dma_start3A_41 = arith.constant 0 : i32
      %dma_start3A_42 = tpu.memref_slice %arg4[%dma_start3A_40, %dma_start3A_41] : memref<8192x256xf32, #tpu.memory_space<hbm>> -> memref<8192x256xf32, #tpu.memory_space<hbm>>
      tpu.enqueue_indirect_dma source(%dma_start3A_42 : memref<8192x256xf32, #tpu.memory_space<hbm>>) target(%dma_start3A_39 : memref<128x256xf32, #tpu.memory_space<vmem>>) offsets(%arg8 : memref<128xi32, #tpu.memory_space<vmem>>) semaphore(%arg13 : memref<!tpu.dma_semaphore, #tpu.memory_space<semaphore_mem>>)
      %dma_start3A_43 = arith.constant 128 : i32
      %dma_start3A_44 = arith.constant 0 : i32
      %dma_start3A_45 = tpu.memref_slice %arg12[%dma_start3A_43, %dma_start3A_44] : memref<256x256xf32, #tpu.memory_space<vmem>> -> memref<128x256xf32, #tpu.memory_space<vmem>>
      %dma_start3A_46 = arith.constant 0 : i32
      %dma_start3A_47 = arith.constant 0 : i32
      %dma_start3A_48 = tpu.memref_slice %arg4[%dma_start3A_46, %dma_start3A_47] : memref<8192x256xf32, #tpu.memory_space<hbm>> -> memref<8192x256xf32, #tpu.memory_space<hbm>>
      tpu.enqueue_indirect_dma source(%dma_start3A_48 : memref<8192x256xf32, #tpu.memory_space<hbm>>) target(%dma_start3A_45 : memref<128x256xf32, #tpu.memory_space<vmem>>) offsets(%arg9 : memref<128xi32, #tpu.memory_space<vmem>>) semaphore(%arg13 : memref<!tpu.dma_semaphore, #tpu.memory_space<semaphore_mem>>)
      %dma_wait3A_49 = arith.constant 0 : i32
      %dma_wait3A_50 = arith.constant 0 : i32
      %dma_wait3A_51 = tpu.memref_slice %arg12[%dma_wait3A_49, %dma_wait3A_50] : memref<256x256xf32, #tpu.memory_space<vmem>> -> memref<128x256xf32, #tpu.memory_space<vmem>>
      %dma_wait3A_52 = arith.constant 0 : i32
      %dma_wait3A_53 = arith.constant 0 : i32
      %dma_wait3A_54 = tpu.memref_slice %arg4[%dma_wait3A_52, %dma_wait3A_53] : memref<8192x256xf32, #tpu.memory_space<hbm>> -> memref<8192x256xf32, #tpu.memory_space<hbm>>
      tpu.wait_indirect_dma semaphore(%arg13 : memref<!tpu.dma_semaphore, #tpu.memory_space<semaphore_mem>>) src(%dma_wait3A_54 : memref<8192x256xf32, #tpu.memory_space<hbm>>) dst(%dma_wait3A_51 : memref<128x256xf32, #tpu.memory_space<vmem>>)
      %dma_wait3A_55 = arith.constant 128 : i32
      %dma_wait3A_56 = arith.constant 0 : i32
      %dma_wait3A_57 = tpu.memref_slice %arg12[%dma_wait3A_55, %dma_wait3A_56] : memref<256x256xf32, #tpu.memory_space<vmem>> -> memref<128x256xf32, #tpu.memory_space<vmem>>
      %dma_wait3A_58 = arith.constant 0 : i32
      %dma_wait3A_59 = arith.constant 0 : i32
      %dma_wait3A_60 = tpu.memref_slice %arg4[%dma_wait3A_58, %dma_wait3A_59] : memref<8192x256xf32, #tpu.memory_space<hbm>> -> memref<8192x256xf32, #tpu.memory_space<hbm>>
      tpu.wait_indirect_dma semaphore(%arg13 : memref<!tpu.dma_semaphore, #tpu.memory_space<semaphore_mem>>) src(%dma_wait3A_60 : memref<8192x256xf32, #tpu.memory_space<hbm>>) dst(%dma_wait3A_57 : memref<128x256xf32, #tpu.memory_space<vmem>>)
      %mul3A_61 = arith.constant 128 : i32
      %mul3A_62 = arith.muli %add3A_32, %mul3A_61 : i32
      "tpu.region"() ({
        %run_scoped3A = tpu.sem_alloc : memref<!tpu.dma_semaphore, #tpu.memory_space<semaphore_mem>>
        %dma_start3A_64 = arith.constant 0 : i32
        %dma_start3A_65 = tpu.memref_slice %arg6[%mul3A_62, %dma_start3A_64] : memref<131072x256xf32, #tpu.memory_space<hbm>> -> memref<256x256xf32, #tpu.memory_space<hbm>>
        %dma_start3A_66 = arith.constant 0 : i32
        %dma_start3A_67 = tpu.memref_slice %arg6[%mul3A_62, %dma_start3A_66] : memref<131072x256xf32, #tpu.memory_space<hbm>> -> memref<256x256xf32, #tpu.memory_space<hbm>>
        tpu.enqueue_dma source(%arg12 : memref<256x256xf32, #tpu.memory_space<vmem>>) target(%dma_start3A_67 : memref<256x256xf32, #tpu.memory_space<hbm>>) target_semaphore(%run_scoped3A : memref<!tpu.dma_semaphore, #tpu.memory_space<semaphore_mem>>)
        %dma_wait3A_68 = arith.constant 0 : i32
        %dma_wait3A_69 = tpu.memref_slice %arg6[%mul3A_62, %dma_wait3A_68] : memref<131072x256xf32, #tpu.memory_space<hbm>> -> memref<256x256xf32, #tpu.memory_space<hbm>>
        %dma_wait3A_70 = arith.constant 0 : i32
        %dma_wait3A_71 = tpu.memref_slice %arg6[%mul3A_62, %dma_wait3A_70] : memref<131072x256xf32, #tpu.memory_space<hbm>> -> memref<256x256xf32, #tpu.memory_space<hbm>>
        tpu.wait_dma2 semaphore(%run_scoped3A : memref<!tpu.dma_semaphore, #tpu.memory_space<semaphore_mem>>) src(%arg12 : memref<256x256xf32, #tpu.memory_space<vmem>>) dst(%dma_wait3A_71 : memref<256x256xf32, #tpu.memory_space<hbm>>)
        tpu.yield
      }) : () -> ()
      %scan3A_63 = arith.constant 0 : i32
      scf.yield %scan3A_63 : i32
    }
    %scan3A_6 = arith.constant 16 : i32
    %scan3A_7 = arith.constant 0 : i32
    %scan3A_8 = arith.constant 0 : i32
    %mul3A_9 = arith.constant 1 : i32
    %mul3A_10 = arith.muli %add3A, %mul3A_9 : i32
    %add3A_11 = arith.addi %mul3A_10, %scan3A_8 : i32
    "tpu.region"() ({
      %run_scoped3A = tpu.sem_alloc : memref<!tpu.dma_semaphore, #tpu.memory_space<semaphore_mem>>
      %dma_start3A_26 = arith.constant 0 : i32
      %dma_start3A_27 = tpu.memref_slice %arg3[%add3A_11, %dma_start3A_26] : memref<32x128xi32, #tpu.memory_space<hbm>> -> memref<1x128xi32, #tpu.memory_space<hbm>>
      %dma_start3A_28 = tpu.memref_squeeze %dma_start3A_27 : memref<1x128xi32, #tpu.memory_space<hbm>> -> memref<128xi32, #tpu.memory_space<hbm>>
      %dma_start3A_29 = arith.constant 0 : i32
      %dma_start3A_30 = tpu.memref_slice %arg3[%add3A_11, %dma_start3A_29] : memref<32x128xi32, #tpu.memory_space<hbm>> -> memref<1x128xi32, #tpu.memory_space<hbm>>
      %dma_start3A_31 = tpu.memref_squeeze %dma_start3A_30 : memref<1x128xi32, #tpu.memory_space<hbm>> -> memref<128xi32, #tpu.memory_space<hbm>>
      tpu.enqueue_dma source(%dma_start3A_31 : memref<128xi32, #tpu.memory_space<hbm>>) target(%arg8 : memref<128xi32, #tpu.memory_space<vmem>>) target_semaphore(%run_scoped3A : memref<!tpu.dma_semaphore, #tpu.memory_space<semaphore_mem>>)
      %dma_wait3A_32 = arith.constant 0 : i32
      %dma_wait3A_33 = tpu.memref_slice %arg3[%add3A_11, %dma_wait3A_32] : memref<32x128xi32, #tpu.memory_space<hbm>> -> memref<1x128xi32, #tpu.memory_space<hbm>>
      %dma_wait3A_34 = tpu.memref_squeeze %dma_wait3A_33 : memref<1x128xi32, #tpu.memory_space<hbm>> -> memref<128xi32, #tpu.memory_space<hbm>>
      %dma_wait3A_35 = arith.constant 0 : i32
      %dma_wait3A_36 = tpu.memref_slice %arg3[%add3A_11, %dma_wait3A_35] : memref<32x128xi32, #tpu.memory_space<hbm>> -> memref<1x128xi32, #tpu.memory_space<hbm>>
      %dma_wait3A_37 = tpu.memref_squeeze %dma_wait3A_36 : memref<1x128xi32, #tpu.memory_space<hbm>> -> memref<128xi32, #tpu.memory_space<hbm>>
      tpu.wait_dma2 semaphore(%run_scoped3A : memref<!tpu.dma_semaphore, #tpu.memory_space<semaphore_mem>>) src(%dma_wait3A_37 : memref<128xi32, #tpu.memory_space<hbm>>) dst(%arg8 : memref<128xi32, #tpu.memory_space<vmem>>)
      tpu.yield
    }) : () -> ()
    %dma_start3A = arith.constant 0 : i32
    %dma_start3A_12 = arith.constant 0 : i32
    %dma_start3A_13 = tpu.memref_slice %arg12[%dma_start3A, %dma_start3A_12] : memref<256x256xf32, #tpu.memory_space<vmem>> -> memref<128x256xf32, #tpu.memory_space<vmem>>
    %dma_start3A_14 = arith.constant 0 : i32
    %dma_start3A_15 = arith.constant 0 : i32
    %dma_start3A_16 = tpu.memref_slice %arg5[%dma_start3A_14, %dma_start3A_15] : memref<8192x256xf32, #tpu.memory_space<hbm>> -> memref<8192x256xf32, #tpu.memory_space<hbm>>
    tpu.enqueue_indirect_dma source(%dma_start3A_16 : memref<8192x256xf32, #tpu.memory_space<hbm>>) target(%dma_start3A_13 : memref<128x256xf32, #tpu.memory_space<vmem>>) offsets(%arg8 : memref<128xi32, #tpu.memory_space<vmem>>) semaphore(%arg13 : memref<!tpu.dma_semaphore, #tpu.memory_space<semaphore_mem>>)
    %dma_wait3A = arith.constant 0 : i32
    %dma_wait3A_17 = arith.constant 0 : i32
    %dma_wait3A_18 = tpu.memref_slice %arg12[%dma_wait3A, %dma_wait3A_17] : memref<256x256xf32, #tpu.memory_space<vmem>> -> memref<128x256xf32, #tpu.memory_space<vmem>>
    %dma_wait3A_19 = arith.constant 0 : i32
    %dma_wait3A_20 = arith.constant 0 : i32
    %dma_wait3A_21 = tpu.memref_slice %arg5[%dma_wait3A_19, %dma_wait3A_20] : memref<8192x256xf32, #tpu.memory_space<hbm>> -> memref<8192x256xf32, #tpu.memory_space<hbm>>
    tpu.wait_indirect_dma semaphore(%arg13 : memref<!tpu.dma_semaphore, #tpu.memory_space<semaphore_mem>>) src(%dma_wait3A_21 : memref<8192x256xf32, #tpu.memory_space<hbm>>) dst(%dma_wait3A_18 : memref<128x256xf32, #tpu.memory_space<vmem>>)
    %mul3A_22 = arith.constant 128 : i32
    %mul3A_23 = arith.muli %add3A_11, %mul3A_22 : i32
    "tpu.region"() ({
      %run_scoped3A = tpu.sem_alloc : memref<!tpu.dma_semaphore, #tpu.memory_space<semaphore_mem>>
      %dma_start3A_26 = arith.constant 0 : i32
      %dma_start3A_27 = arith.constant 0 : i32
      %dma_start3A_28 = tpu.memref_slice %arg12[%dma_start3A_26, %dma_start3A_27] : memref<256x256xf32, #tpu.memory_space<vmem>> -> memref<128x256xf32, #tpu.memory_space<vmem>>
      %dma_start3A_29 = arith.constant 0 : i32
      %dma_start3A_30 = tpu.memref_slice %arg7[%mul3A_23, %dma_start3A_29] : memref<4096x256xf32, #tpu.memory_space<hbm>> -> memref<128x256xf32, #tpu.memory_space<hbm>>
      %dma_start3A_31 = arith.constant 0 : i32
      %dma_start3A_32 = tpu.memref_slice %arg7[%mul3A_23, %dma_start3A_31] : memref<4096x256xf32, #tpu.memory_space<hbm>> -> memref<128x256xf32, #tpu.memory_space<hbm>>
      %dma_start3A_33 = arith.constant 0 : i32
      %dma_start3A_34 = arith.constant 0 : i32
      %dma_start3A_35 = tpu.memref_slice %arg12[%dma_start3A_33, %dma_start3A_34] : memref<256x256xf32, #tpu.memory_space<vmem>> -> memref<128x256xf32, #tpu.memory_space<vmem>>
      tpu.enqueue_dma source(%dma_start3A_35 : memref<128x256xf32, #tpu.memory_space<vmem>>) target(%dma_start3A_32 : memref<128x256xf32, #tpu.memory_space<hbm>>) target_semaphore(%run_scoped3A : memref<!tpu.dma_semaphore, #tpu.memory_space<semaphore_mem>>)
      %dma_wait3A_36 = arith.constant 0 : i32
      %dma_wait3A_37 = arith.constant 0 : i32
      %dma_wait3A_38 = tpu.memref_slice %arg12[%dma_wait3A_36, %dma_wait3A_37] : memref<256x256xf32, #tpu.memory_space<vmem>> -> memref<128x256xf32, #tpu.memory_space<vmem>>
      %dma_wait3A_39 = arith.constant 0 : i32
      %dma_wait3A_40 = tpu.memref_slice %arg7[%mul3A_23, %dma_wait3A_39] : memref<4096x256xf32, #tpu.memory_space<hbm>> -> memref<128x256xf32, #tpu.memory_space<hbm>>
      %dma_wait3A_41 = arith.constant 0 : i32
      %dma_wait3A_42 = tpu.memref_slice %arg7[%mul3A_23, %dma_wait3A_41] : memref<4096x256xf32, #tpu.memory_space<hbm>> -> memref<128x256xf32, #tpu.memory_space<hbm>>
      %dma_wait3A_43 = arith.constant 0 : i32
      %dma_wait3A_44 = arith.constant 0 : i32
      %dma_wait3A_45 = tpu.memref_slice %arg12[%dma_wait3A_43, %dma_wait3A_44] : memref<256x256xf32, #tpu.memory_space<vmem>> -> memref<128x256xf32, #tpu.memory_space<vmem>>
      tpu.wait_dma2 semaphore(%run_scoped3A : memref<!tpu.dma_semaphore, #tpu.memory_space<semaphore_mem>>) src(%dma_wait3A_45 : memref<128x256xf32, #tpu.memory_space<vmem>>) dst(%dma_wait3A_42 : memref<128x256xf32, #tpu.memory_space<hbm>>)
      tpu.yield
    }) : () -> ()
    %scan3A_24 = arith.constant 0 : i32
    %scan3A_25 = arith.constant 1 : i32
    return
  }
}

module attributes {stable_mosaic.version = 14 : i64} {
  func.func @_fps_body(%arg0: memref<16x1024xf32, #tpu.memory_space<vmem>>, %arg1: memref<16x1024xf32, #tpu.memory_space<vmem>>, %arg2: memref<16x1024xf32, #tpu.memory_space<vmem>>, %arg3: memref<512x16xi32, #tpu.memory_space<vmem>>, %arg4: memref<512x16xf32, #tpu.memory_space<vmem>>, %arg5: memref<512x16xf32, #tpu.memory_space<vmem>>, %arg6: memref<512x16xf32, #tpu.memory_space<vmem>>) attributes {dimension_semantics = [], scalar_prefetch = 0 : i64, scratch_operands = 0 : i64, tpu.core_type = #tpu.core_type<tc>} {
    %get3A = arith.constant 0 : index
    %get3A_0 = arith.constant 0 : index
    %get3A_1 = vector.load %arg0[%get3A, %get3A_0] : memref<16x1024xf32, #tpu.memory_space<vmem>>, vector<16x1024xf32>
    %get3A_2 = arith.constant 0 : index
    %get3A_3 = arith.constant 0 : index
    %get3A_4 = vector.load %arg1[%get3A_2, %get3A_3] : memref<16x1024xf32, #tpu.memory_space<vmem>>, vector<16x1024xf32>
    %get3A_5 = arith.constant 0 : index
    %get3A_6 = arith.constant 0 : index
    %get3A_7 = vector.load %arg2[%get3A_5, %get3A_6] : memref<16x1024xf32, #tpu.memory_space<vmem>>, vector<16x1024xf32>
    %iota3A = tpu.iota {dimensions = array<i32: 1>} : vector<16x1024xi32>
    %broadcast_in_dim3A = arith.constant 1.000000e+10 : f32
    %broadcast_in_dim3A_8 = vector.broadcast %broadcast_in_dim3A : f32 to vector<16x1024xf32>
    %broadcast_in_dim3A_9 = arith.constant 0 : i32
    %broadcast_in_dim3A_10 = vector.broadcast %broadcast_in_dim3A_9 : i32 to vector<16x1xi32>
    %scan3A = arith.constant 0 : i32
    %scan3A_11 = arith.constant 512 : i32
    %scan3A_12 = arith.addi %scan3A, %scan3A_11 : i32
    %scan3A_13 = arith.constant 1 : i32
    %scan3A_14:2 = scf.for %scan3A_16 = %scan3A to %scan3A_12 step %scan3A_13 iter_args(%scan3A_17 = %broadcast_in_dim3A_8, %scan3A_18 = %broadcast_in_dim3A_10) -> (vector<16x1024xf32>, vector<16x1xi32>)  : i32 {
      %eq3A = vector.broadcast %scan3A_18 : vector<16x1xi32> to vector<16x1024xi32>
      %eq3A_19 = arith.cmpi eq, %iota3A, %eq3A : vector<16x1024xi32>
      %jit3A = arith.constant 0.000000e+00 : f32
      %broadcast_in_dim3A_20 = vector.broadcast %jit3A : f32 to vector<16x1024xf32>
      %select_n3A = arith.select %eq3A_19, %get3A_1, %broadcast_in_dim3A_20 : vector<16x1024xi1>, vector<16x1024xf32>
      %reduce_sum3A = arith.constant dense<0.000000e+00> : vector<16xf32>
      %reduce_sum3A_21 = vector.multi_reduction <add>, %select_n3A, %reduce_sum3A [1] : vector<16x1024xf32> to vector<16xf32>
      %broadcast_in_dim3A_22 = vector.shape_cast %reduce_sum3A_21 : vector<16xf32> to vector<16x1xf32>
      %jit3A_23 = arith.constant 0.000000e+00 : f32
      %broadcast_in_dim3A_24 = vector.broadcast %jit3A_23 : f32 to vector<16x1024xf32>
      %select_n3A_25 = arith.select %eq3A_19, %get3A_4, %broadcast_in_dim3A_24 : vector<16x1024xi1>, vector<16x1024xf32>
      %reduce_sum3A_26 = arith.constant dense<0.000000e+00> : vector<16xf32>
      %reduce_sum3A_27 = vector.multi_reduction <add>, %select_n3A_25, %reduce_sum3A_26 [1] : vector<16x1024xf32> to vector<16xf32>
      %broadcast_in_dim3A_28 = vector.shape_cast %reduce_sum3A_27 : vector<16xf32> to vector<16x1xf32>
      %jit3A_29 = arith.constant 0.000000e+00 : f32
      %broadcast_in_dim3A_30 = vector.broadcast %jit3A_29 : f32 to vector<16x1024xf32>
      %select_n3A_31 = arith.select %eq3A_19, %get3A_7, %broadcast_in_dim3A_30 : vector<16x1024xi1>, vector<16x1024xf32>
      %reduce_sum3A_32 = arith.constant dense<0.000000e+00> : vector<16xf32>
      %reduce_sum3A_33 = vector.multi_reduction <add>, %select_n3A_31, %reduce_sum3A_32 [1] : vector<16x1024xf32> to vector<16xf32>
      %broadcast_in_dim3A_34 = vector.shape_cast %reduce_sum3A_33 : vector<16xf32> to vector<16x1xf32>
      %reshape3A = vector.shape_cast %scan3A_18 : vector<16x1xi32> to vector<1x16xi32>
      %swap3A = arith.index_cast %scan3A_16 : i32 to index
      %swap3A_35 = arith.constant 0 : index
      %swap3A_36 = vector.load %arg3[%swap3A, %swap3A_35] : memref<512x16xi32, #tpu.memory_space<vmem>>, vector<1x16xi32>
      tpu.vector_store %arg3[%swap3A, %swap3A_35], %reshape3A {strides = array<i32>} : memref<512x16xi32, #tpu.memory_space<vmem>>, vector<1x16xi32>,
      %reshape3A_37 = vector.shape_cast %broadcast_in_dim3A_22 : vector<16x1xf32> to vector<1x16xf32>
      %swap3A_38 = arith.index_cast %scan3A_16 : i32 to index
      %swap3A_39 = arith.constant 0 : index
      %swap3A_40 = vector.load %arg4[%swap3A_38, %swap3A_39] : memref<512x16xf32, #tpu.memory_space<vmem>>, vector<1x16xf32>
      tpu.vector_store %arg4[%swap3A_38, %swap3A_39], %reshape3A_37 {strides = array<i32>} : memref<512x16xf32, #tpu.memory_space<vmem>>, vector<1x16xf32>,
      %reshape3A_41 = vector.shape_cast %broadcast_in_dim3A_28 : vector<16x1xf32> to vector<1x16xf32>
      %swap3A_42 = arith.index_cast %scan3A_16 : i32 to index
      %swap3A_43 = arith.constant 0 : index
      %swap3A_44 = vector.load %arg5[%swap3A_42, %swap3A_43] : memref<512x16xf32, #tpu.memory_space<vmem>>, vector<1x16xf32>
      tpu.vector_store %arg5[%swap3A_42, %swap3A_43], %reshape3A_41 {strides = array<i32>} : memref<512x16xf32, #tpu.memory_space<vmem>>, vector<1x16xf32>,
      %reshape3A_45 = vector.shape_cast %broadcast_in_dim3A_34 : vector<16x1xf32> to vector<1x16xf32>
      %swap3A_46 = arith.index_cast %scan3A_16 : i32 to index
      %swap3A_47 = arith.constant 0 : index
      %swap3A_48 = vector.load %arg6[%swap3A_46, %swap3A_47] : memref<512x16xf32, #tpu.memory_space<vmem>>, vector<1x16xf32>
      tpu.vector_store %arg6[%swap3A_46, %swap3A_47], %reshape3A_45 {strides = array<i32>} : memref<512x16xf32, #tpu.memory_space<vmem>>, vector<1x16xf32>,
      %sub3A = vector.broadcast %broadcast_in_dim3A_22 : vector<16x1xf32> to vector<16x1024xf32>
      %sub3A_49 = arith.subf %get3A_1, %sub3A : vector<16x1024xf32>
      %integer_pow3A = arith.mulf %sub3A_49, %sub3A_49 : vector<16x1024xf32>
      %sub3A_50 = vector.broadcast %broadcast_in_dim3A_28 : vector<16x1xf32> to vector<16x1024xf32>
      %sub3A_51 = arith.subf %get3A_4, %sub3A_50 : vector<16x1024xf32>
      %integer_pow3A_52 = arith.mulf %sub3A_51, %sub3A_51 : vector<16x1024xf32>
      %add3A = arith.addf %integer_pow3A, %integer_pow3A_52 : vector<16x1024xf32>
      %sub3A_53 = vector.broadcast %broadcast_in_dim3A_34 : vector<16x1xf32> to vector<16x1024xf32>
      %sub3A_54 = arith.subf %get3A_7, %sub3A_53 : vector<16x1024xf32>
      %integer_pow3A_55 = arith.mulf %sub3A_54, %sub3A_54 : vector<16x1024xf32>
      %add3A_56 = arith.addf %add3A, %integer_pow3A_55 : vector<16x1024xf32>
      %min3A = arith.minimumf %scan3A_17, %add3A_56 : vector<16x1024xf32>
      %reduce_max3A = arith.constant dense<0xFF800000> : vector<16xf32>
      %reduce_max3A_57 = vector.multi_reduction <maximumf>, %min3A, %reduce_max3A [1] : vector<16x1024xf32> to vector<16xf32>
      %broadcast_in_dim3A_58 = vector.shape_cast %reduce_max3A_57 : vector<16xf32> to vector<16x1xf32>
      %eq3A_59 = vector.broadcast %broadcast_in_dim3A_58 : vector<16x1xf32> to vector<16x1024xf32>
      %eq3A_60 = arith.cmpf oeq, %min3A, %eq3A_59 : vector<16x1024xf32>
      %jit3A_61 = arith.constant 1024 : i32
      %broadcast_in_dim3A_62 = vector.broadcast %jit3A_61 : i32 to vector<16x1024xi32>
      %select_n3A_63 = arith.select %eq3A_60, %iota3A, %broadcast_in_dim3A_62 : vector<16x1024xi1>, vector<16x1024xi32>
      %reduce_min3A = arith.constant dense<2147483647> : vector<16xi32>
      %reduce_min3A_64 = vector.multi_reduction <minsi>, %select_n3A_63, %reduce_min3A [1] : vector<16x1024xi32> to vector<16xi32>
      %broadcast_in_dim3A_65 = vector.shape_cast %reduce_min3A_64 : vector<16xi32> to vector<16x1xi32>
      scf.yield %min3A, %broadcast_in_dim3A_65 : vector<16x1024xf32>, vector<16x1xi32>
    }
    %scan3A_15 = arith.constant 512 : i32
    return
  }
}

module attributes {stable_mosaic.version = 14 : i64} {
  func.func @_knn_body(%arg0: i32, %arg1: memref<512x3xf32, #tpu.memory_space<vmem>>, %arg2: memref<1x3x1024xf32, #tpu.memory_space<vmem>>, %arg3: memref<512x32xi32, #tpu.memory_space<vmem>>) attributes {dimension_semantics = [#tpu.dimension_semantics<arbitrary>], iteration_bounds = array<i64: 16>, scalar_prefetch = 0 : i64, scratch_operands = 0 : i64, tpu.core_type = #tpu.core_type<tc>, window_params = [{transform_indices = @transform_0, window_bounds = array<i64: 512, 3>}, {transform_indices = @transform_1, window_bounds = array<i64: 1, 3, 1024>}, {transform_indices = @transform_2, window_bounds = array<i64: 512, 32>}]} {
    %get3A = arith.constant 0 : index
    %get3A_0 = arith.constant 0 : index
    %get3A_1 = vector.load %arg1[%get3A, %get3A_0] : memref<512x3xf32, #tpu.memory_space<vmem>>, vector<512x3xf32>
    %get3A_2 = arith.constant 0 : index
    %get3A_3 = arith.constant 0 : index
    %get3A_4 = arith.constant 0 : index
    %get3A_5 = vector.load %arg2[%get3A_2, %get3A_3, %get3A_4] : memref<1x3x1024xf32, #tpu.memory_space<vmem>>, vector<1x3x1024xf32>
    %get3A_6 = vector.shape_cast %get3A_5 : vector<1x3x1024xf32> to vector<3x1024xf32>
    %mul3A = arith.mulf %get3A_1, %get3A_1 : vector<512x3xf32>
    %reduce_sum3A = arith.constant dense<0.000000e+00> : vector<512xf32>
    %reduce_sum3A_7 = vector.multi_reduction <add>, %mul3A, %reduce_sum3A [1] : vector<512x3xf32> to vector<512xf32>
    %broadcast_in_dim3A = vector.shape_cast %reduce_sum3A_7 : vector<512xf32> to vector<512x1xf32>
    %mul3A_8 = arith.mulf %get3A_6, %get3A_6 : vector<3x1024xf32>
    %reduce_sum3A_9 = arith.constant dense<0.000000e+00> : vector<1024xf32>
    %reduce_sum3A_10 = vector.multi_reduction <add>, %mul3A_8, %reduce_sum3A_9 [0] : vector<3x1024xf32> to vector<1024xf32>
    %broadcast_in_dim3A_11 = vector.shape_cast %reduce_sum3A_10 : vector<1024xf32> to vector<1x1024xf32>
    %dot_general3A = arith.constant dense<0.000000e+00> : vector<512x1024xf32>
    %dot_general3A_12 = tpu.matmul %get3A_1, %get3A_6, %dot_general3A {dimension_numbers = #tpu.dot_dimension_numbers<[1], [0], [0], [1], [0, 0, 1, 1], [], []>, transpose_lhs_hint = false} : vector<512x3xf32>, vector<3x1024xf32>, vector<512x1024xf32> -> vector<512x1024xf32>
    %mul3A_13 = arith.constant -2.000000e+00 : f32
    %mul3A_14 = vector.broadcast %mul3A_13 : f32 to vector<512x1024xf32>
    %mul3A_15 = arith.mulf %mul3A_14, %dot_general3A_12 : vector<512x1024xf32>
    %add3A = vector.broadcast %broadcast_in_dim3A : vector<512x1xf32> to vector<512x1024xf32>
    %add3A_16 = arith.addf %mul3A_15, %add3A : vector<512x1024xf32>
    %add3A_17 = vector.broadcast %broadcast_in_dim3A_11 : vector<1x1024xf32> to vector<512x1024xf32>
    %add3A_18 = arith.addf %add3A_16, %add3A_17 : vector<512x1024xf32>
    %iota3A = tpu.iota {dimensions = array<i32: 1>} : vector<512x1024xi32>
    %convert_element_type3A = arith.sitofp %iota3A : vector<512x1024xi32> to vector<512x1024xf32>
    %iota3A_19 = tpu.iota {dimensions = array<i32: 1>} : vector<512x32xi32>
    %broadcast_in_dim3A_20 = arith.constant 0 : i32
    %broadcast_in_dim3A_21 = vector.broadcast %broadcast_in_dim3A_20 : i32 to vector<512x32xi32>
    %scan3A = arith.constant 1.000000e+09 : f32
    %scan3A_22 = arith.constant 3.000000e+38 : f32
    %scan3A_23 = arith.constant 0 : i32
    %scan3A_24 = arith.constant 32 : i32
    %scan3A_25 = arith.addi %scan3A_23, %scan3A_24 : i32
    %scan3A_26 = arith.constant 1 : i32
    %scan3A_27:2 = scf.for %scan3A_35 = %scan3A_23 to %scan3A_25 step %scan3A_26 iter_args(%scan3A_36 = %add3A_18, %scan3A_37 = %broadcast_in_dim3A_21) -> (vector<512x1024xf32>, vector<512x32xi32>)  : i32 {
      %reduce_min3A = arith.constant dense<0x7F800000> : vector<512xf32>
      %reduce_min3A_38 = vector.multi_reduction <minimumf>, %scan3A_36, %reduce_min3A [1] : vector<512x1024xf32> to vector<512xf32>
      %broadcast_in_dim3A_39 = vector.shape_cast %reduce_min3A_38 : vector<512xf32> to vector<512x1xf32>
      %eq3A = vector.broadcast %broadcast_in_dim3A_39 : vector<512x1xf32> to vector<512x1024xf32>
      %eq3A_40 = arith.cmpf oeq, %scan3A_36, %eq3A : vector<512x1024xf32>
      %broadcast_in_dim3A_41 = vector.broadcast %scan3A : f32 to vector<512x1024xf32>
      %select_n3A = arith.select %eq3A_40, %convert_element_type3A, %broadcast_in_dim3A_41 : vector<512x1024xi1>, vector<512x1024xf32>
      %reduce_min3A_42 = arith.constant dense<0x7F800000> : vector<512xf32>
      %reduce_min3A_43 = vector.multi_reduction <minimumf>, %select_n3A, %reduce_min3A_42 [1] : vector<512x1024xf32> to vector<512xf32>
      %broadcast_in_dim3A_44 = vector.shape_cast %reduce_min3A_43 : vector<512xf32> to vector<512x1xf32>
      %eq3A_45 = vector.broadcast %broadcast_in_dim3A_44 : vector<512x1xf32> to vector<512x1024xf32>
      %eq3A_46 = arith.cmpf oeq, %select_n3A, %eq3A_45 : vector<512x1024xf32>
      %broadcast_in_dim3A_47 = vector.broadcast %scan3A_22 : f32 to vector<512x1024xf32>
      %select_n3A_48 = arith.select %eq3A_46, %broadcast_in_dim3A_47, %scan3A_36 : vector<512x1024xi1>, vector<512x1024xf32>
      %eq3A_49 = vector.broadcast %scan3A_35 : i32 to vector<512x32xi32>
      %eq3A_50 = arith.cmpi eq, %iota3A_19, %eq3A_49 : vector<512x32xi32>
      %convert_element_type3A_51 = arith.fptosi %broadcast_in_dim3A_44 : vector<512x1xf32> to vector<512x1xi32>
      %broadcast_in_dim3A_52 = vector.shape_cast %convert_element_type3A_51 : vector<512x1xi32> to vector<512x1xi32>
      %broadcast_in_dim3A_53 = vector.broadcast %broadcast_in_dim3A_52 : vector<512x1xi32> to vector<512x32xi32>
      %select_n3A_54 = arith.select %eq3A_50, %broadcast_in_dim3A_53, %scan3A_37 : vector<512x32xi1>, vector<512x32xi32>
      scf.yield %select_n3A_48, %select_n3A_54 : vector<512x1024xf32>, vector<512x32xi32>
    }
    %scan3A_28 = arith.constant 32 : i32
    %mul3A_29 = arith.constant 1024 : i32
    %mul3A_30 = arith.muli %arg0, %mul3A_29 : i32
    %add3A_31 = vector.broadcast %mul3A_30 : i32 to vector<512x32xi32>
    %add3A_32 = arith.addi %scan3A_27#1, %add3A_31 : vector<512x32xi32>
    %swap3A = arith.constant 0 : index
    %swap3A_33 = arith.constant 0 : index
    %swap3A_34 = vector.load %arg3[%swap3A, %swap3A_33] : memref<512x32xi32, #tpu.memory_space<vmem>>, vector<512x32xi32>
    tpu.vector_store %arg3[%swap3A, %swap3A_33], %add3A_32 {strides = array<i32>} : memref<512x32xi32, #tpu.memory_space<vmem>>, vector<512x32xi32>,
    return
  }
  func.func @transform_0(%arg0: i32) -> (i32, i32) {
    %c0_i32 = arith.constant 0 : i32
    %c0_i32_0 = arith.constant 0 : i32
    return %arg0, %c0_i32 : i32, i32
  }
  func.func @transform_1(%arg0: i32) -> (i32, i32, i32) {
    %c0_i32 = arith.constant 0 : i32
    %c0_i32_0 = arith.constant 0 : i32
    %c0_i32_1 = arith.constant 0 : i32
    return %arg0, %c0_i32, %c0_i32_0 : i32, i32, i32
  }
  func.func @transform_2(%arg0: i32) -> (i32, i32) {
    %c0_i32 = arith.constant 0 : i32
    %c0_i32_0 = arith.constant 0 : i32
    return %arg0, %c0_i32 : i32, i32
  }
}

module attributes {stable_mosaic.version = 14 : i64} {
  func.func @_d0_body(%arg0: memref<16384x3xf32, #tpu.memory_space<vmem>>, %arg1: memref<64x3xf32, #tpu.memory_space<vmem>>, %arg2: memref<1x64xf32, #tpu.memory_space<vmem>>, %arg3: memref<1x64xf32, #tpu.memory_space<vmem>>, %arg4: memref<64x64xf32, #tpu.memory_space<vmem>>, %arg5: memref<1x64xf32, #tpu.memory_space<vmem>>, %arg6: memref<1x64xf32, #tpu.memory_space<vmem>>, %arg7: memref<128x64xf32, #tpu.memory_space<vmem>>, %arg8: memref<128x128xf32, #tpu.memory_space<vmem>>, %arg9: memref<16384x128xf32, #tpu.memory_space<vmem>>, %arg10: memref<16384x128xf32, #tpu.memory_space<vmem>>) attributes {dimension_semantics = [], scalar_prefetch = 0 : i64, scratch_operands = 0 : i64, tpu.core_type = #tpu.core_type<tc>} {
    %get3A = arith.constant 0 : index
    %get3A_0 = arith.constant 0 : index
    %get3A_1 = vector.load %arg0[%get3A, %get3A_0] : memref<16384x3xf32, #tpu.memory_space<vmem>>, vector<16384x3xf32>
    %get3A_2 = arith.constant 0 : index
    %get3A_3 = arith.constant 0 : index
    %get3A_4 = vector.load %arg1[%get3A_2, %get3A_3] : memref<64x3xf32, #tpu.memory_space<vmem>>, vector<64x3xf32>
    %dot_general3A = arith.constant dense<0.000000e+00> : vector<16384x64xf32>
    %dot_general3A_5 = tpu.matmul %get3A_1, %get3A_4, %dot_general3A {dimension_numbers = #tpu.dot_dimension_numbers<[1], [1], [0], [0], [0, 0, 1, 0], [], []>, transpose_lhs_hint = false} : vector<16384x3xf32>, vector<64x3xf32>, vector<16384x64xf32> -> vector<16384x64xf32>
    %reduce_sum3A = arith.constant dense<0.000000e+00> : vector<64xf32>
    %reduce_sum3A_6 = vector.multi_reduction <add>, %dot_general3A_5, %reduce_sum3A [0] : vector<16384x64xf32> to vector<64xf32>
    %broadcast_in_dim3A = vector.shape_cast %reduce_sum3A_6 : vector<64xf32> to vector<1x64xf32>
    %div3A = arith.constant 1.638400e+04 : f32
    %div3A_7 = vector.broadcast %div3A : f32 to vector<1x64xf32>
    %div3A_8 = arith.divf %broadcast_in_dim3A, %div3A_7 : vector<1x64xf32>
    %sub3A = vector.broadcast %div3A_8 : vector<1x64xf32> to vector<16384x64xf32>
    %sub3A_9 = arith.subf %dot_general3A_5, %sub3A : vector<16384x64xf32>
    %integer_pow3A = arith.mulf %sub3A_9, %sub3A_9 : vector<16384x64xf32>
    %reduce_sum3A_10 = arith.constant dense<0.000000e+00> : vector<64xf32>
    %reduce_sum3A_11 = vector.multi_reduction <add>, %integer_pow3A, %reduce_sum3A_10 [0] : vector<16384x64xf32> to vector<64xf32>
    %broadcast_in_dim3A_12 = vector.shape_cast %reduce_sum3A_11 : vector<64xf32> to vector<1x64xf32>
    %div3A_13 = arith.constant 1.638400e+04 : f32
    %div3A_14 = vector.broadcast %div3A_13 : f32 to vector<1x64xf32>
    %div3A_15 = arith.divf %broadcast_in_dim3A_12, %div3A_14 : vector<1x64xf32>
    %sub3A_16 = vector.broadcast %div3A_8 : vector<1x64xf32> to vector<16384x64xf32>
    %sub3A_17 = arith.subf %dot_general3A_5, %sub3A_16 : vector<16384x64xf32>
    %add3A = arith.constant 9.99999974E-6 : f32
    %add3A_18 = vector.broadcast %add3A : f32 to vector<1x64xf32>
    %add3A_19 = arith.addf %div3A_15, %add3A_18 : vector<1x64xf32>
    %sqrt3A = math.sqrt %add3A_19 : vector<1x64xf32>
    %div3A_20 = vector.broadcast %sqrt3A : vector<1x64xf32> to vector<16384x64xf32>
    %div3A_21 = arith.divf %sub3A_17, %div3A_20 : vector<16384x64xf32>
    %get3A_22 = arith.constant 0 : index
    %get3A_23 = arith.constant 0 : index
    %get3A_24 = vector.load %arg2[%get3A_22, %get3A_23] : memref<1x64xf32, #tpu.memory_space<vmem>>, vector<1x64xf32>
    %mul3A = vector.broadcast %get3A_24 : vector<1x64xf32> to vector<16384x64xf32>
    %mul3A_25 = arith.mulf %div3A_21, %mul3A : vector<16384x64xf32>
    %get3A_26 = arith.constant 0 : index
    %get3A_27 = arith.constant 0 : index
    %get3A_28 = vector.load %arg3[%get3A_26, %get3A_27] : memref<1x64xf32, #tpu.memory_space<vmem>>, vector<1x64xf32>
    %add3A_29 = vector.broadcast %get3A_28 : vector<1x64xf32> to vector<16384x64xf32>
    %add3A_30 = arith.addf %mul3A_25, %add3A_29 : vector<16384x64xf32>
    %max3A = arith.constant 0.000000e+00 : f32
    %max3A_31 = vector.broadcast %max3A : f32 to vector<16384x64xf32>
    %max3A_32 = arith.maximumf %add3A_30, %max3A_31 : vector<16384x64xf32>
    %get3A_33 = arith.constant 0 : index
    %get3A_34 = arith.constant 0 : index
    %get3A_35 = vector.load %arg4[%get3A_33, %get3A_34] : memref<64x64xf32, #tpu.memory_space<vmem>>, vector<64x64xf32>
    %dot_general3A_36 = arith.constant dense<0.000000e+00> : vector<16384x64xf32>
    %dot_general3A_37 = tpu.matmul %max3A_32, %get3A_35, %dot_general3A_36 {dimension_numbers = #tpu.dot_dimension_numbers<[1], [1], [0], [0], [0, 0, 1, 0], [], []>, transpose_lhs_hint = false} : vector<16384x64xf32>, vector<64x64xf32>, vector<16384x64xf32> -> vector<16384x64xf32>
    %reduce_sum3A_38 = arith.constant dense<0.000000e+00> : vector<64xf32>
    %reduce_sum3A_39 = vector.multi_reduction <add>, %dot_general3A_37, %reduce_sum3A_38 [0] : vector<16384x64xf32> to vector<64xf32>
    %broadcast_in_dim3A_40 = vector.shape_cast %reduce_sum3A_39 : vector<64xf32> to vector<1x64xf32>
    %div3A_41 = arith.constant 1.638400e+04 : f32
    %div3A_42 = vector.broadcast %div3A_41 : f32 to vector<1x64xf32>
    %div3A_43 = arith.divf %broadcast_in_dim3A_40, %div3A_42 : vector<1x64xf32>
    %sub3A_44 = vector.broadcast %div3A_43 : vector<1x64xf32> to vector<16384x64xf32>
    %sub3A_45 = arith.subf %dot_general3A_37, %sub3A_44 : vector<16384x64xf32>
    %integer_pow3A_46 = arith.mulf %sub3A_45, %sub3A_45 : vector<16384x64xf32>
    %reduce_sum3A_47 = arith.constant dense<0.000000e+00> : vector<64xf32>
    %reduce_sum3A_48 = vector.multi_reduction <add>, %integer_pow3A_46, %reduce_sum3A_47 [0] : vector<16384x64xf32> to vector<64xf32>
    %broadcast_in_dim3A_49 = vector.shape_cast %reduce_sum3A_48 : vector<64xf32> to vector<1x64xf32>
    %div3A_50 = arith.constant 1.638400e+04 : f32
    %div3A_51 = vector.broadcast %div3A_50 : f32 to vector<1x64xf32>
    %div3A_52 = arith.divf %broadcast_in_dim3A_49, %div3A_51 : vector<1x64xf32>
    %sub3A_53 = vector.broadcast %div3A_43 : vector<1x64xf32> to vector<16384x64xf32>
    %sub3A_54 = arith.subf %dot_general3A_37, %sub3A_53 : vector<16384x64xf32>
    %add3A_55 = arith.constant 9.99999974E-6 : f32
    %add3A_56 = vector.broadcast %add3A_55 : f32 to vector<1x64xf32>
    %add3A_57 = arith.addf %div3A_52, %add3A_56 : vector<1x64xf32>
    %sqrt3A_58 = math.sqrt %add3A_57 : vector<1x64xf32>
    %div3A_59 = vector.broadcast %sqrt3A_58 : vector<1x64xf32> to vector<16384x64xf32>
    %div3A_60 = arith.divf %sub3A_54, %div3A_59 : vector<16384x64xf32>
    %get3A_61 = arith.constant 0 : index
    %get3A_62 = arith.constant 0 : index
    %get3A_63 = vector.load %arg5[%get3A_61, %get3A_62] : memref<1x64xf32, #tpu.memory_space<vmem>>, vector<1x64xf32>
    %mul3A_64 = vector.broadcast %get3A_63 : vector<1x64xf32> to vector<16384x64xf32>
    %mul3A_65 = arith.mulf %div3A_60, %mul3A_64 : vector<16384x64xf32>
    %get3A_66 = arith.constant 0 : index
    %get3A_67 = arith.constant 0 : index
    %get3A_68 = vector.load %arg6[%get3A_66, %get3A_67] : memref<1x64xf32, #tpu.memory_space<vmem>>, vector<1x64xf32>
    %add3A_69 = vector.broadcast %get3A_68 : vector<1x64xf32> to vector<16384x64xf32>
    %add3A_70 = arith.addf %mul3A_65, %add3A_69 : vector<16384x64xf32>
    %max3A_71 = arith.constant 0.000000e+00 : f32
    %max3A_72 = vector.broadcast %max3A_71 : f32 to vector<16384x64xf32>
    %max3A_73 = arith.maximumf %add3A_70, %max3A_72 : vector<16384x64xf32>
    %get3A_74 = arith.constant 0 : index
    %get3A_75 = arith.constant 0 : index
    %get3A_76 = vector.load %arg7[%get3A_74, %get3A_75] : memref<128x64xf32, #tpu.memory_space<vmem>>, vector<128x64xf32>
    %get3A_77 = arith.constant 0 : index
    %get3A_78 = arith.constant 0 : index
    %get3A_79 = vector.load %arg8[%get3A_77, %get3A_78] : memref<128x128xf32, #tpu.memory_space<vmem>>, vector<128x128xf32>
    %slice3A = vector.extract_strided_slice %get3A_79 {offsets = [0, 64], sizes = [128, 64], strides = [1, 1]} : vector<128x128xf32> to vector<128x64xf32>
    %dot_general3A_80 = arith.constant dense<0.000000e+00> : vector<16384x128xf32>
    %dot_general3A_81 = tpu.matmul %max3A_73, %get3A_76, %dot_general3A_80 {dimension_numbers = #tpu.dot_dimension_numbers<[1], [1], [0], [0], [0, 0, 1, 0], [], []>, transpose_lhs_hint = false} : vector<16384x64xf32>, vector<128x64xf32>, vector<16384x128xf32> -> vector<16384x128xf32>
    %swap3A = arith.constant 0 : index
    %swap3A_82 = arith.constant 0 : index
    %swap3A_83 = vector.load %arg9[%swap3A, %swap3A_82] : memref<16384x128xf32, #tpu.memory_space<vmem>>, vector<16384x128xf32>
    tpu.vector_store %arg9[%swap3A, %swap3A_82], %dot_general3A_81 {strides = array<i32>} : memref<16384x128xf32, #tpu.memory_space<vmem>>, vector<16384x128xf32>,
    %sub3A_84 = arith.subf %slice3A, %get3A_76 : vector<128x64xf32>
    %dot_general3A_85 = arith.constant dense<0.000000e+00> : vector<16384x128xf32>
    %dot_general3A_86 = tpu.matmul %max3A_73, %sub3A_84, %dot_general3A_85 {dimension_numbers = #tpu.dot_dimension_numbers<[1], [1], [0], [0], [0, 0, 1, 0], [], []>, transpose_lhs_hint = false} : vector<16384x64xf32>, vector<128x64xf32>, vector<16384x128xf32> -> vector<16384x128xf32>
    %swap3A_87 = arith.constant 0 : index
    %swap3A_88 = arith.constant 0 : index
    %swap3A_89 = vector.load %arg10[%swap3A_87, %swap3A_88] : memref<16384x128xf32, #tpu.memory_space<vmem>>, vector<16384x128xf32>
    tpu.vector_store %arg10[%swap3A_87, %swap3A_88], %dot_general3A_86 {strides = array<i32>} : memref<16384x128xf32, #tpu.memory_space<vmem>>, vector<16384x128xf32>,
    return
  }
}

module attributes {stable_mosaic.version = 14 : i64} {
  func.func @_fps_body(%arg0: memref<16x512xf32, #tpu.memory_space<vmem>>, %arg1: memref<16x512xf32, #tpu.memory_space<vmem>>, %arg2: memref<16x512xf32, #tpu.memory_space<vmem>>, %arg3: memref<256x16xi32, #tpu.memory_space<vmem>>, %arg4: memref<256x16xf32, #tpu.memory_space<vmem>>, %arg5: memref<256x16xf32, #tpu.memory_space<vmem>>, %arg6: memref<256x16xf32, #tpu.memory_space<vmem>>) attributes {dimension_semantics = [], scalar_prefetch = 0 : i64, scratch_operands = 0 : i64, tpu.core_type = #tpu.core_type<tc>} {
    %get3A = arith.constant 0 : index
    %get3A_0 = arith.constant 0 : index
    %get3A_1 = vector.load %arg0[%get3A, %get3A_0] : memref<16x512xf32, #tpu.memory_space<vmem>>, vector<16x512xf32>
    %get3A_2 = arith.constant 0 : index
    %get3A_3 = arith.constant 0 : index
    %get3A_4 = vector.load %arg1[%get3A_2, %get3A_3] : memref<16x512xf32, #tpu.memory_space<vmem>>, vector<16x512xf32>
    %get3A_5 = arith.constant 0 : index
    %get3A_6 = arith.constant 0 : index
    %get3A_7 = vector.load %arg2[%get3A_5, %get3A_6] : memref<16x512xf32, #tpu.memory_space<vmem>>, vector<16x512xf32>
    %iota3A = tpu.iota {dimensions = array<i32: 1>} : vector<16x512xi32>
    %broadcast_in_dim3A = arith.constant 1.000000e+10 : f32
    %broadcast_in_dim3A_8 = vector.broadcast %broadcast_in_dim3A : f32 to vector<16x512xf32>
    %broadcast_in_dim3A_9 = arith.constant 0 : i32
    %broadcast_in_dim3A_10 = vector.broadcast %broadcast_in_dim3A_9 : i32 to vector<16x1xi32>
    %scan3A = arith.constant 0 : i32
    %scan3A_11 = arith.constant 256 : i32
    %scan3A_12 = arith.addi %scan3A, %scan3A_11 : i32
    %scan3A_13 = arith.constant 1 : i32
    %scan3A_14:2 = scf.for %scan3A_16 = %scan3A to %scan3A_12 step %scan3A_13 iter_args(%scan3A_17 = %broadcast_in_dim3A_8, %scan3A_18 = %broadcast_in_dim3A_10) -> (vector<16x512xf32>, vector<16x1xi32>)  : i32 {
      %eq3A = vector.broadcast %scan3A_18 : vector<16x1xi32> to vector<16x512xi32>
      %eq3A_19 = arith.cmpi eq, %iota3A, %eq3A : vector<16x512xi32>
      %jit3A = arith.constant 0.000000e+00 : f32
      %broadcast_in_dim3A_20 = vector.broadcast %jit3A : f32 to vector<16x512xf32>
      %select_n3A = arith.select %eq3A_19, %get3A_1, %broadcast_in_dim3A_20 : vector<16x512xi1>, vector<16x512xf32>
      %reduce_sum3A = arith.constant dense<0.000000e+00> : vector<16xf32>
      %reduce_sum3A_21 = vector.multi_reduction <add>, %select_n3A, %reduce_sum3A [1] : vector<16x512xf32> to vector<16xf32>
      %broadcast_in_dim3A_22 = vector.shape_cast %reduce_sum3A_21 : vector<16xf32> to vector<16x1xf32>
      %jit3A_23 = arith.constant 0.000000e+00 : f32
      %broadcast_in_dim3A_24 = vector.broadcast %jit3A_23 : f32 to vector<16x512xf32>
      %select_n3A_25 = arith.select %eq3A_19, %get3A_4, %broadcast_in_dim3A_24 : vector<16x512xi1>, vector<16x512xf32>
      %reduce_sum3A_26 = arith.constant dense<0.000000e+00> : vector<16xf32>
      %reduce_sum3A_27 = vector.multi_reduction <add>, %select_n3A_25, %reduce_sum3A_26 [1] : vector<16x512xf32> to vector<16xf32>
      %broadcast_in_dim3A_28 = vector.shape_cast %reduce_sum3A_27 : vector<16xf32> to vector<16x1xf32>
      %jit3A_29 = arith.constant 0.000000e+00 : f32
      %broadcast_in_dim3A_30 = vector.broadcast %jit3A_29 : f32 to vector<16x512xf32>
      %select_n3A_31 = arith.select %eq3A_19, %get3A_7, %broadcast_in_dim3A_30 : vector<16x512xi1>, vector<16x512xf32>
      %reduce_sum3A_32 = arith.constant dense<0.000000e+00> : vector<16xf32>
      %reduce_sum3A_33 = vector.multi_reduction <add>, %select_n3A_31, %reduce_sum3A_32 [1] : vector<16x512xf32> to vector<16xf32>
      %broadcast_in_dim3A_34 = vector.shape_cast %reduce_sum3A_33 : vector<16xf32> to vector<16x1xf32>
      %reshape3A = vector.shape_cast %scan3A_18 : vector<16x1xi32> to vector<1x16xi32>
      %swap3A = arith.index_cast %scan3A_16 : i32 to index
      %swap3A_35 = arith.constant 0 : index
      %swap3A_36 = vector.load %arg3[%swap3A, %swap3A_35] : memref<256x16xi32, #tpu.memory_space<vmem>>, vector<1x16xi32>
      tpu.vector_store %arg3[%swap3A, %swap3A_35], %reshape3A {strides = array<i32>} : memref<256x16xi32, #tpu.memory_space<vmem>>, vector<1x16xi32>,
      %reshape3A_37 = vector.shape_cast %broadcast_in_dim3A_22 : vector<16x1xf32> to vector<1x16xf32>
      %swap3A_38 = arith.index_cast %scan3A_16 : i32 to index
      %swap3A_39 = arith.constant 0 : index
      %swap3A_40 = vector.load %arg4[%swap3A_38, %swap3A_39] : memref<256x16xf32, #tpu.memory_space<vmem>>, vector<1x16xf32>
      tpu.vector_store %arg4[%swap3A_38, %swap3A_39], %reshape3A_37 {strides = array<i32>} : memref<256x16xf32, #tpu.memory_space<vmem>>, vector<1x16xf32>,
      %reshape3A_41 = vector.shape_cast %broadcast_in_dim3A_28 : vector<16x1xf32> to vector<1x16xf32>
      %swap3A_42 = arith.index_cast %scan3A_16 : i32 to index
      %swap3A_43 = arith.constant 0 : index
      %swap3A_44 = vector.load %arg5[%swap3A_42, %swap3A_43] : memref<256x16xf32, #tpu.memory_space<vmem>>, vector<1x16xf32>
      tpu.vector_store %arg5[%swap3A_42, %swap3A_43], %reshape3A_41 {strides = array<i32>} : memref<256x16xf32, #tpu.memory_space<vmem>>, vector<1x16xf32>,
      %reshape3A_45 = vector.shape_cast %broadcast_in_dim3A_34 : vector<16x1xf32> to vector<1x16xf32>
      %swap3A_46 = arith.index_cast %scan3A_16 : i32 to index
      %swap3A_47 = arith.constant 0 : index
      %swap3A_48 = vector.load %arg6[%swap3A_46, %swap3A_47] : memref<256x16xf32, #tpu.memory_space<vmem>>, vector<1x16xf32>
      tpu.vector_store %arg6[%swap3A_46, %swap3A_47], %reshape3A_45 {strides = array<i32>} : memref<256x16xf32, #tpu.memory_space<vmem>>, vector<1x16xf32>,
      %sub3A = vector.broadcast %broadcast_in_dim3A_22 : vector<16x1xf32> to vector<16x512xf32>
      %sub3A_49 = arith.subf %get3A_1, %sub3A : vector<16x512xf32>
      %integer_pow3A = arith.mulf %sub3A_49, %sub3A_49 : vector<16x512xf32>
      %sub3A_50 = vector.broadcast %broadcast_in_dim3A_28 : vector<16x1xf32> to vector<16x512xf32>
      %sub3A_51 = arith.subf %get3A_4, %sub3A_50 : vector<16x512xf32>
      %integer_pow3A_52 = arith.mulf %sub3A_51, %sub3A_51 : vector<16x512xf32>
      %add3A = arith.addf %integer_pow3A, %integer_pow3A_52 : vector<16x512xf32>
      %sub3A_53 = vector.broadcast %broadcast_in_dim3A_34 : vector<16x1xf32> to vector<16x512xf32>
      %sub3A_54 = arith.subf %get3A_7, %sub3A_53 : vector<16x512xf32>
      %integer_pow3A_55 = arith.mulf %sub3A_54, %sub3A_54 : vector<16x512xf32>
      %add3A_56 = arith.addf %add3A, %integer_pow3A_55 : vector<16x512xf32>
      %min3A = arith.minimumf %scan3A_17, %add3A_56 : vector<16x512xf32>
      %reduce_max3A = arith.constant dense<0xFF800000> : vector<16xf32>
      %reduce_max3A_57 = vector.multi_reduction <maximumf>, %min3A, %reduce_max3A [1] : vector<16x512xf32> to vector<16xf32>
      %broadcast_in_dim3A_58 = vector.shape_cast %reduce_max3A_57 : vector<16xf32> to vector<16x1xf32>
      %eq3A_59 = vector.broadcast %broadcast_in_dim3A_58 : vector<16x1xf32> to vector<16x512xf32>
      %eq3A_60 = arith.cmpf oeq, %min3A, %eq3A_59 : vector<16x512xf32>
      %jit3A_61 = arith.constant 512 : i32
      %broadcast_in_dim3A_62 = vector.broadcast %jit3A_61 : i32 to vector<16x512xi32>
      %select_n3A_63 = arith.select %eq3A_60, %iota3A, %broadcast_in_dim3A_62 : vector<16x512xi1>, vector<16x512xi32>
      %reduce_min3A = arith.constant dense<2147483647> : vector<16xi32>
      %reduce_min3A_64 = vector.multi_reduction <minsi>, %select_n3A_63, %reduce_min3A [1] : vector<16x512xi32> to vector<16xi32>
      %broadcast_in_dim3A_65 = vector.shape_cast %reduce_min3A_64 : vector<16xi32> to vector<16x1xi32>
      scf.yield %min3A, %broadcast_in_dim3A_65 : vector<16x512xf32>, vector<16x1xi32>
    }
    %scan3A_15 = arith.constant 256 : i32
    return
  }
}

module attributes {stable_mosaic.version = 14 : i64} {
  func.func @_knn_body(%arg0: i32, %arg1: memref<256x3xf32, #tpu.memory_space<vmem>>, %arg2: memref<1x3x512xf32, #tpu.memory_space<vmem>>, %arg3: memref<256x32xi32, #tpu.memory_space<vmem>>) attributes {dimension_semantics = [#tpu.dimension_semantics<arbitrary>], iteration_bounds = array<i64: 16>, scalar_prefetch = 0 : i64, scratch_operands = 0 : i64, tpu.core_type = #tpu.core_type<tc>, window_params = [{transform_indices = @transform_0, window_bounds = array<i64: 256, 3>}, {transform_indices = @transform_1, window_bounds = array<i64: 1, 3, 512>}, {transform_indices = @transform_2, window_bounds = array<i64: 256, 32>}]} {
    %get3A = arith.constant 0 : index
    %get3A_0 = arith.constant 0 : index
    %get3A_1 = vector.load %arg1[%get3A, %get3A_0] : memref<256x3xf32, #tpu.memory_space<vmem>>, vector<256x3xf32>
    %get3A_2 = arith.constant 0 : index
    %get3A_3 = arith.constant 0 : index
    %get3A_4 = arith.constant 0 : index
    %get3A_5 = vector.load %arg2[%get3A_2, %get3A_3, %get3A_4] : memref<1x3x512xf32, #tpu.memory_space<vmem>>, vector<1x3x512xf32>
    %get3A_6 = vector.shape_cast %get3A_5 : vector<1x3x512xf32> to vector<3x512xf32>
    %mul3A = arith.mulf %get3A_1, %get3A_1 : vector<256x3xf32>
    %reduce_sum3A = arith.constant dense<0.000000e+00> : vector<256xf32>
    %reduce_sum3A_7 = vector.multi_reduction <add>, %mul3A, %reduce_sum3A [1] : vector<256x3xf32> to vector<256xf32>
    %broadcast_in_dim3A = vector.shape_cast %reduce_sum3A_7 : vector<256xf32> to vector<256x1xf32>
    %mul3A_8 = arith.mulf %get3A_6, %get3A_6 : vector<3x512xf32>
    %reduce_sum3A_9 = arith.constant dense<0.000000e+00> : vector<512xf32>
    %reduce_sum3A_10 = vector.multi_reduction <add>, %mul3A_8, %reduce_sum3A_9 [0] : vector<3x512xf32> to vector<512xf32>
    %broadcast_in_dim3A_11 = vector.shape_cast %reduce_sum3A_10 : vector<512xf32> to vector<1x512xf32>
    %dot_general3A = arith.constant dense<0.000000e+00> : vector<256x512xf32>
    %dot_general3A_12 = tpu.matmul %get3A_1, %get3A_6, %dot_general3A {dimension_numbers = #tpu.dot_dimension_numbers<[1], [0], [0], [1], [0, 0, 1, 1], [], []>, transpose_lhs_hint = false} : vector<256x3xf32>, vector<3x512xf32>, vector<256x512xf32> -> vector<256x512xf32>
    %mul3A_13 = arith.constant -2.000000e+00 : f32
    %mul3A_14 = vector.broadcast %mul3A_13 : f32 to vector<256x512xf32>
    %mul3A_15 = arith.mulf %mul3A_14, %dot_general3A_12 : vector<256x512xf32>
    %add3A = vector.broadcast %broadcast_in_dim3A : vector<256x1xf32> to vector<256x512xf32>
    %add3A_16 = arith.addf %mul3A_15, %add3A : vector<256x512xf32>
    %add3A_17 = vector.broadcast %broadcast_in_dim3A_11 : vector<1x512xf32> to vector<256x512xf32>
    %add3A_18 = arith.addf %add3A_16, %add3A_17 : vector<256x512xf32>
    %iota3A = tpu.iota {dimensions = array<i32: 1>} : vector<256x512xi32>
    %convert_element_type3A = arith.sitofp %iota3A : vector<256x512xi32> to vector<256x512xf32>
    %iota3A_19 = tpu.iota {dimensions = array<i32: 1>} : vector<256x32xi32>
    %broadcast_in_dim3A_20 = arith.constant 0 : i32
    %broadcast_in_dim3A_21 = vector.broadcast %broadcast_in_dim3A_20 : i32 to vector<256x32xi32>
    %scan3A = arith.constant 1.000000e+09 : f32
    %scan3A_22 = arith.constant 3.000000e+38 : f32
    %scan3A_23 = arith.constant 0 : i32
    %scan3A_24 = arith.constant 32 : i32
    %scan3A_25 = arith.addi %scan3A_23, %scan3A_24 : i32
    %scan3A_26 = arith.constant 1 : i32
    %scan3A_27:2 = scf.for %scan3A_35 = %scan3A_23 to %scan3A_25 step %scan3A_26 iter_args(%scan3A_36 = %add3A_18, %scan3A_37 = %broadcast_in_dim3A_21) -> (vector<256x512xf32>, vector<256x32xi32>)  : i32 {
      %reduce_min3A = arith.constant dense<0x7F800000> : vector<256xf32>
      %reduce_min3A_38 = vector.multi_reduction <minimumf>, %scan3A_36, %reduce_min3A [1] : vector<256x512xf32> to vector<256xf32>
      %broadcast_in_dim3A_39 = vector.shape_cast %reduce_min3A_38 : vector<256xf32> to vector<256x1xf32>
      %eq3A = vector.broadcast %broadcast_in_dim3A_39 : vector<256x1xf32> to vector<256x512xf32>
      %eq3A_40 = arith.cmpf oeq, %scan3A_36, %eq3A : vector<256x512xf32>
      %broadcast_in_dim3A_41 = vector.broadcast %scan3A : f32 to vector<256x512xf32>
      %select_n3A = arith.select %eq3A_40, %convert_element_type3A, %broadcast_in_dim3A_41 : vector<256x512xi1>, vector<256x512xf32>
      %reduce_min3A_42 = arith.constant dense<0x7F800000> : vector<256xf32>
      %reduce_min3A_43 = vector.multi_reduction <minimumf>, %select_n3A, %reduce_min3A_42 [1] : vector<256x512xf32> to vector<256xf32>
      %broadcast_in_dim3A_44 = vector.shape_cast %reduce_min3A_43 : vector<256xf32> to vector<256x1xf32>
      %eq3A_45 = vector.broadcast %broadcast_in_dim3A_44 : vector<256x1xf32> to vector<256x512xf32>
      %eq3A_46 = arith.cmpf oeq, %select_n3A, %eq3A_45 : vector<256x512xf32>
      %broadcast_in_dim3A_47 = vector.broadcast %scan3A_22 : f32 to vector<256x512xf32>
      %select_n3A_48 = arith.select %eq3A_46, %broadcast_in_dim3A_47, %scan3A_36 : vector<256x512xi1>, vector<256x512xf32>
      %eq3A_49 = vector.broadcast %scan3A_35 : i32 to vector<256x32xi32>
      %eq3A_50 = arith.cmpi eq, %iota3A_19, %eq3A_49 : vector<256x32xi32>
      %convert_element_type3A_51 = arith.fptosi %broadcast_in_dim3A_44 : vector<256x1xf32> to vector<256x1xi32>
      %broadcast_in_dim3A_52 = vector.shape_cast %convert_element_type3A_51 : vector<256x1xi32> to vector<256x1xi32>
      %broadcast_in_dim3A_53 = vector.broadcast %broadcast_in_dim3A_52 : vector<256x1xi32> to vector<256x32xi32>
      %select_n3A_54 = arith.select %eq3A_50, %broadcast_in_dim3A_53, %scan3A_37 : vector<256x32xi1>, vector<256x32xi32>
      scf.yield %select_n3A_48, %select_n3A_54 : vector<256x512xf32>, vector<256x32xi32>
    }
    %scan3A_28 = arith.constant 32 : i32
    %mul3A_29 = arith.constant 512 : i32
    %mul3A_30 = arith.muli %arg0, %mul3A_29 : i32
    %add3A_31 = vector.broadcast %mul3A_30 : i32 to vector<256x32xi32>
    %add3A_32 = arith.addi %scan3A_27#1, %add3A_31 : vector<256x32xi32>
    %swap3A = arith.constant 0 : index
    %swap3A_33 = arith.constant 0 : index
    %swap3A_34 = vector.load %arg3[%swap3A, %swap3A_33] : memref<256x32xi32, #tpu.memory_space<vmem>>, vector<256x32xi32>
    tpu.vector_store %arg3[%swap3A, %swap3A_33], %add3A_32 {strides = array<i32>} : memref<256x32xi32, #tpu.memory_space<vmem>>, vector<256x32xi32>,
    return
  }
  func.func @transform_0(%arg0: i32) -> (i32, i32) {
    %c0_i32 = arith.constant 0 : i32
    %c0_i32_0 = arith.constant 0 : i32
    return %arg0, %c0_i32 : i32, i32
  }
  func.func @transform_1(%arg0: i32) -> (i32, i32, i32) {
    %c0_i32 = arith.constant 0 : i32
    %c0_i32_0 = arith.constant 0 : i32
    %c0_i32_1 = arith.constant 0 : i32
    return %arg0, %c0_i32, %c0_i32_0 : i32, i32, i32
  }
  func.func @transform_2(%arg0: i32) -> (i32, i32) {
    %c0_i32 = arith.constant 0 : i32
    %c0_i32_0 = arith.constant 0 : i32
    return %arg0, %c0_i32 : i32, i32
  }
}

module attributes {stable_mosaic.version = 14 : i64} {
  func.func @_p1_body(%arg0: i32, %arg1: memref<2048x128xf32, #tpu.memory_space<vmem>>, %arg2: memref<64x128xf32, #tpu.memory_space<vmem>>, %arg3: memref<1x128xf32, #tpu.memory_space<vmem>>, %arg4: memref<1x128xf32, #tpu.memory_space<vmem>>, %arg5: memref<2x128xf32, #tpu.memory_space<vmem>>) attributes {dimension_semantics = [#tpu.dimension_semantics<arbitrary>], iteration_bounds = array<i64: 128>, scalar_prefetch = 0 : i64, scratch_operands = 1 : i64, tpu.core_type = #tpu.core_type<tc>, window_params = [{transform_indices = @transform_0, window_bounds = array<i64: 2048, 128>}, {transform_indices = @transform_1, window_bounds = array<i64: 64, 128>}, {pipeline_mode = #tpu.pipeline_mode<synchronous>, transform_indices = @transform_2, window_bounds = array<i64: 1, 128>}, {pipeline_mode = #tpu.pipeline_mode<synchronous>, transform_indices = @transform_3, window_bounds = array<i64: 1, 128>}]} {
    %get3A = arith.constant 0 : index
    %get3A_0 = arith.constant 0 : index
    %get3A_1 = vector.load %arg1[%get3A, %get3A_0] : memref<2048x128xf32, #tpu.memory_space<vmem>>, vector<2048x128xf32>
    %reshape3A = vector.shape_cast %get3A_1 : vector<2048x128xf32> to vector<64x32x128xf32>
    %get3A_2 = arith.constant 0 : index
    %get3A_3 = arith.constant 0 : index
    %get3A_4 = vector.load %arg2[%get3A_2, %get3A_3] : memref<64x128xf32, #tpu.memory_space<vmem>>, vector<64x128xf32>
    %broadcast_in_dim3A = vector.shape_cast %get3A_4 : vector<64x128xf32> to vector<64x1x128xf32>
    %add3A = vector.broadcast %broadcast_in_dim3A : vector<64x1x128xf32> to vector<64x32x128xf32>
    %add3A_5 = arith.addf %reshape3A, %add3A : vector<64x32x128xf32>
    %reduce_sum3A = arith.constant dense<0.000000e+00> : vector<128xf32>
    %reduce_sum3A_6 = vector.multi_reduction <add>, %add3A_5, %reduce_sum3A [0, 1] : vector<64x32x128xf32> to vector<128xf32>
    %broadcast_in_dim3A_7 = vector.shape_cast %reduce_sum3A_6 : vector<128xf32> to vector<1x1x128xf32>
    %squeeze3A = vector.shape_cast %broadcast_in_dim3A_7 : vector<1x1x128xf32> to vector<1x128xf32>
    %mul3A = arith.mulf %add3A_5, %add3A_5 : vector<64x32x128xf32>
    %reduce_sum3A_8 = arith.constant dense<0.000000e+00> : vector<128xf32>
    %reduce_sum3A_9 = vector.multi_reduction <add>, %mul3A, %reduce_sum3A_8 [0, 1] : vector<64x32x128xf32> to vector<128xf32>
    %broadcast_in_dim3A_10 = vector.shape_cast %reduce_sum3A_9 : vector<128xf32> to vector<1x1x128xf32>
    %squeeze3A_11 = vector.shape_cast %broadcast_in_dim3A_10 : vector<1x1x128xf32> to vector<1x128xf32>
    %eq3A = arith.constant 0 : i32
    %eq3A_12 = arith.cmpi eq, %arg0, %eq3A : i32
    %convert_element_type3A = arith.extui %eq3A_12 : i1 to i32
    %cond3A = arith.constant 0 : i32
    %cond3A_13 = arith.cmpi ne, %convert_element_type3A, %cond3A : i32
    scf.if %cond3A_13 {
      %broadcast_in_dim3A_32 = arith.constant 0.000000e+00 : f32
      %broadcast_in_dim3A_33 = vector.broadcast %broadcast_in_dim3A_32 : f32 to vector<2x128xf32>
      %swap3A_34 = arith.constant 0 : index
      %swap3A_35 = arith.constant 0 : index
      %swap3A_36 = vector.load %arg5[%swap3A_34, %swap3A_35] : memref<2x128xf32, #tpu.memory_space<vmem>>, vector<2x128xf32>
      tpu.vector_store %arg5[%swap3A_34, %swap3A_35], %broadcast_in_dim3A_33 {strides = array<i32>} : memref<2x128xf32, #tpu.memory_space<vmem>>, vector<2x128xf32>,
    } else {
    }
    %get3A_14 = arith.constant 0 : index
    %get3A_15 = arith.constant 0 : index
    %get3A_16 = vector.load %arg5[%get3A_14, %get3A_15] : memref<2x128xf32, #tpu.memory_space<vmem>>, vector<1x128xf32>
    %add3A_17 = arith.addf %get3A_16, %squeeze3A : vector<1x128xf32>
    %swap3A = arith.constant 0 : index
    %swap3A_18 = arith.constant 0 : index
    %swap3A_19 = vector.load %arg5[%swap3A, %swap3A_18] : memref<2x128xf32, #tpu.memory_space<vmem>>, vector<1x128xf32>
    tpu.vector_store %arg5[%swap3A, %swap3A_18], %add3A_17 {strides = array<i32>} : memref<2x128xf32, #tpu.memory_space<vmem>>, vector<1x128xf32>,
    %get3A_20 = arith.constant 1 : index
    %get3A_21 = arith.constant 0 : index
    %get3A_22 = vector.load %arg5[%get3A_20, %get3A_21] : memref<2x128xf32, #tpu.memory_space<vmem>>, vector<1x128xf32>
    %add3A_23 = arith.addf %get3A_22, %squeeze3A_11 : vector<1x128xf32>
    %swap3A_24 = arith.constant 1 : index
    %swap3A_25 = arith.constant 0 : index
    %swap3A_26 = vector.load %arg5[%swap3A_24, %swap3A_25] : memref<2x128xf32, #tpu.memory_space<vmem>>, vector<1x128xf32>
    tpu.vector_store %arg5[%swap3A_24, %swap3A_25], %add3A_23 {strides = array<i32>} : memref<2x128xf32, #tpu.memory_space<vmem>>, vector<1x128xf32>,
    %eq3A_27 = arith.constant 127 : i32
    %eq3A_28 = arith.cmpi eq, %arg0, %eq3A_27 : i32
    %convert_element_type3A_29 = arith.extui %eq3A_28 : i1 to i32
    %cond3A_30 = arith.constant 0 : i32
    %cond3A_31 = arith.cmpi ne, %convert_element_type3A_29, %cond3A_30 : i32
    scf.if %cond3A_31 {
      %get3A_32 = arith.constant 0 : index
      %get3A_33 = arith.constant 0 : index
      %get3A_34 = vector.load %arg5[%get3A_32, %get3A_33] : memref<2x128xf32, #tpu.memory_space<vmem>>, vector<1x128xf32>
      %mul3A_35 = arith.constant 3.81469727E-6 : f32
      %mul3A_36 = vector.broadcast %mul3A_35 : f32 to vector<1x128xf32>
      %mul3A_37 = arith.mulf %get3A_34, %mul3A_36 : vector<1x128xf32>
      %swap3A_38 = arith.constant 0 : index
      %swap3A_39 = arith.constant 0 : index
      %swap3A_40 = vector.load %arg3[%swap3A_38, %swap3A_39] : memref<1x128xf32, #tpu.memory_space<vmem>>, vector<1x128xf32>
      tpu.vector_store %arg3[%swap3A_38, %swap3A_39], %mul3A_37 {strides = array<i32>} : memref<1x128xf32, #tpu.memory_space<vmem>>, vector<1x128xf32>,
      %get3A_41 = arith.constant 1 : index
      %get3A_42 = arith.constant 0 : index
      %get3A_43 = vector.load %arg5[%get3A_41, %get3A_42] : memref<2x128xf32, #tpu.memory_space<vmem>>, vector<1x128xf32>
      %mul3A_44 = arith.constant 3.81469727E-6 : f32
      %mul3A_45 = vector.broadcast %mul3A_44 : f32 to vector<1x128xf32>
      %mul3A_46 = arith.mulf %get3A_43, %mul3A_45 : vector<1x128xf32>
      %mul3A_47 = arith.mulf %mul3A_37, %mul3A_37 : vector<1x128xf32>
      %sub3A = arith.subf %mul3A_46, %mul3A_47 : vector<1x128xf32>
      %swap3A_48 = arith.constant 0 : index
      %swap3A_49 = arith.constant 0 : index
      %swap3A_50 = vector.load %arg4[%swap3A_48, %swap3A_49] : memref<1x128xf32, #tpu.memory_space<vmem>>, vector<1x128xf32>
      tpu.vector_store %arg4[%swap3A_48, %swap3A_49], %sub3A {strides = array<i32>} : memref<1x128xf32, #tpu.memory_space<vmem>>, vector<1x128xf32>,
    } else {
    }
    return
  }
  func.func @transform_0(%arg0: i32) -> (i32, i32) {
    %c0_i32 = arith.constant 0 : i32
    %c0_i32_0 = arith.constant 0 : i32
    return %arg0, %c0_i32 : i32, i32
  }
  func.func @transform_1(%arg0: i32) -> (i32, i32) {
    %c0_i32 = arith.constant 0 : i32
    %c0_i32_0 = arith.constant 0 : i32
    return %arg0, %c0_i32 : i32, i32
  }
  func.func @transform_2(%arg0: i32) -> (i32, i32) {
    %c0_i32 = arith.constant 0 : i32
    %c0_i32_0 = arith.constant 0 : i32
    %c0_i32_1 = arith.constant 0 : i32
    return %c0_i32, %c0_i32_0 : i32, i32
  }
  func.func @transform_3(%arg0: i32) -> (i32, i32) {
    %c0_i32 = arith.constant 0 : i32
    %c0_i32_0 = arith.constant 0 : i32
    %c0_i32_1 = arith.constant 0 : i32
    return %c0_i32, %c0_i32_0 : i32, i32
  }
}

module attributes {stable_mosaic.version = 14 : i64} {
  func.func @_p2_body(%arg0: i32, %arg1: memref<2048x128xf32, #tpu.memory_space<vmem>>, %arg2: memref<64x128xf32, #tpu.memory_space<vmem>>, %arg3: memref<1x128xf32, #tpu.memory_space<vmem>>, %arg4: memref<1x128xf32, #tpu.memory_space<vmem>>, %arg5: memref<1x128xf32, #tpu.memory_space<vmem>>, %arg6: memref<1x128xf32, #tpu.memory_space<vmem>>, %arg7: memref<128x128xf32, #tpu.memory_space<vmem>>, %arg8: memref<64x128xf32, #tpu.memory_space<vmem>>, %arg9: memref<2x128xf32, #tpu.memory_space<vmem>>, %arg10: memref<2x128xf32, #tpu.memory_space<vmem>>) attributes {dimension_semantics = [#tpu.dimension_semantics<arbitrary>], iteration_bounds = array<i64: 128>, scalar_prefetch = 0 : i64, scratch_operands = 1 : i64, tpu.core_type = #tpu.core_type<tc>, window_params = [{transform_indices = @transform_0, window_bounds = array<i64: 2048, 128>}, {transform_indices = @transform_1, window_bounds = array<i64: 64, 128>}, {pipeline_mode = #tpu.pipeline_mode<synchronous>, transform_indices = @transform_2, window_bounds = array<i64: 1, 128>}, {pipeline_mode = #tpu.pipeline_mode<synchronous>, transform_indices = @transform_3, window_bounds = array<i64: 1, 128>}, {pipeline_mode = #tpu.pipeline_mode<synchronous>, transform_indices = @transform_4, window_bounds = array<i64: 1, 128>}, {pipeline_mode = #tpu.pipeline_mode<synchronous>, transform_indices = @transform_5, window_bounds = array<i64: 1, 128>}, {pipeline_mode = #tpu.pipeline_mode<synchronous>, transform_indices = @transform_6, window_bounds = array<i64: 128, 128>}, {transform_indices = @transform_7, window_bounds = array<i64: 64, 128>}, {pipeline_mode = #tpu.pipeline_mode<synchronous>, transform_indices = @transform_8, window_bounds = array<i64: 2, 128>}]} {
    %get3A = arith.constant 0 : index
    %get3A_0 = arith.constant 0 : index
    %get3A_1 = vector.load %arg1[%get3A, %get3A_0] : memref<2048x128xf32, #tpu.memory_space<vmem>>, vector<2048x128xf32>
    %reshape3A = vector.shape_cast %get3A_1 : vector<2048x128xf32> to vector<64x32x128xf32>
    %get3A_2 = arith.constant 0 : index
    %get3A_3 = arith.constant 0 : index
    %get3A_4 = vector.load %arg2[%get3A_2, %get3A_3] : memref<64x128xf32, #tpu.memory_space<vmem>>, vector<64x128xf32>
    %broadcast_in_dim3A = vector.shape_cast %get3A_4 : vector<64x128xf32> to vector<64x1x128xf32>
    %add3A = vector.broadcast %broadcast_in_dim3A : vector<64x1x128xf32> to vector<64x32x128xf32>
    %add3A_5 = arith.addf %reshape3A, %add3A : vector<64x32x128xf32>
    %get3A_6 = arith.constant 0 : index
    %get3A_7 = arith.constant 0 : index
    %get3A_8 = vector.load %arg5[%get3A_6, %get3A_7] : memref<1x128xf32, #tpu.memory_space<vmem>>, vector<1x128xf32>
    %get3A_9 = arith.constant 0 : index
    %get3A_10 = arith.constant 0 : index
    %get3A_11 = vector.load %arg4[%get3A_9, %get3A_10] : memref<1x128xf32, #tpu.memory_space<vmem>>, vector<1x128xf32>
    %add3A_12 = arith.constant 9.99999974E-6 : f32
    %add3A_13 = vector.broadcast %add3A_12 : f32 to vector<1x128xf32>
    %add3A_14 = arith.addf %get3A_11, %add3A_13 : vector<1x128xf32>
    %sqrt3A = math.sqrt %add3A_14 : vector<1x128xf32>
    %div3A = arith.divf %get3A_8, %sqrt3A : vector<1x128xf32>
    %get3A_15 = arith.constant 0 : index
    %get3A_16 = arith.constant 0 : index
    %get3A_17 = vector.load %arg3[%get3A_15, %get3A_16] : memref<1x128xf32, #tpu.memory_space<vmem>>, vector<1x128xf32>
    %broadcast_in_dim3A_18 = vector.shape_cast %get3A_17 : vector<1x128xf32> to vector<1x1x128xf32>
    %sub3A = vector.broadcast %broadcast_in_dim3A_18 : vector<1x1x128xf32> to vector<64x32x128xf32>
    %sub3A_19 = arith.subf %add3A_5, %sub3A : vector<64x32x128xf32>
    %broadcast_in_dim3A_20 = vector.shape_cast %div3A : vector<1x128xf32> to vector<1x1x128xf32>
    %mul3A = vector.broadcast %broadcast_in_dim3A_20 : vector<1x1x128xf32> to vector<64x32x128xf32>
    %mul3A_21 = arith.mulf %sub3A_19, %mul3A : vector<64x32x128xf32>
    %get3A_22 = arith.constant 0 : index
    %get3A_23 = arith.constant 0 : index
    %get3A_24 = vector.load %arg6[%get3A_22, %get3A_23] : memref<1x128xf32, #tpu.memory_space<vmem>>, vector<1x128xf32>
    %broadcast_in_dim3A_25 = vector.shape_cast %get3A_24 : vector<1x128xf32> to vector<1x1x128xf32>
    %add3A_26 = vector.broadcast %broadcast_in_dim3A_25 : vector<1x1x128xf32> to vector<64x32x128xf32>
    %add3A_27 = arith.addf %mul3A_21, %add3A_26 : vector<64x32x128xf32>
    %max3A = arith.constant 0.000000e+00 : f32
    %max3A_28 = vector.broadcast %max3A : f32 to vector<64x32x128xf32>
    %max3A_29 = arith.maximumf %add3A_27, %max3A_28 : vector<64x32x128xf32>
    %reshape3A_30 = vector.shape_cast %max3A_29 : vector<64x32x128xf32> to vector<2048x128xf32>
    %get3A_31 = arith.constant 0 : index
    %get3A_32 = arith.constant 0 : index
    %get3A_33 = vector.load %arg7[%get3A_31, %get3A_32] : memref<128x128xf32, #tpu.memory_space<vmem>>, vector<128x128xf32>
    %dot_general3A = arith.constant dense<0.000000e+00> : vector<2048x128xf32>
    %dot_general3A_34 = tpu.matmul %reshape3A_30, %get3A_33, %dot_general3A {dimension_numbers = #tpu.dot_dimension_numbers<[1], [1], [0], [0], [0, 0, 1, 0], [], []>, transpose_lhs_hint = false} : vector<2048x128xf32>, vector<128x128xf32>, vector<2048x128xf32> -> vector<2048x128xf32>
    %reduce_sum3A = arith.constant dense<0.000000e+00> : vector<128xf32>
    %reduce_sum3A_35 = vector.multi_reduction <add>, %dot_general3A_34, %reduce_sum3A [0] : vector<2048x128xf32> to vector<128xf32>
    %broadcast_in_dim3A_36 = vector.shape_cast %reduce_sum3A_35 : vector<128xf32> to vector<1x128xf32>
    %mul3A_37 = arith.mulf %dot_general3A_34, %dot_general3A_34 : vector<2048x128xf32>
    %reduce_sum3A_38 = arith.constant dense<0.000000e+00> : vector<128xf32>
    %reduce_sum3A_39 = vector.multi_reduction <add>, %mul3A_37, %reduce_sum3A_38 [0] : vector<2048x128xf32> to vector<128xf32>
    %broadcast_in_dim3A_40 = vector.shape_cast %reduce_sum3A_39 : vector<128xf32> to vector<1x128xf32>
    %eq3A = arith.constant 0 : i32
    %eq3A_41 = arith.cmpi eq, %arg0, %eq3A : i32
    %convert_element_type3A = arith.extui %eq3A_41 : i1 to i32
    %cond3A = arith.constant 0 : i32
    %cond3A_42 = arith.cmpi ne, %convert_element_type3A, %cond3A : i32
    scf.if %cond3A_42 {
      %broadcast_in_dim3A_66 = arith.constant 0.000000e+00 : f32
      %broadcast_in_dim3A_67 = vector.broadcast %broadcast_in_dim3A_66 : f32 to vector<2x128xf32>
      %swap3A_68 = arith.constant 0 : index
      %swap3A_69 = arith.constant 0 : index
      %swap3A_70 = vector.load %arg10[%swap3A_68, %swap3A_69] : memref<2x128xf32, #tpu.memory_space<vmem>>, vector<2x128xf32>
      tpu.vector_store %arg10[%swap3A_68, %swap3A_69], %broadcast_in_dim3A_67 {strides = array<i32>} : memref<2x128xf32, #tpu.memory_space<vmem>>, vector<2x128xf32>,
    } else {
    }
    %get3A_43 = arith.constant 0 : index
    %get3A_44 = arith.constant 0 : index
    %get3A_45 = vector.load %arg10[%get3A_43, %get3A_44] : memref<2x128xf32, #tpu.memory_space<vmem>>, vector<1x128xf32>
    %add3A_46 = arith.addf %get3A_45, %broadcast_in_dim3A_36 : vector<1x128xf32>
    %swap3A = arith.constant 0 : index
    %swap3A_47 = arith.constant 0 : index
    %swap3A_48 = vector.load %arg10[%swap3A, %swap3A_47] : memref<2x128xf32, #tpu.memory_space<vmem>>, vector<1x128xf32>
    tpu.vector_store %arg10[%swap3A, %swap3A_47], %add3A_46 {strides = array<i32>} : memref<2x128xf32, #tpu.memory_space<vmem>>, vector<1x128xf32>,
    %get3A_49 = arith.constant 1 : index
    %get3A_50 = arith.constant 0 : index
    %get3A_51 = vector.load %arg10[%get3A_49, %get3A_50] : memref<2x128xf32, #tpu.memory_space<vmem>>, vector<1x128xf32>
    %add3A_52 = arith.addf %get3A_51, %broadcast_in_dim3A_40 : vector<1x128xf32>
    %swap3A_53 = arith.constant 1 : index
    %swap3A_54 = arith.constant 0 : index
    %swap3A_55 = vector.load %arg10[%swap3A_53, %swap3A_54] : memref<2x128xf32, #tpu.memory_space<vmem>>, vector<1x128xf32>
    tpu.vector_store %arg10[%swap3A_53, %swap3A_54], %add3A_52 {strides = array<i32>} : memref<2x128xf32, #tpu.memory_space<vmem>>, vector<1x128xf32>,
    %reshape3A_56 = vector.shape_cast %dot_general3A_34 : vector<2048x128xf32> to vector<64x32x128xf32>
    %reduce_max3A = arith.constant dense<0xFF800000> : vector<64x128xf32>
    %reduce_max3A_57 = vector.multi_reduction <maximumf>, %reshape3A_56, %reduce_max3A [1] : vector<64x32x128xf32> to vector<64x128xf32>
    %swap3A_58 = arith.constant 0 : index
    %swap3A_59 = arith.constant 0 : index
    %swap3A_60 = vector.load %arg8[%swap3A_58, %swap3A_59] : memref<64x128xf32, #tpu.memory_space<vmem>>, vector<64x128xf32>
    tpu.vector_store %arg8[%swap3A_58, %swap3A_59], %reduce_max3A_57 {strides = array<i32>} : memref<64x128xf32, #tpu.memory_space<vmem>>, vector<64x128xf32>,
    %eq3A_61 = arith.constant 127 : i32
    %eq3A_62 = arith.cmpi eq, %arg0, %eq3A_61 : i32
    %convert_element_type3A_63 = arith.extui %eq3A_62 : i1 to i32
    %cond3A_64 = arith.constant 0 : i32
    %cond3A_65 = arith.cmpi ne, %convert_element_type3A_63, %cond3A_64 : i32
    scf.if %cond3A_65 {
      %get3A_66 = arith.constant 0 : index
      %get3A_67 = arith.constant 0 : index
      %get3A_68 = vector.load %arg10[%get3A_66, %get3A_67] : memref<2x128xf32, #tpu.memory_space<vmem>>, vector<2x128xf32>
      %swap3A_69 = arith.constant 0 : index
      %swap3A_70 = arith.constant 0 : index
      %swap3A_71 = vector.load %arg9[%swap3A_69, %swap3A_70] : memref<2x128xf32, #tpu.memory_space<vmem>>, vector<2x128xf32>
      tpu.vector_store %arg9[%swap3A_69, %swap3A_70], %get3A_68 {strides = array<i32>} : memref<2x128xf32, #tpu.memory_space<vmem>>, vector<2x128xf32>,
    } else {
    }
    return
  }
  func.func @transform_0(%arg0: i32) -> (i32, i32) {
    %c0_i32 = arith.constant 0 : i32
    %c0_i32_0 = arith.constant 0 : i32
    return %arg0, %c0_i32 : i32, i32
  }
  func.func @transform_1(%arg0: i32) -> (i32, i32) {
    %c0_i32 = arith.constant 0 : i32
    %c0_i32_0 = arith.constant 0 : i32
    return %arg0, %c0_i32 : i32, i32
  }
  func.func @transform_2(%arg0: i32) -> (i32, i32) {
    %c0_i32 = arith.constant 0 : i32
    %c0_i32_0 = arith.constant 0 : i32
    %c0_i32_1 = arith.constant 0 : i32
    return %c0_i32, %c0_i32_0 : i32, i32
  }
  func.func @transform_3(%arg0: i32) -> (i32, i32) {
    %c0_i32 = arith.constant 0 : i32
    %c0_i32_0 = arith.constant 0 : i32
    %c0_i32_1 = arith.constant 0 : i32
    return %c0_i32, %c0_i32_0 : i32, i32
  }
  func.func @transform_4(%arg0: i32) -> (i32, i32) {
    %c0_i32 = arith.constant 0 : i32
    %c0_i32_0 = arith.constant 0 : i32
    %c0_i32_1 = arith.constant 0 : i32
    return %c0_i32, %c0_i32_0 : i32, i32
  }
  func.func @transform_5(%arg0: i32) -> (i32, i32) {
    %c0_i32 = arith.constant 0 : i32
    %c0_i32_0 = arith.constant 0 : i32
    %c0_i32_1 = arith.constant 0 : i32
    return %c0_i32, %c0_i32_0 : i32, i32
  }
  func.func @transform_6(%arg0: i32) -> (i32, i32) {
    %c0_i32 = arith.constant 0 : i32
    %c0_i32_0 = arith.constant 0 : i32
    %c0_i32_1 = arith.constant 0 : i32
    return %c0_i32, %c0_i32_0 : i32, i32
  }
  func.func @transform_7(%arg0: i32) -> (i32, i32) {
    %c0_i32 = arith.constant 0 : i32
    %c0_i32_0 = arith.constant 0 : i32
    return %arg0, %c0_i32 : i32, i32
  }
  func.func @transform_8(%arg0: i32) -> (i32, i32) {
    %c0_i32 = arith.constant 0 : i32
    %c0_i32_0 = arith.constant 0 : i32
    %c0_i32_1 = arith.constant 0 : i32
    return %c0_i32, %c0_i32_0 : i32, i32
  }
}

module attributes {stable_mosaic.version = 14 : i64} {
  func.func @_p3_body(%arg0: i32, %arg1: memref<2048x128xf32, #tpu.memory_space<vmem>>, %arg2: memref<2x128xf32, #tpu.memory_space<vmem>>, %arg3: memref<1x128xf32, #tpu.memory_space<vmem>>, %arg4: memref<1x128xf32, #tpu.memory_space<vmem>>, %arg5: memref<256x128xf32, #tpu.memory_space<vmem>>, %arg6: memref<256x256xf32, #tpu.memory_space<vmem>>, %arg7: memref<2048x128xf32, #tpu.memory_space<vmem>>, %arg8: memref<2048x256xf32, #tpu.memory_space<vmem>>, %arg9: memref<2048x256xf32, #tpu.memory_space<vmem>>) attributes {dimension_semantics = [#tpu.dimension_semantics<arbitrary>], iteration_bounds = array<i64: 4>, scalar_prefetch = 0 : i64, scratch_operands = 0 : i64, tpu.core_type = #tpu.core_type<tc>, window_params = [{transform_indices = @transform_0, window_bounds = array<i64: 2048, 128>}, {pipeline_mode = #tpu.pipeline_mode<synchronous>, transform_indices = @transform_1, window_bounds = array<i64: 2, 128>}, {pipeline_mode = #tpu.pipeline_mode<synchronous>, transform_indices = @transform_2, window_bounds = array<i64: 1, 128>}, {pipeline_mode = #tpu.pipeline_mode<synchronous>, transform_indices = @transform_3, window_bounds = array<i64: 1, 128>}, {pipeline_mode = #tpu.pipeline_mode<synchronous>, transform_indices = @transform_4, window_bounds = array<i64: 256, 128>}, {pipeline_mode = #tpu.pipeline_mode<synchronous>, transform_indices = @transform_5, window_bounds = array<i64: 256, 256>}, {transform_indices = @transform_6, window_bounds = array<i64: 2048, 128>}, {transform_indices = @transform_7, window_bounds = array<i64: 2048, 256>}, {transform_indices = @transform_8, window_bounds = array<i64: 2048, 256>}]} {
    %get3A = arith.constant 0 : index
    %get3A_0 = arith.constant 0 : index
    %get3A_1 = vector.load %arg2[%get3A, %get3A_0] : memref<2x128xf32, #tpu.memory_space<vmem>>, vector<1x128xf32>
    %mul3A = arith.constant 3.81469727E-6 : f32
    %mul3A_2 = vector.broadcast %mul3A : f32 to vector<1x128xf32>
    %mul3A_3 = arith.mulf %get3A_1, %mul3A_2 : vector<1x128xf32>
    %get3A_4 = arith.constant 1 : index
    %get3A_5 = arith.constant 0 : index
    %get3A_6 = vector.load %arg2[%get3A_4, %get3A_5] : memref<2x128xf32, #tpu.memory_space<vmem>>, vector<1x128xf32>
    %mul3A_7 = arith.constant 3.81469727E-6 : f32
    %mul3A_8 = vector.broadcast %mul3A_7 : f32 to vector<1x128xf32>
    %mul3A_9 = arith.mulf %get3A_6, %mul3A_8 : vector<1x128xf32>
    %mul3A_10 = arith.mulf %mul3A_3, %mul3A_3 : vector<1x128xf32>
    %sub3A = arith.subf %mul3A_9, %mul3A_10 : vector<1x128xf32>
    %get3A_11 = arith.constant 0 : index
    %get3A_12 = arith.constant 0 : index
    %get3A_13 = vector.load %arg3[%get3A_11, %get3A_12] : memref<1x128xf32, #tpu.memory_space<vmem>>, vector<1x128xf32>
    %add3A = arith.constant 9.99999974E-6 : f32
    %add3A_14 = vector.broadcast %add3A : f32 to vector<1x128xf32>
    %add3A_15 = arith.addf %sub3A, %add3A_14 : vector<1x128xf32>
    %sqrt3A = math.sqrt %add3A_15 : vector<1x128xf32>
    %div3A = arith.divf %get3A_13, %sqrt3A : vector<1x128xf32>
    %get3A_16 = arith.constant 0 : index
    %get3A_17 = arith.constant 0 : index
    %get3A_18 = vector.load %arg1[%get3A_16, %get3A_17] : memref<2048x128xf32, #tpu.memory_space<vmem>>, vector<2048x128xf32>
    %sub3A_19 = vector.broadcast %mul3A_3 : vector<1x128xf32> to vector<2048x128xf32>
    %sub3A_20 = arith.subf %get3A_18, %sub3A_19 : vector<2048x128xf32>
    %mul3A_21 = vector.broadcast %div3A : vector<1x128xf32> to vector<2048x128xf32>
    %mul3A_22 = arith.mulf %sub3A_20, %mul3A_21 : vector<2048x128xf32>
    %get3A_23 = arith.constant 0 : index
    %get3A_24 = arith.constant 0 : index
    %get3A_25 = vector.load %arg4[%get3A_23, %get3A_24] : memref<1x128xf32, #tpu.memory_space<vmem>>, vector<1x128xf32>
    %add3A_26 = vector.broadcast %get3A_25 : vector<1x128xf32> to vector<2048x128xf32>
    %add3A_27 = arith.addf %mul3A_22, %add3A_26 : vector<2048x128xf32>
    %max3A = arith.constant 0.000000e+00 : f32
    %max3A_28 = vector.broadcast %max3A : f32 to vector<2048x128xf32>
    %max3A_29 = arith.maximumf %add3A_27, %max3A_28 : vector<2048x128xf32>
    %swap3A = arith.constant 0 : index
    %swap3A_30 = arith.constant 0 : index
    %swap3A_31 = vector.load %arg7[%swap3A, %swap3A_30] : memref<2048x128xf32, #tpu.memory_space<vmem>>, vector<2048x128xf32>
    tpu.vector_store %arg7[%swap3A, %swap3A_30], %max3A_29 {strides = array<i32>} : memref<2048x128xf32, #tpu.memory_space<vmem>>, vector<2048x128xf32>,
    %get3A_32 = arith.constant 0 : index
    %get3A_33 = arith.constant 0 : index
    %get3A_34 = vector.load %arg5[%get3A_32, %get3A_33] : memref<256x128xf32, #tpu.memory_space<vmem>>, vector<256x128xf32>
    %get3A_35 = arith.constant 0 : index
    %get3A_36 = arith.constant 0 : index
    %get3A_37 = vector.load %arg6[%get3A_35, %get3A_36] : memref<256x256xf32, #tpu.memory_space<vmem>>, vector<256x256xf32>
    %slice3A = vector.extract_strided_slice %get3A_37 {offsets = [0, 128], sizes = [256, 128], strides = [1, 1]} : vector<256x256xf32> to vector<256x128xf32>
    %dot_general3A = arith.constant dense<0.000000e+00> : vector<2048x256xf32>
    %dot_general3A_38 = tpu.matmul %max3A_29, %get3A_34, %dot_general3A {dimension_numbers = #tpu.dot_dimension_numbers<[1], [1], [0], [0], [0, 0, 1, 0], [], []>, transpose_lhs_hint = false} : vector<2048x128xf32>, vector<256x128xf32>, vector<2048x256xf32> -> vector<2048x256xf32>
    %swap3A_39 = arith.constant 0 : index
    %swap3A_40 = arith.constant 0 : index
    %swap3A_41 = vector.load %arg8[%swap3A_39, %swap3A_40] : memref<2048x256xf32, #tpu.memory_space<vmem>>, vector<2048x256xf32>
    tpu.vector_store %arg8[%swap3A_39, %swap3A_40], %dot_general3A_38 {strides = array<i32>} : memref<2048x256xf32, #tpu.memory_space<vmem>>, vector<2048x256xf32>,
    %sub3A_42 = arith.subf %slice3A, %get3A_34 : vector<256x128xf32>
    %dot_general3A_43 = arith.constant dense<0.000000e+00> : vector<2048x256xf32>
    %dot_general3A_44 = tpu.matmul %max3A_29, %sub3A_42, %dot_general3A_43 {dimension_numbers = #tpu.dot_dimension_numbers<[1], [1], [0], [0], [0, 0, 1, 0], [], []>, transpose_lhs_hint = false} : vector<2048x128xf32>, vector<256x128xf32>, vector<2048x256xf32> -> vector<2048x256xf32>
    %swap3A_45 = arith.constant 0 : index
    %swap3A_46 = arith.constant 0 : index
    %swap3A_47 = vector.load %arg9[%swap3A_45, %swap3A_46] : memref<2048x256xf32, #tpu.memory_space<vmem>>, vector<2048x256xf32>
    tpu.vector_store %arg9[%swap3A_45, %swap3A_46], %dot_general3A_44 {strides = array<i32>} : memref<2048x256xf32, #tpu.memory_space<vmem>>, vector<2048x256xf32>,
    return
  }
  func.func @transform_0(%arg0: i32) -> (i32, i32) {
    %c0_i32 = arith.constant 0 : i32
    %c0_i32_0 = arith.constant 0 : i32
    return %arg0, %c0_i32 : i32, i32
  }
  func.func @transform_1(%arg0: i32) -> (i32, i32) {
    %c0_i32 = arith.constant 0 : i32
    %c0_i32_0 = arith.constant 0 : i32
    %c0_i32_1 = arith.constant 0 : i32
    return %c0_i32, %c0_i32_0 : i32, i32
  }
  func.func @transform_2(%arg0: i32) -> (i32, i32) {
    %c0_i32 = arith.constant 0 : i32
    %c0_i32_0 = arith.constant 0 : i32
    %c0_i32_1 = arith.constant 0 : i32
    return %c0_i32, %c0_i32_0 : i32, i32
  }
  func.func @transform_3(%arg0: i32) -> (i32, i32) {
    %c0_i32 = arith.constant 0 : i32
    %c0_i32_0 = arith.constant 0 : i32
    %c0_i32_1 = arith.constant 0 : i32
    return %c0_i32, %c0_i32_0 : i32, i32
  }
  func.func @transform_4(%arg0: i32) -> (i32, i32) {
    %c0_i32 = arith.constant 0 : i32
    %c0_i32_0 = arith.constant 0 : i32
    %c0_i32_1 = arith.constant 0 : i32
    return %c0_i32, %c0_i32_0 : i32, i32
  }
  func.func @transform_5(%arg0: i32) -> (i32, i32) {
    %c0_i32 = arith.constant 0 : i32
    %c0_i32_0 = arith.constant 0 : i32
    %c0_i32_1 = arith.constant 0 : i32
    return %c0_i32, %c0_i32_0 : i32, i32
  }
  func.func @transform_6(%arg0: i32) -> (i32, i32) {
    %c0_i32 = arith.constant 0 : i32
    %c0_i32_0 = arith.constant 0 : i32
    return %arg0, %c0_i32 : i32, i32
  }
  func.func @transform_7(%arg0: i32) -> (i32, i32) {
    %c0_i32 = arith.constant 0 : i32
    %c0_i32_0 = arith.constant 0 : i32
    return %arg0, %c0_i32 : i32, i32
  }
  func.func @transform_8(%arg0: i32) -> (i32, i32) {
    %c0_i32 = arith.constant 0 : i32
    %c0_i32_0 = arith.constant 0 : i32
    return %arg0, %c0_i32 : i32, i32
  }
}

module attributes {stable_mosaic.version = 14 : i64} {
  func.func @_p1_body(%arg0: i32, %arg1: memref<2048x256xf32, #tpu.memory_space<vmem>>, %arg2: memref<64x256xf32, #tpu.memory_space<vmem>>, %arg3: memref<1x256xf32, #tpu.memory_space<vmem>>, %arg4: memref<1x256xf32, #tpu.memory_space<vmem>>, %arg5: memref<2x256xf32, #tpu.memory_space<vmem>>) attributes {dimension_semantics = [#tpu.dimension_semantics<arbitrary>], iteration_bounds = array<i64: 64>, scalar_prefetch = 0 : i64, scratch_operands = 1 : i64, tpu.core_type = #tpu.core_type<tc>, window_params = [{transform_indices = @transform_0, window_bounds = array<i64: 2048, 256>}, {transform_indices = @transform_1, window_bounds = array<i64: 64, 256>}, {pipeline_mode = #tpu.pipeline_mode<synchronous>, transform_indices = @transform_2, window_bounds = array<i64: 1, 256>}, {pipeline_mode = #tpu.pipeline_mode<synchronous>, transform_indices = @transform_3, window_bounds = array<i64: 1, 256>}]} {
    %get3A = arith.constant 0 : index
    %get3A_0 = arith.constant 0 : index
    %get3A_1 = vector.load %arg1[%get3A, %get3A_0] : memref<2048x256xf32, #tpu.memory_space<vmem>>, vector<2048x256xf32>
    %reshape3A = vector.shape_cast %get3A_1 : vector<2048x256xf32> to vector<64x32x256xf32>
    %get3A_2 = arith.constant 0 : index
    %get3A_3 = arith.constant 0 : index
    %get3A_4 = vector.load %arg2[%get3A_2, %get3A_3] : memref<64x256xf32, #tpu.memory_space<vmem>>, vector<64x256xf32>
    %broadcast_in_dim3A = vector.shape_cast %get3A_4 : vector<64x256xf32> to vector<64x1x256xf32>
    %add3A = vector.broadcast %broadcast_in_dim3A : vector<64x1x256xf32> to vector<64x32x256xf32>
    %add3A_5 = arith.addf %reshape3A, %add3A : vector<64x32x256xf32>
    %reduce_sum3A = arith.constant dense<0.000000e+00> : vector<256xf32>
    %reduce_sum3A_6 = vector.multi_reduction <add>, %add3A_5, %reduce_sum3A [0, 1] : vector<64x32x256xf32> to vector<256xf32>
    %broadcast_in_dim3A_7 = vector.shape_cast %reduce_sum3A_6 : vector<256xf32> to vector<1x1x256xf32>
    %squeeze3A = vector.shape_cast %broadcast_in_dim3A_7 : vector<1x1x256xf32> to vector<1x256xf32>
    %mul3A = arith.mulf %add3A_5, %add3A_5 : vector<64x32x256xf32>
    %reduce_sum3A_8 = arith.constant dense<0.000000e+00> : vector<256xf32>
    %reduce_sum3A_9 = vector.multi_reduction <add>, %mul3A, %reduce_sum3A_8 [0, 1] : vector<64x32x256xf32> to vector<256xf32>
    %broadcast_in_dim3A_10 = vector.shape_cast %reduce_sum3A_9 : vector<256xf32> to vector<1x1x256xf32>
    %squeeze3A_11 = vector.shape_cast %broadcast_in_dim3A_10 : vector<1x1x256xf32> to vector<1x256xf32>
    %eq3A = arith.constant 0 : i32
    %eq3A_12 = arith.cmpi eq, %arg0, %eq3A : i32
    %convert_element_type3A = arith.extui %eq3A_12 : i1 to i32
    %cond3A = arith.constant 0 : i32
    %cond3A_13 = arith.cmpi ne, %convert_element_type3A, %cond3A : i32
    scf.if %cond3A_13 {
      %broadcast_in_dim3A_32 = arith.constant 0.000000e+00 : f32
      %broadcast_in_dim3A_33 = vector.broadcast %broadcast_in_dim3A_32 : f32 to vector<2x256xf32>
      %swap3A_34 = arith.constant 0 : index
      %swap3A_35 = arith.constant 0 : index
      %swap3A_36 = vector.load %arg5[%swap3A_34, %swap3A_35] : memref<2x256xf32, #tpu.memory_space<vmem>>, vector<2x256xf32>
      tpu.vector_store %arg5[%swap3A_34, %swap3A_35], %broadcast_in_dim3A_33 {strides = array<i32>} : memref<2x256xf32, #tpu.memory_space<vmem>>, vector<2x256xf32>,
    } else {
    }
    %get3A_14 = arith.constant 0 : index
    %get3A_15 = arith.constant 0 : index
    %get3A_16 = vector.load %arg5[%get3A_14, %get3A_15] : memref<2x256xf32, #tpu.memory_space<vmem>>, vector<1x256xf32>
    %add3A_17 = arith.addf %get3A_16, %squeeze3A : vector<1x256xf32>
    %swap3A = arith.constant 0 : index
    %swap3A_18 = arith.constant 0 : index
    %swap3A_19 = vector.load %arg5[%swap3A, %swap3A_18] : memref<2x256xf32, #tpu.memory_space<vmem>>, vector<1x256xf32>
    tpu.vector_store %arg5[%swap3A, %swap3A_18], %add3A_17 {strides = array<i32>} : memref<2x256xf32, #tpu.memory_space<vmem>>, vector<1x256xf32>,
    %get3A_20 = arith.constant 1 : index
    %get3A_21 = arith.constant 0 : index
    %get3A_22 = vector.load %arg5[%get3A_20, %get3A_21] : memref<2x256xf32, #tpu.memory_space<vmem>>, vector<1x256xf32>
    %add3A_23 = arith.addf %get3A_22, %squeeze3A_11 : vector<1x256xf32>
    %swap3A_24 = arith.constant 1 : index
    %swap3A_25 = arith.constant 0 : index
    %swap3A_26 = vector.load %arg5[%swap3A_24, %swap3A_25] : memref<2x256xf32, #tpu.memory_space<vmem>>, vector<1x256xf32>
    tpu.vector_store %arg5[%swap3A_24, %swap3A_25], %add3A_23 {strides = array<i32>} : memref<2x256xf32, #tpu.memory_space<vmem>>, vector<1x256xf32>,
    %eq3A_27 = arith.constant 63 : i32
    %eq3A_28 = arith.cmpi eq, %arg0, %eq3A_27 : i32
    %convert_element_type3A_29 = arith.extui %eq3A_28 : i1 to i32
    %cond3A_30 = arith.constant 0 : i32
    %cond3A_31 = arith.cmpi ne, %convert_element_type3A_29, %cond3A_30 : i32
    scf.if %cond3A_31 {
      %get3A_32 = arith.constant 0 : index
      %get3A_33 = arith.constant 0 : index
      %get3A_34 = vector.load %arg5[%get3A_32, %get3A_33] : memref<2x256xf32, #tpu.memory_space<vmem>>, vector<1x256xf32>
      %mul3A_35 = arith.constant 7.62939453E-6 : f32
      %mul3A_36 = vector.broadcast %mul3A_35 : f32 to vector<1x256xf32>
      %mul3A_37 = arith.mulf %get3A_34, %mul3A_36 : vector<1x256xf32>
      %swap3A_38 = arith.constant 0 : index
      %swap3A_39 = arith.constant 0 : index
      %swap3A_40 = vector.load %arg3[%swap3A_38, %swap3A_39] : memref<1x256xf32, #tpu.memory_space<vmem>>, vector<1x256xf32>
      tpu.vector_store %arg3[%swap3A_38, %swap3A_39], %mul3A_37 {strides = array<i32>} : memref<1x256xf32, #tpu.memory_space<vmem>>, vector<1x256xf32>,
      %get3A_41 = arith.constant 1 : index
      %get3A_42 = arith.constant 0 : index
      %get3A_43 = vector.load %arg5[%get3A_41, %get3A_42] : memref<2x256xf32, #tpu.memory_space<vmem>>, vector<1x256xf32>
      %mul3A_44 = arith.constant 7.62939453E-6 : f32
      %mul3A_45 = vector.broadcast %mul3A_44 : f32 to vector<1x256xf32>
      %mul3A_46 = arith.mulf %get3A_43, %mul3A_45 : vector<1x256xf32>
      %mul3A_47 = arith.mulf %mul3A_37, %mul3A_37 : vector<1x256xf32>
      %sub3A = arith.subf %mul3A_46, %mul3A_47 : vector<1x256xf32>
      %swap3A_48 = arith.constant 0 : index
      %swap3A_49 = arith.constant 0 : index
      %swap3A_50 = vector.load %arg4[%swap3A_48, %swap3A_49] : memref<1x256xf32, #tpu.memory_space<vmem>>, vector<1x256xf32>
      tpu.vector_store %arg4[%swap3A_48, %swap3A_49], %sub3A {strides = array<i32>} : memref<1x256xf32, #tpu.memory_space<vmem>>, vector<1x256xf32>,
    } else {
    }
    return
  }
  func.func @transform_0(%arg0: i32) -> (i32, i32) {
    %c0_i32 = arith.constant 0 : i32
    %c0_i32_0 = arith.constant 0 : i32
    return %arg0, %c0_i32 : i32, i32
  }
  func.func @transform_1(%arg0: i32) -> (i32, i32) {
    %c0_i32 = arith.constant 0 : i32
    %c0_i32_0 = arith.constant 0 : i32
    return %arg0, %c0_i32 : i32, i32
  }
  func.func @transform_2(%arg0: i32) -> (i32, i32) {
    %c0_i32 = arith.constant 0 : i32
    %c0_i32_0 = arith.constant 0 : i32
    %c0_i32_1 = arith.constant 0 : i32
    return %c0_i32, %c0_i32_0 : i32, i32
  }
  func.func @transform_3(%arg0: i32) -> (i32, i32) {
    %c0_i32 = arith.constant 0 : i32
    %c0_i32_0 = arith.constant 0 : i32
    %c0_i32_1 = arith.constant 0 : i32
    return %c0_i32, %c0_i32_0 : i32, i32
  }
}

module attributes {stable_mosaic.version = 14 : i64} {
  func.func @_p2_body(%arg0: i32, %arg1: memref<2048x256xf32, #tpu.memory_space<vmem>>, %arg2: memref<64x256xf32, #tpu.memory_space<vmem>>, %arg3: memref<1x256xf32, #tpu.memory_space<vmem>>, %arg4: memref<1x256xf32, #tpu.memory_space<vmem>>, %arg5: memref<1x256xf32, #tpu.memory_space<vmem>>, %arg6: memref<1x256xf32, #tpu.memory_space<vmem>>, %arg7: memref<256x256xf32, #tpu.memory_space<vmem>>, %arg8: memref<64x256xf32, #tpu.memory_space<vmem>>, %arg9: memref<2x256xf32, #tpu.memory_space<vmem>>, %arg10: memref<2x256xf32, #tpu.memory_space<vmem>>) attributes {dimension_semantics = [#tpu.dimension_semantics<arbitrary>], iteration_bounds = array<i64: 64>, scalar_prefetch = 0 : i64, scratch_operands = 1 : i64, tpu.core_type = #tpu.core_type<tc>, window_params = [{transform_indices = @transform_0, window_bounds = array<i64: 2048, 256>}, {transform_indices = @transform_1, window_bounds = array<i64: 64, 256>}, {pipeline_mode = #tpu.pipeline_mode<synchronous>, transform_indices = @transform_2, window_bounds = array<i64: 1, 256>}, {pipeline_mode = #tpu.pipeline_mode<synchronous>, transform_indices = @transform_3, window_bounds = array<i64: 1, 256>}, {pipeline_mode = #tpu.pipeline_mode<synchronous>, transform_indices = @transform_4, window_bounds = array<i64: 1, 256>}, {pipeline_mode = #tpu.pipeline_mode<synchronous>, transform_indices = @transform_5, window_bounds = array<i64: 1, 256>}, {pipeline_mode = #tpu.pipeline_mode<synchronous>, transform_indices = @transform_6, window_bounds = array<i64: 256, 256>}, {transform_indices = @transform_7, window_bounds = array<i64: 64, 256>}, {pipeline_mode = #tpu.pipeline_mode<synchronous>, transform_indices = @transform_8, window_bounds = array<i64: 2, 256>}]} {
    %get3A = arith.constant 0 : index
    %get3A_0 = arith.constant 0 : index
    %get3A_1 = vector.load %arg1[%get3A, %get3A_0] : memref<2048x256xf32, #tpu.memory_space<vmem>>, vector<2048x256xf32>
    %reshape3A = vector.shape_cast %get3A_1 : vector<2048x256xf32> to vector<64x32x256xf32>
    %get3A_2 = arith.constant 0 : index
    %get3A_3 = arith.constant 0 : index
    %get3A_4 = vector.load %arg2[%get3A_2, %get3A_3] : memref<64x256xf32, #tpu.memory_space<vmem>>, vector<64x256xf32>
    %broadcast_in_dim3A = vector.shape_cast %get3A_4 : vector<64x256xf32> to vector<64x1x256xf32>
    %add3A = vector.broadcast %broadcast_in_dim3A : vector<64x1x256xf32> to vector<64x32x256xf32>
    %add3A_5 = arith.addf %reshape3A, %add3A : vector<64x32x256xf32>
    %get3A_6 = arith.constant 0 : index
    %get3A_7 = arith.constant 0 : index
    %get3A_8 = vector.load %arg5[%get3A_6, %get3A_7] : memref<1x256xf32, #tpu.memory_space<vmem>>, vector<1x256xf32>
    %get3A_9 = arith.constant 0 : index
    %get3A_10 = arith.constant 0 : index
    %get3A_11 = vector.load %arg4[%get3A_9, %get3A_10] : memref<1x256xf32, #tpu.memory_space<vmem>>, vector<1x256xf32>
    %add3A_12 = arith.constant 9.99999974E-6 : f32
    %add3A_13 = vector.broadcast %add3A_12 : f32 to vector<1x256xf32>
    %add3A_14 = arith.addf %get3A_11, %add3A_13 : vector<1x256xf32>
    %sqrt3A = math.sqrt %add3A_14 : vector<1x256xf32>
    %div3A = arith.divf %get3A_8, %sqrt3A : vector<1x256xf32>
    %get3A_15 = arith.constant 0 : index
    %get3A_16 = arith.constant 0 : index
    %get3A_17 = vector.load %arg3[%get3A_15, %get3A_16] : memref<1x256xf32, #tpu.memory_space<vmem>>, vector<1x256xf32>
    %broadcast_in_dim3A_18 = vector.shape_cast %get3A_17 : vector<1x256xf32> to vector<1x1x256xf32>
    %sub3A = vector.broadcast %broadcast_in_dim3A_18 : vector<1x1x256xf32> to vector<64x32x256xf32>
    %sub3A_19 = arith.subf %add3A_5, %sub3A : vector<64x32x256xf32>
    %broadcast_in_dim3A_20 = vector.shape_cast %div3A : vector<1x256xf32> to vector<1x1x256xf32>
    %mul3A = vector.broadcast %broadcast_in_dim3A_20 : vector<1x1x256xf32> to vector<64x32x256xf32>
    %mul3A_21 = arith.mulf %sub3A_19, %mul3A : vector<64x32x256xf32>
    %get3A_22 = arith.constant 0 : index
    %get3A_23 = arith.constant 0 : index
    %get3A_24 = vector.load %arg6[%get3A_22, %get3A_23] : memref<1x256xf32, #tpu.memory_space<vmem>>, vector<1x256xf32>
    %broadcast_in_dim3A_25 = vector.shape_cast %get3A_24 : vector<1x256xf32> to vector<1x1x256xf32>
    %add3A_26 = vector.broadcast %broadcast_in_dim3A_25 : vector<1x1x256xf32> to vector<64x32x256xf32>
    %add3A_27 = arith.addf %mul3A_21, %add3A_26 : vector<64x32x256xf32>
    %max3A = arith.constant 0.000000e+00 : f32
    %max3A_28 = vector.broadcast %max3A : f32 to vector<64x32x256xf32>
    %max3A_29 = arith.maximumf %add3A_27, %max3A_28 : vector<64x32x256xf32>
    %reshape3A_30 = vector.shape_cast %max3A_29 : vector<64x32x256xf32> to vector<2048x256xf32>
    %get3A_31 = arith.constant 0 : index
    %get3A_32 = arith.constant 0 : index
    %get3A_33 = vector.load %arg7[%get3A_31, %get3A_32] : memref<256x256xf32, #tpu.memory_space<vmem>>, vector<256x256xf32>
    %dot_general3A = arith.constant dense<0.000000e+00> : vector<2048x256xf32>
    %dot_general3A_34 = tpu.matmul %reshape3A_30, %get3A_33, %dot_general3A {dimension_numbers = #tpu.dot_dimension_numbers<[1], [1], [0], [0], [0, 0, 1, 0], [], []>, transpose_lhs_hint = false} : vector<2048x256xf32>, vector<256x256xf32>, vector<2048x256xf32> -> vector<2048x256xf32>
    %reduce_sum3A = arith.constant dense<0.000000e+00> : vector<256xf32>
    %reduce_sum3A_35 = vector.multi_reduction <add>, %dot_general3A_34, %reduce_sum3A [0] : vector<2048x256xf32> to vector<256xf32>
    %broadcast_in_dim3A_36 = vector.shape_cast %reduce_sum3A_35 : vector<256xf32> to vector<1x256xf32>
    %mul3A_37 = arith.mulf %dot_general3A_34, %dot_general3A_34 : vector<2048x256xf32>
    %reduce_sum3A_38 = arith.constant dense<0.000000e+00> : vector<256xf32>
    %reduce_sum3A_39 = vector.multi_reduction <add>, %mul3A_37, %reduce_sum3A_38 [0] : vector<2048x256xf32> to vector<256xf32>
    %broadcast_in_dim3A_40 = vector.shape_cast %reduce_sum3A_39 : vector<256xf32> to vector<1x256xf32>
    %eq3A = arith.constant 0 : i32
    %eq3A_41 = arith.cmpi eq, %arg0, %eq3A : i32
    %convert_element_type3A = arith.extui %eq3A_41 : i1 to i32
    %cond3A = arith.constant 0 : i32
    %cond3A_42 = arith.cmpi ne, %convert_element_type3A, %cond3A : i32
    scf.if %cond3A_42 {
      %broadcast_in_dim3A_66 = arith.constant 0.000000e+00 : f32
      %broadcast_in_dim3A_67 = vector.broadcast %broadcast_in_dim3A_66 : f32 to vector<2x256xf32>
      %swap3A_68 = arith.constant 0 : index
      %swap3A_69 = arith.constant 0 : index
      %swap3A_70 = vector.load %arg10[%swap3A_68, %swap3A_69] : memref<2x256xf32, #tpu.memory_space<vmem>>, vector<2x256xf32>
      tpu.vector_store %arg10[%swap3A_68, %swap3A_69], %broadcast_in_dim3A_67 {strides = array<i32>} : memref<2x256xf32, #tpu.memory_space<vmem>>, vector<2x256xf32>,
    } else {
    }
    %get3A_43 = arith.constant 0 : index
    %get3A_44 = arith.constant 0 : index
    %get3A_45 = vector.load %arg10[%get3A_43, %get3A_44] : memref<2x256xf32, #tpu.memory_space<vmem>>, vector<1x256xf32>
    %add3A_46 = arith.addf %get3A_45, %broadcast_in_dim3A_36 : vector<1x256xf32>
    %swap3A = arith.constant 0 : index
    %swap3A_47 = arith.constant 0 : index
    %swap3A_48 = vector.load %arg10[%swap3A, %swap3A_47] : memref<2x256xf32, #tpu.memory_space<vmem>>, vector<1x256xf32>
    tpu.vector_store %arg10[%swap3A, %swap3A_47], %add3A_46 {strides = array<i32>} : memref<2x256xf32, #tpu.memory_space<vmem>>, vector<1x256xf32>,
    %get3A_49 = arith.constant 1 : index
    %get3A_50 = arith.constant 0 : index
    %get3A_51 = vector.load %arg10[%get3A_49, %get3A_50] : memref<2x256xf32, #tpu.memory_space<vmem>>, vector<1x256xf32>
    %add3A_52 = arith.addf %get3A_51, %broadcast_in_dim3A_40 : vector<1x256xf32>
    %swap3A_53 = arith.constant 1 : index
    %swap3A_54 = arith.constant 0 : index
    %swap3A_55 = vector.load %arg10[%swap3A_53, %swap3A_54] : memref<2x256xf32, #tpu.memory_space<vmem>>, vector<1x256xf32>
    tpu.vector_store %arg10[%swap3A_53, %swap3A_54], %add3A_52 {strides = array<i32>} : memref<2x256xf32, #tpu.memory_space<vmem>>, vector<1x256xf32>,
    %reshape3A_56 = vector.shape_cast %dot_general3A_34 : vector<2048x256xf32> to vector<64x32x256xf32>
    %reduce_max3A = arith.constant dense<0xFF800000> : vector<64x256xf32>
    %reduce_max3A_57 = vector.multi_reduction <maximumf>, %reshape3A_56, %reduce_max3A [1] : vector<64x32x256xf32> to vector<64x256xf32>
    %swap3A_58 = arith.constant 0 : index
    %swap3A_59 = arith.constant 0 : index
    %swap3A_60 = vector.load %arg8[%swap3A_58, %swap3A_59] : memref<64x256xf32, #tpu.memory_space<vmem>>, vector<64x256xf32>
    tpu.vector_store %arg8[%swap3A_58, %swap3A_59], %reduce_max3A_57 {strides = array<i32>} : memref<64x256xf32, #tpu.memory_space<vmem>>, vector<64x256xf32>,
    %eq3A_61 = arith.constant 63 : i32
    %eq3A_62 = arith.cmpi eq, %arg0, %eq3A_61 : i32
    %convert_element_type3A_63 = arith.extui %eq3A_62 : i1 to i32
    %cond3A_64 = arith.constant 0 : i32
    %cond3A_65 = arith.cmpi ne, %convert_element_type3A_63, %cond3A_64 : i32
    scf.if %cond3A_65 {
      %get3A_66 = arith.constant 0 : index
      %get3A_67 = arith.constant 0 : index
      %get3A_68 = vector.load %arg10[%get3A_66, %get3A_67] : memref<2x256xf32, #tpu.memory_space<vmem>>, vector<2x256xf32>
      %swap3A_69 = arith.constant 0 : index
      %swap3A_70 = arith.constant 0 : index
      %swap3A_71 = vector.load %arg9[%swap3A_69, %swap3A_70] : memref<2x256xf32, #tpu.memory_space<vmem>>, vector<2x256xf32>
      tpu.vector_store %arg9[%swap3A_69, %swap3A_70], %get3A_68 {strides = array<i32>} : memref<2x256xf32, #tpu.memory_space<vmem>>, vector<2x256xf32>,
    } else {
    }
    return
  }
  func.func @transform_0(%arg0: i32) -> (i32, i32) {
    %c0_i32 = arith.constant 0 : i32
    %c0_i32_0 = arith.constant 0 : i32
    return %arg0, %c0_i32 : i32, i32
  }
  func.func @transform_1(%arg0: i32) -> (i32, i32) {
    %c0_i32 = arith.constant 0 : i32
    %c0_i32_0 = arith.constant 0 : i32
    return %arg0, %c0_i32 : i32, i32
  }
  func.func @transform_2(%arg0: i32) -> (i32, i32) {
    %c0_i32 = arith.constant 0 : i32
    %c0_i32_0 = arith.constant 0 : i32
    %c0_i32_1 = arith.constant 0 : i32
    return %c0_i32, %c0_i32_0 : i32, i32
  }
  func.func @transform_3(%arg0: i32) -> (i32, i32) {
    %c0_i32 = arith.constant 0 : i32
    %c0_i32_0 = arith.constant 0 : i32
    %c0_i32_1 = arith.constant 0 : i32
    return %c0_i32, %c0_i32_0 : i32, i32
  }
  func.func @transform_4(%arg0: i32) -> (i32, i32) {
    %c0_i32 = arith.constant 0 : i32
    %c0_i32_0 = arith.constant 0 : i32
    %c0_i32_1 = arith.constant 0 : i32
    return %c0_i32, %c0_i32_0 : i32, i32
  }
  func.func @transform_5(%arg0: i32) -> (i32, i32) {
    %c0_i32 = arith.constant 0 : i32
    %c0_i32_0 = arith.constant 0 : i32
    %c0_i32_1 = arith.constant 0 : i32
    return %c0_i32, %c0_i32_0 : i32, i32
  }
  func.func @transform_6(%arg0: i32) -> (i32, i32) {
    %c0_i32 = arith.constant 0 : i32
    %c0_i32_0 = arith.constant 0 : i32
    %c0_i32_1 = arith.constant 0 : i32
    return %c0_i32, %c0_i32_0 : i32, i32
  }
  func.func @transform_7(%arg0: i32) -> (i32, i32) {
    %c0_i32 = arith.constant 0 : i32
    %c0_i32_0 = arith.constant 0 : i32
    return %arg0, %c0_i32 : i32, i32
  }
  func.func @transform_8(%arg0: i32) -> (i32, i32) {
    %c0_i32 = arith.constant 0 : i32
    %c0_i32_0 = arith.constant 0 : i32
    %c0_i32_1 = arith.constant 0 : i32
    return %c0_i32, %c0_i32_0 : i32, i32
  }
}

module attributes {stable_mosaic.version = 14 : i64} {
  func.func @_p3_body(%arg0: i32, %arg1: memref<2048x256xf32, #tpu.memory_space<vmem>>, %arg2: memref<2x256xf32, #tpu.memory_space<vmem>>, %arg3: memref<1x256xf32, #tpu.memory_space<vmem>>, %arg4: memref<1x256xf32, #tpu.memory_space<vmem>>, %arg5: memref<8x256xf32, #tpu.memory_space<vmem>>, %arg6: memref<8x512xf32, #tpu.memory_space<vmem>>, %arg7: memref<2048x256xf32, #tpu.memory_space<vmem>>) attributes {dimension_semantics = [#tpu.dimension_semantics<arbitrary>], iteration_bounds = array<i64: 2>, scalar_prefetch = 0 : i64, scratch_operands = 0 : i64, tpu.core_type = #tpu.core_type<tc>, window_params = [{transform_indices = @transform_0, window_bounds = array<i64: 2048, 256>}, {pipeline_mode = #tpu.pipeline_mode<synchronous>, transform_indices = @transform_1, window_bounds = array<i64: 2, 256>}, {pipeline_mode = #tpu.pipeline_mode<synchronous>, transform_indices = @transform_2, window_bounds = array<i64: 1, 256>}, {pipeline_mode = #tpu.pipeline_mode<synchronous>, transform_indices = @transform_3, window_bounds = array<i64: 1, 256>}, {pipeline_mode = #tpu.pipeline_mode<synchronous>, transform_indices = @transform_4, window_bounds = array<i64: 8, 256>}, {pipeline_mode = #tpu.pipeline_mode<synchronous>, transform_indices = @transform_5, window_bounds = array<i64: 8, 512>}, {transform_indices = @transform_6, window_bounds = array<i64: 2048, 256>}]} {
    %get3A = arith.constant 0 : index
    %get3A_0 = arith.constant 0 : index
    %get3A_1 = vector.load %arg2[%get3A, %get3A_0] : memref<2x256xf32, #tpu.memory_space<vmem>>, vector<1x256xf32>
    %mul3A = arith.constant 7.62939453E-6 : f32
    %mul3A_2 = vector.broadcast %mul3A : f32 to vector<1x256xf32>
    %mul3A_3 = arith.mulf %get3A_1, %mul3A_2 : vector<1x256xf32>
    %get3A_4 = arith.constant 1 : index
    %get3A_5 = arith.constant 0 : index
    %get3A_6 = vector.load %arg2[%get3A_4, %get3A_5] : memref<2x256xf32, #tpu.memory_space<vmem>>, vector<1x256xf32>
    %mul3A_7 = arith.constant 7.62939453E-6 : f32
    %mul3A_8 = vector.broadcast %mul3A_7 : f32 to vector<1x256xf32>
    %mul3A_9 = arith.mulf %get3A_6, %mul3A_8 : vector<1x256xf32>
    %mul3A_10 = arith.mulf %mul3A_3, %mul3A_3 : vector<1x256xf32>
    %sub3A = arith.subf %mul3A_9, %mul3A_10 : vector<1x256xf32>
    %get3A_11 = arith.constant 0 : index
    %get3A_12 = arith.constant 0 : index
    %get3A_13 = vector.load %arg3[%get3A_11, %get3A_12] : memref<1x256xf32, #tpu.memory_space<vmem>>, vector<1x256xf32>
    %add3A = arith.constant 9.99999974E-6 : f32
    %add3A_14 = vector.broadcast %add3A : f32 to vector<1x256xf32>
    %add3A_15 = arith.addf %sub3A, %add3A_14 : vector<1x256xf32>
    %sqrt3A = math.sqrt %add3A_15 : vector<1x256xf32>
    %div3A = arith.divf %get3A_13, %sqrt3A : vector<1x256xf32>
    %get3A_16 = arith.constant 0 : index
    %get3A_17 = arith.constant 0 : index
    %get3A_18 = vector.load %arg1[%get3A_16, %get3A_17] : memref<2048x256xf32, #tpu.memory_space<vmem>>, vector<2048x256xf32>
    %sub3A_19 = vector.broadcast %mul3A_3 : vector<1x256xf32> to vector<2048x256xf32>
    %sub3A_20 = arith.subf %get3A_18, %sub3A_19 : vector<2048x256xf32>
    %mul3A_21 = vector.broadcast %div3A : vector<1x256xf32> to vector<2048x256xf32>
    %mul3A_22 = arith.mulf %sub3A_20, %mul3A_21 : vector<2048x256xf32>
    %get3A_23 = arith.constant 0 : index
    %get3A_24 = arith.constant 0 : index
    %get3A_25 = vector.load %arg4[%get3A_23, %get3A_24] : memref<1x256xf32, #tpu.memory_space<vmem>>, vector<1x256xf32>
    %add3A_26 = vector.broadcast %get3A_25 : vector<1x256xf32> to vector<2048x256xf32>
    %add3A_27 = arith.addf %mul3A_22, %add3A_26 : vector<2048x256xf32>
    %max3A = arith.constant 0.000000e+00 : f32
    %max3A_28 = vector.broadcast %max3A : f32 to vector<2048x256xf32>
    %max3A_29 = arith.maximumf %add3A_27, %max3A_28 : vector<2048x256xf32>
    %swap3A = arith.constant 0 : index
    %swap3A_30 = arith.constant 0 : index
    %swap3A_31 = vector.load %arg7[%swap3A, %swap3A_30] : memref<2048x256xf32, #tpu.memory_space<vmem>>, vector<2048x256xf32>
    tpu.vector_store %arg7[%swap3A, %swap3A_30], %max3A_29 {strides = array<i32>} : memref<2048x256xf32, #tpu.memory_space<vmem>>, vector<2048x256xf32>,
    return
  }
  func.func @transform_0(%arg0: i32) -> (i32, i32) {
    %c0_i32 = arith.constant 0 : i32
    %c0_i32_0 = arith.constant 0 : i32
    return %arg0, %c0_i32 : i32, i32
  }
  func.func @transform_1(%arg0: i32) -> (i32, i32) {
    %c0_i32 = arith.constant 0 : i32
    %c0_i32_0 = arith.constant 0 : i32
    %c0_i32_1 = arith.constant 0 : i32
    return %c0_i32, %c0_i32_0 : i32, i32
  }
  func.func @transform_2(%arg0: i32) -> (i32, i32) {
    %c0_i32 = arith.constant 0 : i32
    %c0_i32_0 = arith.constant 0 : i32
    %c0_i32_1 = arith.constant 0 : i32
    return %c0_i32, %c0_i32_0 : i32, i32
  }
  func.func @transform_3(%arg0: i32) -> (i32, i32) {
    %c0_i32 = arith.constant 0 : i32
    %c0_i32_0 = arith.constant 0 : i32
    %c0_i32_1 = arith.constant 0 : i32
    return %c0_i32, %c0_i32_0 : i32, i32
  }
  func.func @transform_4(%arg0: i32) -> (i32, i32) {
    %c0_i32 = arith.constant 0 : i32
    %c0_i32_0 = arith.constant 0 : i32
    %c0_i32_1 = arith.constant 0 : i32
    return %c0_i32, %c0_i32_0 : i32, i32
  }
  func.func @transform_5(%arg0: i32) -> (i32, i32) {
    %c0_i32 = arith.constant 0 : i32
    %c0_i32_0 = arith.constant 0 : i32
    %c0_i32_1 = arith.constant 0 : i32
    return %c0_i32, %c0_i32_0 : i32, i32
  }
  func.func @transform_6(%arg0: i32) -> (i32, i32) {
    %c0_i32 = arith.constant 0 : i32
    %c0_i32_0 = arith.constant 0 : i32
    return %arg0, %c0_i32 : i32, i32
  }
}

</mosaic_0001>

<sc_bundles>
// kernel: kernel.15.cloned.1.call-start
scs
__scs_entry_jumppad:
0x0: {  	(pc) =	sbr.rel $0x88, $3  }
0x1: {  	(tag) =	ssettag $0x0;
	lr =	simm.s32 $0x1  }
0x2: {  	[smem:$0x3F8E] =	sst lr;
	_ =	strace $0xD0000000  }
0x3: {  	_ = 	snop  }
0x4: {  	_ = 	snop  }
0x5: {  	_ = 	snop  }
0x6: {  	_ = 	snop  }
0x7: {  	_ = 	snop  }
__scs_overlays_trampoline_lowered:
0x8: {  	[smem:$0x3F9D] =	sst s0  }
0x9: {  	[smem:$0x3F9E] =	sst s1  }
0xa: {  	[smem:$0x3F9F] =	sst s2  }
0xb: {  	[smem:$0x3FA0] =	sst s3  }
0xc: {  	[smem:$0x3FA1] =	sst s4  }
0xd: {  	[smem:$0x3FA2] =	sst s5  }
0xe: {  	[smem:$0x3FA3] =	sst s6  }
0xf: {  	[smem:$0x3FA4] =	sst s7  }
0x10: {  	[smem:$0x3FA5] =	sst s8  }
0x11: {  	[smem:$0x3FA6] =	sst s9;
	s0 =	simm.s32 @!p0 $0x0  }
0x12: {  	s1 =	sld [smem:$0x3F8C];
	s0 =	simm.s32 @p0 $0x1  }
0x13: {  	[smem:$0x3FA7] =	sst s0;
	s0 =	simm.s32 @!p1 $0x0  }
0x14: {  	s2 =	sld [smem:$0x3F8B];
	s0 =	simm.s32 @p1 $0x1  }
0x15: {  	[smem:$0x3FA8] =	sst s0;
	s0 =	simm.s32 @!p2 $0x0  }
0x16: {  	s3 =	sld [smem:$0x3FDB];
	s0 =	simm.s32 @p2 $0x1  }
0x17: {  	s4 =	simm.s32 $0x1BF5;
	[smem:$0x3FAA] =	sst s0  }
0x18: {  	s0 =	sld [smem:$0x3F8D];
	_ =	swait.ge [sflag:s4], $0x0  }
0x19: {  	s7 =	sld [smem:$0x3F8E]  }
0x1a: {  	s8 =	sadd.s32 $0xFFFFE003, lr  }
0x1b: {  	s9 =	sadd.s32 $0xFFFFFEF7, lr;
	s5 =	simm.s32 $0xFFFFFFFF;
	p2 =	slt.u32 s8, $0xFFFFF086  }
0x1c: {  	p1 =	slt.u32 s9, $0xF7A;
	s5 =	simm.s32 @!p2 $0x0  }
0x1d: {  	s5 =	simm.s32 @p1 $0x1;
	p0 =	seq.s32 s7, s2  }
0x1e: {  	s7 =	smul.u32 @!p0 $0xF7A, s2;
	p2 =	seq.s32 @!p0 s5, $0x0  }
0x1f: {  	s9 =	smul.u32 $0xF7A, s1;
	s8 =	simm.s32 @!p0 $0x1BF5;
	p2 =	por !p2, p0  }
0x20: {  	[sflag:s8] =	ssyncset.s32 @!p0 $0xFFFFF086;
	s6 =	sadd.s32 @!p0 s3, s7;
	s7 =	simm.s32 @!p0 $0x108  }
0x21: {  	s3 =	sadd.s32 s3, s9;
	s6 =	sadd.s32 @!p0 $0x88, s6;
	s7 =	simm.s32 @p2 $0x1082  }
0x22: {  	[simem:s7], [sflag:s8] =	dma.local @!p0 [hbm:s6], $0xF7A  }
0x23: {  	s9 =	sor.u32 $0xD0000000, s2;
	s6 =	simm.s32 $0x108;
	_ =	swait.ge @!p0 [sflag:s8], $0x0  }
0x24: {  	s3 =	sadd.s32 $0x88, s3;
	s6 =	simm.s32 @!p1 $0x1082;
	[sflag:s4] =	ssyncset.s32 $0xFFFFF086  }
0x25: {  	[simem:s6], [sflag:s4] =	dma.local [hbm:s3], $0xF7A  }
0x26: {  	[smem:$0x3F8E] =	sst s1;
	(tag) =	ssettag s2;
	_ =	strace s9  }
0x27: {  	s1 =	sld [smem:$0x3F9E]  }
0x28: {  	s2 =	sld [smem:$0x3F9F]  }
0x29: {  	s4 =	sld [smem:$0x3FA1]  }
0x2a: {  	p0 =	seq.s32 s5, $0x0;
	s5 =	sld [smem:$0x3FA2]  }
0x2b: {  	s6 =	sld [smem:$0x3FA3]  }
0x2c: {  	s7 =	sld [smem:$0x3FA4]  }
0x2d: {  	s3 =	simm.s32 $0x108;
	s8 =	sld [smem:$0x3FA5]  }
0x2e: {  	s3 =	simm.s32 @!p0 $0x1082;
	s9 =	sld [smem:$0x3FA6]  }
0x2f: {  	lr =	sadd.s32 s0, s3;
	s0 =	sld [smem:$0x3F9D]  }
0x30: {  	s3 =	sld [smem:$0x3FA0]  }
0x31: {  	[smem:$0x3FA9] =	sst s10  }
0x32: {  	s10 =	sld [smem:$0x3FA7];
	_ =	sdelay $0x3  }
0x33: {  	p0 =	seq.s32 s10, $0x1;
	s10 =	sld [smem:$0x3FA9];
	_ =	sdelay $0x3  }
0x34: {  	[smem:$0x3FA9] =	sst s10  }
0x35: {  	s10 =	sld [smem:$0x3FA8];
	_ =	sdelay $0x3  }
0x36: {  	p1 =	seq.s32 s10, $0x1;
	s10 =	sld [smem:$0x3FA9];
	_ =	sdelay $0x3  }
0x37: {  	[smem:$0x3FA9] =	sst s10  }
0x38: {  	s10 =	sld [smem:$0x3FAA]  }
0x39: {  	_ = 	snop;
	(pc) =	sbr.ind lr, $3  }
0x3a: {  	_ = 	snop  }
0x3b: {  	_ = 	snop  }
0x3c: {  	p2 =	seq.s32 s10, $0x1;
	s10 =	sld [smem:$0x3FA9]  }
0x3d: {  	_ =	shalt  }
0x3e: {  	_ =	shalt  }
0x3f: {  	_ =	shalt  }
0x40: {  	_ =	shalt  }
0x41: {  	_ =	shalt  }
0x42: {  	_ =	shalt  }
0x43: {  	_ =	shalt  }
0x44: {  	_ =	shalt  }
0x45: {  	_ =	shalt  }
0x46: {  	_ =	shalt  }
0x47: {  	_ =	shalt  }
0x48: {  	_ =	shalt  }
0x49: {  	_ =	shalt  }
0x4a: {  	_ =	shalt  }
0x4b: {  	_ =	shalt  }
0x4c: {  	_ =	shalt  }
0x4d: {  	_ =	shalt  }
0x4e: {  	_ =	shalt  }
0x4f: {  	_ =	shalt  }
0x50: {  	_ =	shalt  }
0x51: {  	_ =	shalt  }
0x52: {  	_ =	shalt  }
0x53: {  	_ =	shalt  }
0x54: {  	_ =	shalt  }
0x55: {  	_ =	shalt  }
0x56: {  	_ =	shalt  }
0x57: {  	_ =	shalt  }
0x58: {  	_ =	shalt  }
0x59: {  	_ =	shalt  }
0x5a: {  	_ =	shalt  }
0x5b: {  	_ =	shalt  }
0x5c: {  	_ =	shalt  }
0x5d: {  	_ =	shalt  }
0x5e: {  	_ =	shalt  }
0x5f: {  	_ =	shalt  }
0x60: {  	_ =	shalt  }
0x61: {  	_ =	shalt  }
0x62: {  	_ =	shalt  }
0x63: {  	_ =	shalt  }
0x64: {  	_ =	shalt  }
0x65: {  	_ =	shalt  }
0x66: {  	_ =	shalt  }
0x67: {  	_ =	shalt  }
0x68: {  	_ =	shalt  }
0x69: {  	_ =	shalt  }
0x6a: {  	_ =	shalt  }
0x6b: {  	_ =	shalt  }
0x6c: {  	_ =	shalt  }
0x6d: {  	_ =	shalt  }
0x6e: {  	_ =	shalt  }
0x6f: {  	_ =	shalt  }
0x70: {  	_ =	shalt  }
0x71: {  	_ =	shalt  }
0x72: {  	_ =	shalt  }
0x73: {  	_ =	shalt  }
0x74: {  	_ =	shalt  }
0x75: {  	_ =	shalt  }
0x76: {  	_ =	shalt  }
0x77: {  	_ =	shalt  }
0x78: {  	_ =	shalt  }
0x79: {  	_ =	shalt  }
0x7a: {  	_ =	shalt  }
0x7b: {  	_ =	shalt  }
0x7c: {  	_ =	shalt  }
0x7d: {  	_ =	shalt  }
0x7e: {  	_ =	shalt  }
0x7f: {  	_ =	shalt  }
0x80: {  	_ =	shalt  }
0x81: {  	_ =	shalt  }
0x82: {  	_ =	shalt  }
0x83: {  	_ =	shalt  }
0x84: {  	_ =	shalt  }
0x85: {  	_ =	shalt  }
0x86: {  	_ =	shalt  }
0x87: {  	_ =	shalt  }
.Lfunc_end0:
.L_simem_size_0:
called_computation_lowered:
.L_overlay_start_0:
0x88: {  	s2 =	sld [smem:$0x3FD9]  }
0x89: {  	s3 =	sld [smem:$0x3FFE];
	_ =	sdelay $0x1  }
0x8a: {  	s1 =	srdreg.scid  }
0x8b: {  	s0 =	sand.u32 $0x1, s1  }
0x8c: {  	s17 =	sshll.u32 s0, $0xA;
	s2 =	sadd.s32 s3, s2  }
0x8d: {  	s2 =	sadd.s32 s2, s17  }
0x8e: {  	[smem:$0x3FB5] =	sst s2  }
0x8f: {  	_ = 	snop  }
0x90: {  	s2 =	sld [smem:$0x3FD0];
	(tm) =	ssettm $0x1  }
0x91: {  	s18 =	sld [smem:$0x3FFB];
	_ =	sdelay $0x3  }
0x92: {  	_ =	strace s18  }
0x93: {  	s3 =	sld [smem:$0x3FFC];
	_ =	sdelay $0x3  }
0x94: {  	_ =	strace s3  }
0x95: {  	s3 =	sld [smem:$0x3FFD];
	_ =	sdelay $0x3  }
0x96: {  	_ =	strace s3  }
0x97: {  	_ =	strace $0x8FFFFFFF  }
0x98: {  	s19 =	sld [smem:$0x3FDB];
	_ =	sdelay $0x1  }
0x99: {  	s4 =	simm.s32 $_scs_section_size  }
0x9a: {  	s5 =	simm.s32 $_size__tile_overlayer_lowered;
	s6 =	simm.s32 $_tile_overlayer_lowered  }
0x9b: {  	s22 =	simm.s32 $0x1BFF;
	s21 =	sshll.u32 s6, $0x1;
	s3 =	sadd.s32 s4, s19  }
0x9c: {  	s7 =	simm.s32 $0x0;
	s20 =	sshll.u32 s5, $0x1;
	s5 =	sadd.s32 s21, s3  }
0x9d: {  	[timem:s7], [sflag:s22] =	dma.local [hbm:s5], s20  }
0x9e: {  	_ =	swait.ge [sflag:s22], s20  }
0x9f: {  	s4 =	ssub.s32 $0x0, s20;
	[sflag:s22] =	ssyncset.done $0x0  }
0xa0: {  	[sflag:s22] =	ssyncadd.s32 s4;
	_ =	sdelay $0x1  }
0xa1: {  	s23 =	simm.s32 $0x1B8B  }
0xa2: {  	_ =	swait.ge [sflag:s23], $0x1  }
0xa3: {  	[sflag:s23] =	ssyncset.done $0x0  }
0xa4: {  	s25 =	simm.s32 $0x1B8E;
	s24 =	sld [smem:$0x3FFE];
	[sflag:s23] =	ssyncadd.s32 $0xFFFFFFFF  }
0xa5: {  	s26 =	simm.s32 $execute0_lowered;
	[smem:$0x3FD2] =	sst s25  }
0xa6: {  	s5 =	sshll.u32 s26, $0x1;
	_ =	strace $0x80000046;
	[dreg:$0x1] =	wrdreg $0xFFFFFFFF  }
0xa7: {  	s28 =	simm.s32 $_size_execute0_lowered;
	s3 =	sadd.s32 s3, s5;
	[dreg:$0x0] =	wrdreg $0x0  }
0xa8: {  	s5 =	sshll.u32 s28, $0x1;
	[dreg:$0x2] =	wrdreg s3  }
0xa9: {  	[dreg:$0x3] =	wrdreg s5  }
0xaa: {  	[dreg:$0x4] =	wrdreg $0xC0  }
0xab: {  	_ =	task [dreg:s7], $0x5FFFF  }
0xac: {  	[dreg:$0x1] =	wrdreg $0xFFFFFFFF  }
0xad: {  	[dreg:$0x0] =	wrdreg $0x60  }
0xae: {  	[dreg:$0x2] =	wrdreg s24  }
0xaf: {  	[dreg:$0x3] =	wrdreg s2  }
0xb0: {  	[dreg:$0x4] =	wrdreg $0x9  }
0xb1: {  	_ =	task.clear_ibuf [dreg:s7], $0x5FFFF;
	_ =	strace $0x90000046  }
0xb2: {  	s29 =	simm.s32 $0x9;
	_ =	strace $0x80000048  }
0xb3: {  	_ =	swait.ge [sflag:s29], $0x1  }
0xb4: {  	[sflag:s29] =	ssyncadd.s32 $0xFFFFFFFF  }
0xb5: {  	_ =	strace $0x90000048  }
0xb6: {  	_ =	sfence  }
0xb7: {  	s30 =	sld [smem:$0x0];
	_ =	sdelay $0x2  }
0xb8: {  	s31 =	sshll.u32 s1, $0xD;
	s1 =	sshrl.u32 s1, $0x2  }
0xb9: {  	s3 =	sand.u32 $0x4000, s31;
	s1 =	sadd.s32 s1, s30  }
0xba: {  	s0 =	sor.u32 s3, s0;
	s1 =	sshll.u32 s1, $0x11  }
0xbb: {  	s0 =	sor.u32 s1, s0  }
0xbc: {  	s0 =	sadd.s32 $0x8F2B, s0  }
0xbd: {  	[sflag:s0] =	ssyncadd.remote.s32 $0x1  }
0xbe: {  	_ =	sfence.sel $0xFFFF  }
0xbf: {  	[dreg:$0x0] =	wrdreg $0xFFFFFFFF;
	(pc) =	sbr.abs _section_cstart, $3  }
0xc0: {  	[dreg:$0x1] =	wrdreg $0xFFFFFFFF  }
0xc1: {  	_ =	task.clear_ibuf [dreg:s7], $0x2FFFF;
	_ =	strace $0x9FFFFFFF  }
0xc2: {  	(tm) =	ssettm $0x7FFFFFFF  }
0xc3: {  	_ =	shalt  }
tec
execute0_lowered:
.L_overlay_start_1:
0x0: {  	(tag) =	ssettag $0x1  }
0x1: {  	s6 =	rddreg [dreg:$0x0]  }
0x2: {  	s10 =	rddreg [dreg:$0x1]  }
0x3: {  	s0 =	rddreg [dreg:$0x2]  }
0x4: {  	s2 =	simm.s32 $0x0;
	s1 =	stileid.u32;
	s5 =	srdreg.scid  }
0x5: {  	s15 =	simm.s32 $0x100;
	s16 =	simm.s32 $0x180;
	s17 =	simm.s32 $0x200  }
0x6: {  	s18 =	simm.s32 $0x4200;
	s19 =	simm.s32 $0x8200;
	s20 =	simm.s32 $0xC200  }
0x7: {  	s21 =	simm.s32 $0x1;
	[smem:$0x7FF] =	sst s2;
	s3 =	sshll.u32 s1, $0x6  }
0x8: {  	s11 =	sand.u32 $0x1, s5;
	s8 =	sshll.u32 s1, $0x1;
	s5 =	sadd.s32 $0x4D600, s6  }
0x9: {  	s9 =	sshll.u32 s1, $0x12;
	s30 =	sshll.u32 s1, $0xB;
	_ =	strace $0x80000047  }
0xa: {  	s4 =	sand.u32 $0x380, s3;
	s3 =	sadd.s32 $0x5200, s6;
	s8 =	sor.u32 s11, s8  }
0xb: {  	s12 =	sadd.s32 s9, s6;
	s22 =	ssub.s32 $0x2, s11;
	s29 =	sshll.u32 s11, $0x11  }
0xc: {  	s31 =	sshll.u32 s11, $0xA;
	s7 =	sadd.s32 s4, s6;
	s4 =	sadd.s32 $0xD600, s6  }
0xd: {  	s23 =	sshll.u32 s8, $0x5;
	s13 =	sshrl.u32 s22, $0x1;
	s26 =	sshllo.u32 s8, $0x1  }
0xe: {  	s8 =	sshll.u32 s8, $0xC;
	s12 =	sadd.s32 s29, s12;
	s14 =	sadd.s32 $0xD200, s7  }
0xf: {  	s24 =	sand.u32 $0x60, s23;
	s25 =	ssub.s32 s22, s13;
	s28 =	sshll.u32 s26, $0x4  }
0x10: {  	s8 =	sadd.s32 s10, s8;
	s13 =	sshll.u32 s26, $0xB;
	s11 =	sadd.s32 $0x8D600, s12  }
0x11: {  	s12 =	sor.u32 s31, s30;
	s22 =	simm.s32 $0x0;
	s6 =	sadd.s32 s24, s14  }
0x12: {  	s7 =	smax.u32 s25, $0x1;
	s9 =	sand.u32 $0x70, s28;
	s10 =	sadd.s32 s10, s13  }
0x13: {  	s13 =	simm.s32 $0x2;
	s9 =	sadd.s32 s9, s14;
	s14 =	simm.s32 $0x80  }
.LBB2_2:
0x14: {  	s23 =	sadd.s32 $0x0, s12;
	s24 =	sand.u32 $0x40, s2  }
0x15: {  	s23 =	sand.u32 $0xFFFFF80, s23;
	s24 =	sadd.s32 s3, s24  }
0x16: {  	s23 =	sadd.s32 s23, s24  }
0x17: {  	[tilespmem:s2], [sflag:$0x2] =	stream.linear.gather [hbm4b:s23+s2], $0x80, $0x38;
	[tilespmem:$0x10200] =	vst v63  }
0x18: {  	_ =	swait.ge [sflag:s13], $0x80  }
0x19: {  	[sflag:s13] =	ssyncset.done $0x0  }
0x1a: {  	s24 =	sadd.s32 $0x10, s23;
	[sflag:s13] =	ssyncadd.s32 $0xFFFFFF80  }
0x1b: {  	[tilespmem:s14], [sflag:$0x2] =	stream.linear.gather [hbm4b:s24+s2], $0x80, $0x38;
	[tilespmem:$0x10200] =	vst v63  }
0x1c: {  	_ =	swait.ge [sflag:s13], $0x80  }
0x1d: {  	[sflag:s13] =	ssyncset.done $0x0  }
0x1e: {  	s30 =	sadd.s32 $0x20, s23;
	[sflag:s13] =	ssyncadd.s32 $0xFFFFFF80  }
0x1f: {  	[tilespmem:s15], [sflag:$0x2] =	stream.linear.gather [hbm4b:s30+s2], $0x80, $0x38;
	[tilespmem:$0x10200] =	vst v63  }
0x20: {  	_ =	swait.ge [sflag:s13], $0x80  }
0x21: {  	[sflag:s13] =	ssyncset.done $0x0  }
0x22: {  	s23 =	sadd.s32 $0x30, s23;
	[sflag:s13] =	ssyncadd.s32 $0xFFFFFF80  }
0x23: {  	[tilespmem:s16], [sflag:$0x2] =	stream.linear.gather [hbm4b:s23+s2], $0x80, $0x38;
	[tilespmem:$0x10200] =	vst v63  }
0x24: {  	_ =	swait.ge [sflag:s13], $0x80  }
0x25: {  	[sflag:s13] =	ssyncset.done $0x0  }
0x26: {  	[sflag:s13] =	ssyncadd.s32 $0xFFFFFF80  }
0x27: {  	[tilespmem:s17], [sflag:$0x1] =	stream.indirect.gather [hbm4b:s4+s14], $0x80, s2, s14, $0xb8;
	[tilespmem:$0x10200] =	vst v63  }
0x28: {  	_ = 	snop  }
0x29: {  	[tilespmem:s18], [sflag:$0x1] =	stream.indirect.gather [hbm4b:s4+s14], $0x80, s14, s14, $0xb8;
	[tilespmem:$0x10200] =	vst v63  }
0x2a: {  	_ = 	snop  }
0x2b: {  	[tilespmem:s19], [sflag:$0x1] =	stream.indirect.gather [hbm4b:s4+s14], $0x80, s15, s14, $0xb8;
	[tilespmem:$0x10200] =	vst v63  }
0x2c: {  	_ = 	snop  }
0x2d: {  	[tilespmem:s20], [sflag:$0x1] =	stream.indirect.gather [hbm4b:s4+s14], $0x80, s16, s14, $0xb8;
	[tilespmem:$0x10200] =	vst v63  }
0x2e: {  	_ =	swait.ge [sflag:s21], $0x4000  }
0x2f: {  	[sflag:s21] =	ssyncset.done $0x0  }
0x30: {  	[sflag:s21] =	ssyncadd.s32 $0xFFFFC000  }
0x31: {  	_ =	swait.ge [sflag:s21], $0x4000  }
0x32: {  	[sflag:s21] =	ssyncset.done $0x0  }
0x33: {  	[sflag:s21] =	ssyncadd.s32 $0xFFFFC000  }
0x34: {  	_ =	swait.ge [sflag:s21], $0x4000  }
0x35: {  	[sflag:s21] =	ssyncset.done $0x0  }
0x36: {  	[sflag:s21] =	ssyncadd.s32 $0xFFFFC000  }
0x37: {  	_ =	swait.ge [sflag:s21], $0x4000  }
0x38: {  	s31 =	simm.s32 $0x40;
	[sflag:s21] =	ssyncset.done $0x0  }
0x39: {  	s28 =	simm.s32 $0x80;
	s25 =	sadd.s32 $0x40, s12;
	[sflag:s21] =	ssyncadd.s32 $0xFFFFC000  }
0x3a: {  	[hbm4b:s11+s2] =	stream.linear.scatter [tilespmem:s17], [sflag:$0x2], $0x10000, $0x38;
	[tilespmem:$0x10200] =	vst v63  }
0x3b: {  	s25 =	sand.u32 $0xFFFFF80, s25;
	s24 =	sand.u32 $0x40, s31;
	_ =	swait.ge [sflag:s13], $0x10000  }
0x3c: {  	s26 =	sadd.s32 s3, s24;
	s23 =	sadd.s32 $0x2000, s11;
	[sflag:s13] =	ssyncset.done $0x0  }
.LBB2_3:
0x3d: {  	s29 =	sadd.s32 s25, s26;
	[sflag:s13] =	ssyncadd.s32 $0xFFFF0000  }
0x3e: {  	s25 =	smov.u32 s28;
	s24 =	sadd.s32 $0x40, s28;
	s26 =	smov.u32 s23  }
0x3f: {  	[tilespmem:s2], [sflag:$0x2] =	stream.linear.gather [hbm4b:s29+s2], $0x80, $0x38;
	[tilespmem:$0x10200] =	vst v63  }
0x40: {  	p0 =	seq.s32 s28, $0x3C0;
	_ =	swait.ge [sflag:s13], $0x80  }
0x41: {  	[sflag:s13] =	ssyncset.done $0x0  }
0x42: {  	s28 =	sadd.s32 $0x10, s29;
	[sflag:s13] =	ssyncadd.s32 $0xFFFFFF80  }
0x43: {  	[tilespmem:s14], [sflag:$0x2] =	stream.linear.gather [hbm4b:s28+s2], $0x80, $0x38;
	[tilespmem:$0x10200] =	vst v63  }
0x44: {  	_ =	swait.ge [sflag:s13], $0x80  }
0x45: {  	[sflag:s13] =	ssyncset.done $0x0  }
0x46: {  	s28 =	sadd.s32 $0x20, s29;
	[sflag:s13] =	ssyncadd.s32 $0xFFFFFF80  }
0x47: {  	[tilespmem:s15], [sflag:$0x2] =	stream.linear.gather [hbm4b:s28+s2], $0x80, $0x38;
	[tilespmem:$0x10200] =	vst v63  }
0x48: {  	_ =	swait.ge [sflag:s13], $0x80  }
0x49: {  	[sflag:s13] =	ssyncset.done $0x0  }
0x4a: {  	s28 =	sadd.s32 $0x30, s29;
	[sflag:s13] =	ssyncadd.s32 $0xFFFFFF80  }
0x4b: {  	[tilespmem:s16], [sflag:$0x2] =	stream.linear.gather [hbm4b:s28+s2], $0x80, $0x38;
	[tilespmem:$0x10200] =	vst v63  }
0x4c: {  	_ =	swait.ge [sflag:s13], $0x80  }
0x4d: {  	[sflag:s13] =	ssyncset.done $0x0  }
0x4e: {  	[sflag:s13] =	ssyncadd.s32 $0xFFFFFF80  }
0x4f: {  	[tilespmem:s17], [sflag:$0x1] =	stream.indirect.gather [hbm4b:s4+s14], $0x80, s2, s14, $0xb8;
	[tilespmem:$0x10200] =	vst v63  }
0x50: {  	_ = 	snop  }
0x51: {  	[tilespmem:s18], [sflag:$0x1] =	stream.indirect.gather [hbm4b:s4+s14], $0x80, s14, s14, $0xb8;
	[tilespmem:$0x10200] =	vst v63  }
0x52: {  	_ = 	snop  }
0x53: {  	[tilespmem:s19], [sflag:$0x1] =	stream.indirect.gather [hbm4b:s4+s14], $0x80, s15, s14, $0xb8;
	[tilespmem:$0x10200] =	vst v63  }
0x54: {  	_ = 	snop  }
0x55: {  	[tilespmem:s20], [sflag:$0x1] =	stream.indirect.gather [hbm4b:s4+s14], $0x80, s16, s14, $0xb8;
	[tilespmem:$0x10200] =	vst v63  }
0x56: {  	_ =	swait.ge [sflag:s21], $0x4000  }
0x57: {  	[sflag:s21] =	ssyncset.done $0x0  }
0x58: {  	[sflag:s21] =	ssyncadd.s32 $0xFFFFC000  }
0x59: {  	_ =	swait.ge [sflag:s21], $0x4000  }
0x5a: {  	[sflag:s21] =	ssyncset.done $0x0  }
0x5b: {  	[sflag:s21] =	ssyncadd.s32 $0xFFFFC000  }
0x5c: {  	_ =	swait.ge [sflag:s21], $0x4000  }
0x5d: {  	[sflag:s21] =	ssyncset.done $0x0  }
0x5e: {  	[sflag:s21] =	ssyncadd.s32 $0xFFFFC000  }
0x5f: {  	_ =	swait.ge [sflag:s21], $0x4000  }
0x60: {  	[sflag:s21] =	ssyncset.done $0x0  }
.Ltmp0:
0x61: {  	s23 =	sadd.s32 $0x2000, s23;
	[sflag:s21] =	ssyncadd.s32 $0xFFFFC000;
	(pc) =	sbr.rel @!p0 .LBB2_3-.Ltmp0, $4  }
0x62: {  	[hbm4b:s26+s2] =	stream.linear.scatter [tilespmem:s17], [sflag:$0x2], $0x10000, $0x38;
	[tilespmem:$0x10200] =	vst v63  }
0x63: {  	s26 =	sadd.s32 s25, s12  }
0x64: {  	s28 =	sand.u32 $0x40, s25;
	_ =	swait.ge [sflag:s13], $0x10000;
	s25 =	sand.u32 $0xFFFFF80, s26  }
0x65: {  	s26 =	sadd.s32 s3, s28;
	s28 =	smov.u32 s24;
	[sflag:s13] =	ssyncset.done $0x0  }
0x66: {  	s24 =	sadd.s32 s25, s26;
	[sflag:s13] =	ssyncadd.s32 $0xFFFF0000  }
0x67: {  	[tilespmem:s2], [sflag:$0x2] =	stream.linear.gather [hbm4b:s24+s2], $0x80, $0x38;
	[tilespmem:$0x10200] =	vst v63  }
0x68: {  	_ =	swait.ge [sflag:s13], $0x80  }
0x69: {  	[sflag:s13] =	ssyncset.done $0x0  }
0x6a: {  	s25 =	sadd.s32 $0x10, s24;
	[sflag:s13] =	ssyncadd.s32 $0xFFFFFF80  }
0x6b: {  	[tilespmem:s14], [sflag:$0x2] =	stream.linear.gather [hbm4b:s25+s2], $0x80, $0x38;
	[tilespmem:$0x10200] =	vst v63  }
0x6c: {  	_ =	swait.ge [sflag:s13], $0x80  }
0x6d: {  	[sflag:s13] =	ssyncset.done $0x0  }
0x6e: {  	s31 =	sadd.s32 $0x20, s24;
	[sflag:s13] =	ssyncadd.s32 $0xFFFFFF80  }
0x6f: {  	[tilespmem:s15], [sflag:$0x2] =	stream.linear.gather [hbm4b:s31+s2], $0x80, $0x38;
	[tilespmem:$0x10200] =	vst v63  }
0x70: {  	_ =	swait.ge [sflag:s13], $0x80  }
0x71: {  	[sflag:s13] =	ssyncset.done $0x0  }
0x72: {  	s24 =	sadd.s32 $0x30, s24;
	[sflag:s13] =	ssyncadd.s32 $0xFFFFFF80  }
0x73: {  	[tilespmem:s16], [sflag:$0x2] =	stream.linear.gather [hbm4b:s24+s2], $0x80, $0x38;
	[tilespmem:$0x10200] =	vst v63  }
0x74: {  	_ =	swait.ge [sflag:s13], $0x80  }
0x75: {  	[sflag:s13] =	ssyncset.done $0x0  }
0x76: {  	[sflag:s13] =	ssyncadd.s32 $0xFFFFFF80  }
0x77: {  	[tilespmem:s17], [sflag:$0x1] =	stream.indirect.gather [hbm4b:s4+s14], $0x80, s2, s14, $0xb8;
	[tilespmem:$0x10200] =	vst v63  }
0x78: {  	_ = 	snop  }
0x79: {  	[tilespmem:s18], [sflag:$0x1] =	stream.indirect.gather [hbm4b:s4+s14], $0x80, s14, s14, $0xb8;
	[tilespmem:$0x10200] =	vst v63  }
0x7a: {  	_ = 	snop  }
0x7b: {  	[tilespmem:s19], [sflag:$0x1] =	stream.indirect.gather [hbm4b:s4+s14], $0x80, s15, s14, $0xb8;
	[tilespmem:$0x10200] =	vst v63  }
0x7c: {  	_ = 	snop  }
0x7d: {  	[tilespmem:s20], [sflag:$0x1] =	stream.indirect.gather [hbm4b:s4+s14], $0x80, s16, s14, $0xb8;
	[tilespmem:$0x10200] =	vst v63  }
0x7e: {  	_ =	swait.ge [sflag:s21], $0x4000  }
0x7f: {  	[sflag:s21] =	ssyncset.done $0x0  }
0x80: {  	[sflag:s21] =	ssyncadd.s32 $0xFFFFC000  }
0x81: {  	_ =	swait.ge [sflag:s21], $0x4000  }
0x82: {  	[sflag:s21] =	ssyncset.done $0x0  }
0x83: {  	[sflag:s21] =	ssyncadd.s32 $0xFFFFC000  }
0x84: {  	_ =	swait.ge [sflag:s21], $0x4000  }
0x85: {  	[sflag:s21] =	ssyncset.done $0x0  }
0x86: {  	[sflag:s21] =	ssyncadd.s32 $0xFFFFC000  }
0x87: {  	_ =	swait.ge [sflag:s21], $0x4000  }
0x88: {  	[sflag:s21] =	ssyncset.done $0x0  }
0x89: {  	[sflag:s21] =	ssyncadd.s32 $0xFFFFC000  }
0x8a: {  	[hbm4b:s23+s2] =	stream.linear.scatter [tilespmem:s17], [sflag:$0x2], $0x10000, $0x38;
	[tilespmem:$0x10200] =	vst v63  }
0x8b: {  	_ =	swait.ge [sflag:s13], $0x10000  }
0x8c: {  	[sflag:s13] =	ssyncset.done $0x0  }
0x8d: {  	[sflag:s13] =	ssyncadd.s32 $0xFFFF0000  }
0x8e: {  	[tilespmem:s2], [sflag:$0x2] =	stream.linear.gather [hbm4b:s6+s2], $0x80, $0x38;
	[tilespmem:$0x10200] =	vst v63  }
0x8f: {  	_ =	swait.ge [sflag:s13], $0x80  }
0x90: {  	[sflag:s13] =	ssyncset.done $0x0  }
0x91: {  	[sflag:s13] =	ssyncadd.s32 $0xFFFFFF80  }
0x92: {  	[tilespmem:s17], [sflag:$0x1] =	stream.indirect.gather [hbm4b:s5+s14], $0x80, s2, s14, $0xb8;
	[tilespmem:$0x10200] =	vst v63  }
0x93: {  	_ =	swait.ge [sflag:s21], $0x4000  }
0x94: {  	[sflag:s21] =	ssyncset.done $0x0  }
0x95: {  	[sflag:s21] =	ssyncadd.s32 $0xFFFFC000  }
0x96: {  	[hbm4b:s8+s2] =	stream.linear.scatter [tilespmem:s17], [sflag:$0x2], $0x4000, $0x38;
	[tilespmem:$0x10200] =	vst v63  }
0x97: {  	_ =	swait.ge [sflag:s13], $0x4000  }
0x98: {  	[sflag:s13] =	ssyncset.done $0x0  }
0x99: {  	[sflag:s13] =	ssyncadd.s32 $0xFFFFC000  }
0x9a: {  	[tilespmem:s2], [sflag:$0x2] =	stream.linear.gather [hbm4b:s9+s2], $0x80, $0x38;
	[tilespmem:$0x10200] =	vst v63  }
0x9b: {  	_ =	swait.ge [sflag:s13], $0x80  }
0x9c: {  	[sflag:s13] =	ssyncset.done $0x0  }
0x9d: {  	[sflag:s13] =	ssyncadd.s32 $0xFFFFFF80  }
0x9e: {  	[tilespmem:s17], [sflag:$0x1] =	stream.indirect.gather [hbm4b:s5+s14], $0x80, s2, s14, $0xb8;
	[tilespmem:$0x10200] =	vst v63  }
0x9f: {  	s22 =	sadd.s32 $0x1, s22;
	_ =	swait.ge [sflag:s21], $0x4000  }
0xa0: {  	p0 =	seq.s32 s22, s7;
	[sflag:s21] =	ssyncset.done $0x0  }
.Ltmp1:
0xa1: {  	[sflag:s21] =	ssyncadd.s32 $0xFFFFC000;
	(pc) =	sbr.rel @!p0 .LBB2_2-.Ltmp1, $4  }
0xa2: {  	[hbm4b:s10+s2] =	stream.linear.scatter [tilespmem:s17], [sflag:$0x2], $0x4000, $0x38;
	[tilespmem:$0x10200] =	vst v63  }
0xa3: {  	_ =	swait.ge [sflag:s13], $0x4000  }
0xa4: {  	[sflag:s13] =	ssyncset.done $0x0  }
0xa5: {  	[sflag:s13] =	ssyncadd.s32 $0xFFFFC000  }
0xa6: {  	_ =	sfence.sel $0x180000  }
0xa7: {  	[bflag:$0x0] =	sbarrier.arrive $0xFFFF  }
0xa8: {  	p0 =	sne.s32 s1, $0x0;
	_ =	strace $0x90000047  }
0xa9: {  	s0 =	sadd.s32 @!p0 $0x100000, s0;
	[bflag:$0x2] =	sbarrier.arrive $0xFFFF  }
0xaa: {  	[sflag:s0] =	ssyncadd.tile.s32 @!p0 $0x1;
	_ =	shalt  }
.Lfunc_end2:
_tile_overlayer_lowered:
.L_overlay_start_2:
0xab: {  	(tag) =	ssettag $0x2  }
0xac: {  	s0 =	rddreg [dreg:$0x0];
	s2 =	stileid.u32  }
0xad: {  	s1 =	rddreg [dreg:$0x1];
	p0 =	sne.s32 s2, $0x0  }
0xae: {  	s3 =	rddreg [dreg:$0x2];
	[bflag:$0x3] =	sbarrier.arrive $0xFFFF;
	s2 =	simm.s32 @!p0 $0x1C02  }
0xaf: {  	[timem:s3], [sflag:s2] =	dma.local @!p0 [hbm:s0], s1  }
0xb0: {  	s0 =	simm.s32 @!p0 $0x2  }
0xb1: {  	_ =	swait.ge @!p0 [sflag:s0], s1  }
0xb2: {  	s1 =	ssub.s32 @!p0 $0x0, s1;
	[sflag:s0] =	ssyncset.done @!p0 $0x0  }
0xb3: {  	[sflag:s0] =	ssyncadd.s32 @!p0 s1  }
0xb4: {  	[bflag:$0x3] =	sbarrier.arrive $0xFFFF  }
0xb5: {  	_ =	shalt  }

// kernel: kernel.18.cloned.1.call-start
scs
__scs_entry_jumppad:
0x0: {  	(pc) =	sbr.rel $0x88, $3  }
0x1: {  	(tag) =	ssettag $0x0;
	lr =	simm.s32 $0x1  }
0x2: {  	[smem:$0x3F8E] =	sst lr;
	_ =	strace $0xD0000000  }
0x3: {  	_ = 	snop  }
0x4: {  	_ = 	snop  }
0x5: {  	_ = 	snop  }
0x6: {  	_ = 	snop  }
0x7: {  	_ = 	snop  }
__scs_overlays_trampoline_lowered:
0x8: {  	[smem:$0x3F9D] =	sst s0  }
0x9: {  	[smem:$0x3F9E] =	sst s1  }
0xa: {  	[smem:$0x3F9F] =	sst s2  }
0xb: {  	[smem:$0x3FA0] =	sst s3  }
0xc: {  	[smem:$0x3FA1] =	sst s4  }
0xd: {  	[smem:$0x3FA2] =	sst s5  }
0xe: {  	[smem:$0x3FA3] =	sst s6  }
0xf: {  	[smem:$0x3FA4] =	sst s7  }
0x10: {  	[smem:$0x3FA5] =	sst s8  }
0x11: {  	[smem:$0x3FA6] =	sst s9;
	s0 =	simm.s32 @!p0 $0x0  }
0x12: {  	s1 =	sld [smem:$0x3F8C];
	s0 =	simm.s32 @p0 $0x1  }
0x13: {  	[smem:$0x3FA7] =	sst s0;
	s0 =	simm.s32 @!p1 $0x0  }
0x14: {  	s2 =	sld [smem:$0x3F8B];
	s0 =	simm.s32 @p1 $0x1  }
0x15: {  	[smem:$0x3FA8] =	sst s0;
	s0 =	simm.s32 @!p2 $0x0  }
0x16: {  	s3 =	sld [smem:$0x3FDB];
	s0 =	simm.s32 @p2 $0x1  }
0x17: {  	s4 =	simm.s32 $0x1BF5;
	[smem:$0x3FAA] =	sst s0  }
0x18: {  	s0 =	sld [smem:$0x3F8D];
	_ =	swait.ge [sflag:s4], $0x0  }
0x19: {  	s7 =	sld [smem:$0x3F8E]  }
0x1a: {  	s8 =	sadd.s32 $0xFFFFE003, lr  }
0x1b: {  	s9 =	sadd.s32 $0xFFFFFEF7, lr;
	s5 =	simm.s32 $0xFFFFFFFF;
	p2 =	slt.u32 s8, $0xFFFFF086  }
0x1c: {  	p1 =	slt.u32 s9, $0xF7A;
	s5 =	simm.s32 @!p2 $0x0  }
0x1d: {  	s5 =	simm.s32 @p1 $0x1;
	p0 =	seq.s32 s7, s2  }
0x1e: {  	s7 =	smul.u32 @!p0 $0xF7A, s2;
	p2 =	seq.s32 @!p0 s5, $0x0  }
0x1f: {  	s9 =	smul.u32 $0xF7A, s1;
	s8 =	simm.s32 @!p0 $0x1BF5;
	p2 =	por !p2, p0  }
0x20: {  	[sflag:s8] =	ssyncset.s32 @!p0 $0xFFFFF086;
	s6 =	sadd.s32 @!p0 s3, s7;
	s7 =	simm.s32 @!p0 $0x108  }
0x21: {  	s3 =	sadd.s32 s3, s9;
	s6 =	sadd.s32 @!p0 $0x88, s6;
	s7 =	simm.s32 @p2 $0x1082  }
0x22: {  	[simem:s7], [sflag:s8] =	dma.local @!p0 [hbm:s6], $0xF7A  }
0x23: {  	s9 =	sor.u32 $0xD0000000, s2;
	s6 =	simm.s32 $0x108;
	_ =	swait.ge @!p0 [sflag:s8], $0x0  }
0x24: {  	s3 =	sadd.s32 $0x88, s3;
	s6 =	simm.s32 @!p1 $0x1082;
	[sflag:s4] =	ssyncset.s32 $0xFFFFF086  }
0x25: {  	[simem:s6], [sflag:s4] =	dma.local [hbm:s3], $0xF7A  }
0x26: {  	[smem:$0x3F8E] =	sst s1;
	(tag) =	ssettag s2;
	_ =	strace s9  }
0x27: {  	s1 =	sld [smem:$0x3F9E]  }
0x28: {  	s2 =	sld [smem:$0x3F9F]  }
0x29: {  	s4 =	sld [smem:$0x3FA1]  }
0x2a: {  	p0 =	seq.s32 s5, $0x0;
	s5 =	sld [smem:$0x3FA2]  }
0x2b: {  	s6 =	sld [smem:$0x3FA3]  }
0x2c: {  	s7 =	sld [smem:$0x3FA4]  }
0x2d: {  	s3 =	simm.s32 $0x108;
	s8 =	sld [smem:$0x3FA5]  }
0x2e: {  	s3 =	simm.s32 @!p0 $0x1082;
	s9 =	sld [smem:$0x3FA6]  }
0x2f: {  	lr =	sadd.s32 s0, s3;
	s0 =	sld [smem:$0x3F9D]  }
0x30: {  	s3 =	sld [smem:$0x3FA0]  }
0x31: {  	[smem:$0x3FA9] =	sst s10  }
0x32: {  	s10 =	sld [smem:$0x3FA7];
	_ =	sdelay $0x3  }
0x33: {  	p0 =	seq.s32 s10, $0x1;
	s10 =	sld [smem:$0x3FA9];
	_ =	sdelay $0x3  }
0x34: {  	[smem:$0x3FA9] =	sst s10  }
0x35: {  	s10 =	sld [smem:$0x3FA8];
	_ =	sdelay $0x3  }
0x36: {  	p1 =	seq.s32 s10, $0x1;
	s10 =	sld [smem:$0x3FA9];
	_ =	sdelay $0x3  }
0x37: {  	[smem:$0x3FA9] =	sst s10  }
0x38: {  	s10 =	sld [smem:$0x3FAA]  }
0x39: {  	_ = 	snop;
	(pc) =	sbr.ind lr, $3  }
0x3a: {  	_ = 	snop  }
0x3b: {  	_ = 	snop  }
0x3c: {  	p2 =	seq.s32 s10, $0x1;
	s10 =	sld [smem:$0x3FA9]  }
0x3d: {  	_ =	shalt  }
0x3e: {  	_ =	shalt  }
0x3f: {  	_ =	shalt  }
0x40: {  	_ =	shalt  }
0x41: {  	_ =	shalt  }
0x42: {  	_ =	shalt  }
0x43: {  	_ =	shalt  }
0x44: {  	_ =	shalt  }
0x45: {  	_ =	shalt  }
0x46: {  	_ =	shalt  }
0x47: {  	_ =	shalt  }
0x48: {  	_ =	shalt  }
0x49: {  	_ =	shalt  }
0x4a: {  	_ =	shalt  }
0x4b: {  	_ =	shalt  }
0x4c: {  	_ =	shalt  }
0x4d: {  	_ =	shalt  }
0x4e: {  	_ =	shalt  }
0x4f: {  	_ =	shalt  }
0x50: {  	_ =	shalt  }
0x51: {  	_ =	shalt  }
0x52: {  	_ =	shalt  }
0x53: {  	_ =	shalt  }
0x54: {  	_ =	shalt  }
0x55: {  	_ =	shalt  }
0x56: {  	_ =	shalt  }
0x57: {  	_ =	shalt  }
0x58: {  	_ =	shalt  }
0x59: {  	_ =	shalt  }
0x5a: {  	_ =	shalt  }
0x5b: {  	_ =	shalt  }
0x5c: {  	_ =	shalt  }
0x5d: {  	_ =	shalt  }
0x5e: {  	_ =	shalt  }
0x5f: {  	_ =	shalt  }
0x60: {  	_ =	shalt  }
0x61: {  	_ =	shalt  }
0x62: {  	_ =	shalt  }
0x63: {  	_ =	shalt  }
0x64: {  	_ =	shalt  }
0x65: {  	_ =	shalt  }
0x66: {  	_ =	shalt  }
0x67: {  	_ =	shalt  }
0x68: {  	_ =	shalt  }
0x69: {  	_ =	shalt  }
0x6a: {  	_ =	shalt  }
0x6b: {  	_ =	shalt  }
0x6c: {  	_ =	shalt  }
0x6d: {  	_ =	shalt  }
0x6e: {  	_ =	shalt  }
0x6f: {  	_ =	shalt  }
0x70: {  	_ =	shalt  }
0x71: {  	_ =	shalt  }
0x72: {  	_ =	shalt  }
0x73: {  	_ =	shalt  }
0x74: {  	_ =	shalt  }
0x75: {  	_ =	shalt  }
0x76: {  	_ =	shalt  }
0x77: {  	_ =	shalt  }
0x78: {  	_ =	shalt  }
0x79: {  	_ =	shalt  }
0x7a: {  	_ =	shalt  }
0x7b: {  	_ =	shalt  }
0x7c: {  	_ =	shalt  }
0x7d: {  	_ =	shalt  }
0x7e: {  	_ =	shalt  }
0x7f: {  	_ =	shalt  }
0x80: {  	_ =	shalt  }
0x81: {  	_ =	shalt  }
0x82: {  	_ =	shalt  }
0x83: {  	_ =	shalt  }
0x84: {  	_ =	shalt  }
0x85: {  	_ =	shalt  }
0x86: {  	_ =	shalt  }
0x87: {  	_ =	shalt  }
.Lfunc_end0:
.L_simem_size_0:
called_computation.1_lowered:
.L_overlay_start_0:
0x88: {  	s2 =	sld [smem:$0x3FD9]  }
0x89: {  	s3 =	sld [smem:$0x3FFE];
	_ =	sdelay $0x1  }
0x8a: {  	s1 =	srdreg.scid  }
0x8b: {  	s0 =	sand.u32 $0x1, s1  }
0x8c: {  	s17 =	sshll.u32 s0, $0xA;
	s2 =	sadd.s32 s3, s2  }
0x8d: {  	s2 =	sadd.s32 s2, s17  }
0x8e: {  	[smem:$0x3FB5] =	sst s2  }
0x8f: {  	_ = 	snop  }
0x90: {  	s2 =	sld [smem:$0x3FD0];
	(tm) =	ssettm $0x1  }
0x91: {  	s18 =	sld [smem:$0x3FFB];
	_ =	sdelay $0x3  }
0x92: {  	_ =	strace s18  }
0x93: {  	s3 =	sld [smem:$0x3FFC];
	_ =	sdelay $0x3  }
0x94: {  	_ =	strace s3  }
0x95: {  	s3 =	sld [smem:$0x3FFD];
	_ =	sdelay $0x3  }
0x96: {  	_ =	strace s3  }
0x97: {  	_ =	strace $0x8FFFFFFF  }
0x98: {  	s19 =	sld [smem:$0x3FDB];
	_ =	sdelay $0x1  }
0x99: {  	s4 =	simm.s32 $_scs_section_size  }
0x9a: {  	s5 =	simm.s32 $_size__tile_overlayer_lowered;
	s6 =	simm.s32 $_tile_overlayer_lowered  }
0x9b: {  	s22 =	simm.s32 $0x1BFF;
	s21 =	sshll.u32 s6, $0x1;
	s3 =	sadd.s32 s4, s19  }
0x9c: {  	s7 =	simm.s32 $0x0;
	s20 =	sshll.u32 s5, $0x1;
	s5 =	sadd.s32 s21, s3  }
0x9d: {  	[timem:s7], [sflag:s22] =	dma.local [hbm:s5], s20  }
0x9e: {  	_ =	swait.ge [sflag:s22], s20  }
0x9f: {  	s4 =	ssub.s32 $0x0, s20;
	[sflag:s22] =	ssyncset.done $0x0  }
0xa0: {  	[sflag:s22] =	ssyncadd.s32 s4;
	_ =	sdelay $0x1  }
0xa1: {  	s23 =	simm.s32 $0x1B8B  }
0xa2: {  	_ =	swait.ge [sflag:s23], $0x1  }
0xa3: {  	[sflag:s23] =	ssyncset.done $0x0  }
0xa4: {  	s25 =	simm.s32 $0x1B8E;
	s24 =	sld [smem:$0x3FFE];
	[sflag:s23] =	ssyncadd.s32 $0xFFFFFFFF  }
0xa5: {  	s26 =	simm.s32 $execute0_lowered;
	[smem:$0x3FD2] =	sst s25  }
0xa6: {  	s5 =	sshll.u32 s26, $0x1;
	_ =	strace $0x80000049;
	[dreg:$0x1] =	wrdreg $0xFFFFFFFF  }
0xa7: {  	s28 =	simm.s32 $_size_execute0_lowered;
	s3 =	sadd.s32 s3, s5;
	[dreg:$0x0] =	wrdreg $0x0  }
0xa8: {  	s5 =	sshll.u32 s28, $0x1;
	[dreg:$0x2] =	wrdreg s3  }
0xa9: {  	[dreg:$0x3] =	wrdreg s5  }
0xaa: {  	[dreg:$0x4] =	wrdreg $0xC0  }
0xab: {  	_ =	task [dreg:s7], $0x5FFFF  }
0xac: {  	[dreg:$0x1] =	wrdreg $0xFFFFFFFF  }
0xad: {  	[dreg:$0x0] =	wrdreg $0x60  }
0xae: {  	[dreg:$0x2] =	wrdreg s24  }
0xaf: {  	[dreg:$0x3] =	wrdreg s2  }
0xb0: {  	[dreg:$0x4] =	wrdreg $0x9  }
0xb1: {  	_ =	task.clear_ibuf [dreg:s7], $0x5FFFF;
	_ =	strace $0x90000049  }
0xb2: {  	s29 =	simm.s32 $0x9;
	_ =	strace $0x8000004B  }
0xb3: {  	_ =	swait.ge [sflag:s29], $0x1  }
0xb4: {  	[sflag:s29] =	ssyncadd.s32 $0xFFFFFFFF  }
0xb5: {  	_ =	strace $0x9000004B  }
0xb6: {  	_ =	sfence  }
0xb7: {  	s30 =	sld [smem:$0x0];
	_ =	sdelay $0x2  }
0xb8: {  	s31 =	sshll.u32 s1, $0xD;
	s1 =	sshrl.u32 s1, $0x2  }
0xb9: {  	s3 =	sand.u32 $0x4000, s31;
	s1 =	sadd.s32 s1, s30  }
0xba: {  	s0 =	sor.u32 s3, s0;
	s1 =	sshll.u32 s1, $0x11  }
0xbb: {  	s0 =	sor.u32 s1, s0  }
0xbc: {  	s0 =	sadd.s32 $0x8F2B, s0  }
0xbd: {  	[sflag:s0] =	ssyncadd.remote.s32 $0x1  }
0xbe: {  	_ =	sfence.sel $0xFFFF  }
0xbf: {  	[dreg:$0x0] =	wrdreg $0xFFFFFFFF;
	(pc) =	sbr.abs _section_cstart, $3  }
0xc0: {  	[dreg:$0x1] =	wrdreg $0xFFFFFFFF  }
0xc1: {  	_ =	task.clear_ibuf [dreg:s7], $0x2FFFF;
	_ =	strace $0x9FFFFFFF  }
0xc2: {  	(tm) =	ssettm $0x7FFFFFFF  }
0xc3: {  	_ =	shalt  }
tec
execute0_lowered:
.L_overlay_start_1:
0x0: {  	(tag) =	ssettag $0x1  }
0x1: {  	s0 =	rddreg [dreg:$0x0]  }
0x2: {  	s6 =	rddreg [dreg:$0x1]  }
0x3: {  	s3 =	srdreg.scid;
	s1 =	stileid.u32  }
0x4: {  	s2 =	simm.s32 $0x0;
	s13 =	simm.s32 $0x80;
	s14 =	simm.s32 $0x8100  }
0x5: {  	s15 =	simm.s32 $0x8900;
	s16 =	simm.s32 $0x9100;
	s17 =	simm.s32 $0x9900  }
0x6: {  	s18 =	simm.s32 $0xA100;
	s19 =	simm.s32 $0xA900;
	s20 =	simm.s32 $0xB100  }
0x7: {  	s21 =	simm.s32 $0xB900;
	[smem:$0x7FF] =	sst s2;
	s25 =	sadd.s32 $0x48D600, s0  }
0x8: {  	s22 =	simm.s32 $0xC100;
	_ =	strace $0x8000004A;
	[dreg:$0x3] =	wrdreg s25  }
0x9: {  	s23 =	simm.s32 $0xC900;
	s28 =	simm.s32 $0xF900;
	[dreg:$0x5] =	wrdreg s13  }
0xa: {  	s29 =	simm.s32 $0x1;
	s30 =	simm.s32 $0x0;
	[dreg:$0x6] =	wrdreg s14  }
0xb: {  	s8 =	sand.u32 $0x1, s3;
	s24 =	sshll.u32 s1, $0x1;
	[dreg:$0x7] =	wrdreg s15  }
0xc: {  	s3 =	sadd.s32 $0x45200, s0;
	s9 =	sshll.u32 s1, $0x12;
	[dreg:$0x8] =	wrdreg s16  }
0xd: {  	s7 =	sor.u32 s8, s24;
	s10 =	ssub.s32 $0x2, s8;
	[dreg:$0x9] =	wrdreg s17  }
0xe: {  	s11 =	sshll.u32 s8, $0x9;
	s8 =	sshll.u32 s8, $0x11;
	[dreg:$0xa] =	wrdreg s18  }
0xf: {  	s13 =	simm.s32 $0x1900;
	s14 =	simm.s32 $0x2100;
	[dreg:$0xb] =	wrdreg s19  }
0x10: {  	s15 =	simm.s32 $0x2900;
	s16 =	simm.s32 $0x3100;
	[dreg:$0xc] =	wrdreg s20  }
0x11: {  	s17 =	simm.s32 $0x3900;
	s18 =	simm.s32 $0x4100;
	[dreg:$0xd] =	wrdreg s21  }
0x12: {  	s19 =	simm.s32 $0x4900;
	s20 =	simm.s32 $0x5100;
	[dreg:$0xe] =	wrdreg s22  }
0x13: {  	s21 =	simm.s32 $0x5900;
	[dreg:$0xf] =	wrdreg s23;
	s24 =	simm.s32 $0xD100  }
0x14: {  	s22 =	simm.s32 $0x6100;
	s25 =	simm.s32 $0xD900;
	s23 =	simm.s32 $0x6900  }
0x15: {  	s4 =	sshll.u32 s7, $0x4;
	s26 =	sshrl.u32 s10, $0x1;
	[dreg:$0x10] =	wrdreg s24  }
0x16: {  	s7 =	sshll.u32 s7, $0xC;
	[dreg:$0x11] =	wrdreg s25;
	s24 =	simm.s32 $0x7100  }
0x17: {  	s25 =	simm.s32 $0x7900;
	s5 =	sadd.s32 s4, s0;
	s4 =	sadd.s32 $0x5200, s0  }
0x18: {  	s0 =	sadd.s32 s9, s0;
	s9 =	ssub.s32 s10, s26;
	s31 =	sadd.s32 s6, s7  }
0x19: {  	s6 =	sshll.u32 s1, $0xA;
	s10 =	simm.s32 $0x100;
	s26 =	simm.s32 $0xE100  }
0x1a: {  	s5 =	sadd.s32 $0x491600, s5;
	[dreg:$0x15] =	wrdreg s31;
	s7 =	smax.u32 s9, $0x1  }
0x1b: {  	s12 =	sor.u32 s11, s6;
	s0 =	sadd.s32 s8, s0;
	[dreg:$0x12] =	wrdreg s26  }
0x1c: {  	v2 =	vlaneseq.u32;
	s9 =	simm.s32 $0x2;
	s11 =	simm.s32 $0x900;
	[dreg:$0x14] =	wrdreg s5  }
0x1d: {  	vm0 =	vmmov $0xffff;
	v1 =	vshrl.u32 v2, $0x3;
	s31 =	simm.s32 $0xE900;
	s26 =	simm.s32 $0xF100;
	[dreg:$0x4] =	wrdreg s12  }
0x1e: {  	v0 =	vand.u32 $0x7, v2;
	v2 =	vor.u32 $0x8, v2;
	v1 =	vmul.u32 $0x8, v1;
	s8 =	sadd.s32 $0x85200, s0;
	s12 =	simm.s32 $0x1100;
	[dreg:$0x13] =	wrdreg s31  }
.LBB2_1:
0x1f: {  	s31 =	smov.u32 s8;
	s0 =	simm.s32 $0x0  }
.LBB2_2:
0x20: {  	s1 =	rddreg [dreg:$0x4]  }
0x21: {  	s5 =	rddreg [dreg:$0x3];
	s6 =	sand.u32 $0x60, s0;
	s1 =	sadd.s32 s0, s1  }
0x22: {  	s5 =	sadd.s32 s5, s6;
	s1 =	sand.u32 $0xFFFFF80, s1  }
0x23: {  	s1 =	sadd.s32 s1, s5  }
0x24: {  	[tilespmem:s2], [sflag:$0x2] =	stream.linear.gather [hbm4b:s1+s2], $0x80, $0x38;
	[tilespmem:$0x10100] =	vst v63  }
0x25: {  	_ =	swait.ge [sflag:s9], $0x80  }
0x26: {  	[sflag:s9] =	ssyncset.done $0x0  }
0x27: {  	s1 =	sadd.s32 $0x10, s1;
	s6 =	rddreg [dreg:$0x5];
	[sflag:s9] =	ssyncadd.s32 $0xFFFFFF80  }
0x28: {  	[tilespmem:s6], [sflag:$0x2] =	stream.linear.gather [hbm4b:s1+s2], $0x80, $0x38;
	[tilespmem:$0x10100] =	vst v63  }
0x29: {  	_ =	swait.ge [sflag:s9], $0x80  }
0x2a: {  	[sflag:s9] =	ssyncset.done $0x0  }
0x2b: {  	[sflag:s9] =	ssyncadd.s32 $0xFFFFFF80  }
0x2c: {  	v3 =	vld [tilespmem:$0x0];
	_ =	sdelay $0x4  }
0x2d: {  	v4 =	vshll.u32 v3, $0x1  }
0x2e: {  	v3 =	vand.u32 $0x7, v3;
	v4 =	vand.u32 $0xFFFFFFF0, v4  }
0x2f: {  	v3 =	vor.u32 v3, v4  }
0x30: {  	v4 =	vperm.xlane v3, v0;
	_ =	sdelay $0x1  }
0x31: {  	v3 =	vperm.xlane v3, v2;
	v4 =	vadd.s32 v1, v4;
	_ =	sdelay $0x1  }
0x32: {  	v3 =	vadd.s32 v1, v3;
	_ =	sdelay $0x2  }
0x33: {  	[tilespmem:s10], [sflag:$0x1] =	stream.indirect_vreg.gather [hbm4b:s3+s2], $0x80, v4, vm0, $0xb8;
	[tilespmem:$0x10100] =	vst v63  }
0x34: {  	_ = 	snop  }
0x35: {  	[tilespmem:s11], [sflag:$0x1] =	stream.indirect_vreg.gather [hbm4b:s3+s2], $0x80, v3, vm0, $0xb8;
	[tilespmem:$0x10100] =	vst v63  }
0x36: {  	v3 =	vld [tilespmem:$0x10];
	_ =	sdelay $0x4  }
0x37: {  	v49 =	vshll.u32 v3, $0x1  }
0x38: {  	v3 =	vand.u32 $0x7, v3;
	v4 =	vand.u32 $0xFFFFFFF0, v49  }
0x39: {  	v3 =	vor.u32 v3, v4  }
0x3a: {  	v4 =	vperm.xlane v3, v0;
	_ =	sdelay $0x1  }
0x3b: {  	v3 =	vperm.xlane v3, v2;
	v4 =	vadd.s32 v1, v4;
	_ =	sdelay $0x1  }
0x3c: {  	v3 =	vadd.s32 v1, v3;
	_ =	sdelay $0x2  }
0x3d: {  	[tilespmem:s12], [sflag:$0x1] =	stream.indirect_vreg.gather [hbm4b:s3+s2], $0x80, v4, vm0, $0xb8;
	[tilespmem:$0x10100] =	vst v63  }
0x3e: {  	_ = 	snop  }
0x3f: {  	[tilespmem:s13], [sflag:$0x1] =	stream.indirect_vreg.gather [hbm4b:s3+s2], $0x80, v3, vm0, $0xb8;
	[tilespmem:$0x10100] =	vst v63  }
0x40: {  	v3 =	vld [tilespmem:$0x20];
	_ =	sdelay $0x4  }
0x41: {  	v50 =	vshll.u32 v3, $0x1  }
0x42: {  	v3 =	vand.u32 $0x7, v3;
	v4 =	vand.u32 $0xFFFFFFF0, v50  }
0x43: {  	v3 =	vor.u32 v3, v4  }
0x44: {  	v4 =	vperm.xlane v3, v0;
	_ =	sdelay $0x1  }
0x45: {  	v3 =	vperm.xlane v3, v2;
	v4 =	vadd.s32 v1, v4;
	_ =	sdelay $0x1  }
0x46: {  	v3 =	vadd.s32 v1, v3;
	_ =	sdelay $0x2  }
0x47: {  	[tilespmem:s14], [sflag:$0x1] =	stream.indirect_vreg.gather [hbm4b:s3+s2], $0x80, v4, vm0, $0xb8;
	[tilespmem:$0x10100] =	vst v63  }
0x48: {  	_ = 	snop  }
0x49: {  	[tilespmem:s15], [sflag:$0x1] =	stream.indirect_vreg.gather [hbm4b:s3+s2], $0x80, v3, vm0, $0xb8;
	[tilespmem:$0x10100] =	vst v63  }
0x4a: {  	v3 =	vld [tilespmem:$0x30];
	_ =	sdelay $0x4  }
0x4b: {  	v51 =	vshll.u32 v3, $0x1  }
0x4c: {  	v3 =	vand.u32 $0x7, v3;
	v4 =	vand.u32 $0xFFFFFFF0, v51  }
0x4d: {  	v3 =	vor.u32 v3, v4  }
0x4e: {  	v4 =	vperm.xlane v3, v0;
	_ =	sdelay $0x1  }
0x4f: {  	v3 =	vperm.xlane v3, v2;
	v4 =	vadd.s32 v1, v4;
	_ =	sdelay $0x1  }
0x50: {  	v3 =	vadd.s32 v1, v3;
	_ =	sdelay $0x2  }
0x51: {  	[tilespmem:s16], [sflag:$0x1] =	stream.indirect_vreg.gather [hbm4b:s3+s2], $0x80, v4, vm0, $0xb8;
	[tilespmem:$0x10100] =	vst v63  }
0x52: {  	_ = 	snop  }
0x53: {  	[tilespmem:s17], [sflag:$0x1] =	stream.indirect_vreg.gather [hbm4b:s3+s2], $0x80, v3, vm0, $0xb8;
	[tilespmem:$0x10100] =	vst v63  }
0x54: {  	v3 =	vld [tilespmem:$0x40];
	_ =	sdelay $0x4  }
0x55: {  	v52 =	vshll.u32 v3, $0x1  }
0x56: {  	v3 =	vand.u32 $0x7, v3;
	v4 =	vand.u32 $0xFFFFFFF0, v52  }
0x57: {  	v3 =	vor.u32 v3, v4  }
0x58: {  	v4 =	vperm.xlane v3, v0;
	_ =	sdelay $0x1  }
0x59: {  	v3 =	vperm.xlane v3, v2;
	v4 =	vadd.s32 v1, v4;
	_ =	sdelay $0x1  }
0x5a: {  	v3 =	vadd.s32 v1, v3;
	_ =	sdelay $0x2  }
0x5b: {  	[tilespmem:s18], [sflag:$0x1] =	stream.indirect_vreg.gather [hbm4b:s3+s2], $0x80, v4, vm0, $0xb8;
	[tilespmem:$0x10100] =	vst v63  }
0x5c: {  	_ = 	snop  }
0x5d: {  	[tilespmem:s19], [sflag:$0x1] =	stream.indirect_vreg.gather [hbm4b:s3+s2], $0x80, v3, vm0, $0xb8;
	[tilespmem:$0x10100] =	vst v63  }
0x5e: {  	v3 =	vld [tilespmem:$0x50];
	_ =	sdelay $0x4  }
0x5f: {  	v53 =	vshll.u32 v3, $0x1  }
0x60: {  	v3 =	vand.u32 $0x7, v3;
	v4 =	vand.u32 $0xFFFFFFF0, v53  }
0x61: {  	v3 =	vor.u32 v3, v4  }
0x62: {  	v4 =	vperm.xlane v3, v0;
	_ =	sdelay $0x1  }
0x63: {  	v3 =	vperm.xlane v3, v2;
	v4 =	vadd.s32 v1, v4;
	_ =	sdelay $0x1  }
0x64: {  	v3 =	vadd.s32 v1, v3;
	_ =	sdelay $0x2  }
0x65: {  	[tilespmem:s20], [sflag:$0x1] =	stream.indirect_vreg.gather [hbm4b:s3+s2], $0x80, v4, vm0, $0xb8;
	[tilespmem:$0x10100] =	vst v63  }
0x66: {  	_ = 	snop  }
0x67: {  	[tilespmem:s21], [sflag:$0x1] =	stream.indirect_vreg.gather [hbm4b:s3+s2], $0x80, v3, vm0, $0xb8;
	[tilespmem:$0x10100] =	vst v63  }
0x68: {  	v3 =	vld [tilespmem:$0x60];
	_ =	sdelay $0x4  }
0x69: {  	v54 =	vshll.u32 v3, $0x1  }
0x6a: {  	v3 =	vand.u32 $0x7, v3;
	v4 =	vand.u32 $0xFFFFFFF0, v54  }
0x6b: {  	v3 =	vor.u32 v3, v4  }
0x6c: {  	v4 =	vperm.xlane v3, v0;
	_ =	sdelay $0x1  }
0x6d: {  	v3 =	vperm.xlane v3, v2;
	v4 =	vadd.s32 v1, v4;
	_ =	sdelay $0x1  }
0x6e: {  	v3 =	vadd.s32 v1, v3;
	_ =	sdelay $0x2  }
0x6f: {  	[tilespmem:s22], [sflag:$0x1] =	stream.indirect_vreg.gather [hbm4b:s3+s2], $0x80, v4, vm0, $0xb8;
	[tilespmem:$0x10100] =	vst v63  }
0x70: {  	_ = 	snop  }
0x71: {  	[tilespmem:s23], [sflag:$0x1] =	stream.indirect_vreg.gather [hbm4b:s3+s2], $0x80, v3, vm0, $0xb8;
	[tilespmem:$0x10100] =	vst v63  }
0x72: {  	v3 =	vld [tilespmem:$0x70];
	_ =	sdelay $0x4  }
0x73: {  	v55 =	vshll.u32 v3, $0x1  }
0x74: {  	v3 =	vand.u32 $0x7, v3;
	v4 =	vand.u32 $0xFFFFFFF0, v55  }
0x75: {  	v3 =	vor.u32 v3, v4  }
0x76: {  	v4 =	vperm.xlane v3, v0;
	_ =	sdelay $0x1  }
0x77: {  	v3 =	vperm.xlane v3, v2;
	v4 =	vadd.s32 v1, v4;
	_ =	sdelay $0x1  }
0x78: {  	v3 =	vadd.s32 v1, v3;
	_ =	sdelay $0x2  }
0x79: {  	[tilespmem:s24], [sflag:$0x1] =	stream.indirect_vreg.gather [hbm4b:s3+s2], $0x80, v4, vm0, $0xb8;
	[tilespmem:$0x10100] =	vst v63  }
0x7a: {  	_ = 	snop  }
0x7b: {  	[tilespmem:s25], [sflag:$0x1] =	stream.indirect_vreg.gather [hbm4b:s3+s2], $0x80, v3, vm0, $0xb8;
	[tilespmem:$0x10100] =	vst v63  }
0x7c: {  	v3 =	vld [tilespmem:$0x80];
	_ =	sdelay $0x4  }
0x7d: {  	v56 =	vshll.u32 v3, $0x1  }
0x7e: {  	v3 =	vand.u32 $0x7, v3;
	v4 =	vand.u32 $0xFFFFFFF0, v56  }
0x7f: {  	v3 =	vor.u32 v3, v4  }
0x80: {  	v4 =	vperm.xlane v3, v0;
	_ =	sdelay $0x1  }
0x81: {  	v3 =	vperm.xlane v3, v2;
	v4 =	vadd.s32 v1, v4;
	_ =	sdelay $0x1  }
0x82: {  	v3 =	vadd.s32 v1, v3;
	_ =	sdelay $0x1  }
0x83: {  	s5 =	rddreg [dreg:$0x6]  }
0x84: {  	[tilespmem:s5], [sflag:$0x1] =	stream.indirect_vreg.gather [hbm4b:s3+s2], $0x80, v4, vm0, $0xb8;
	[tilespmem:$0x10100] =	vst v63  }
0x85: {  	s6 =	rddreg [dreg:$0x7]  }
0x86: {  	[tilespmem:s6], [sflag:$0x1] =	stream.indirect_vreg.gather [hbm4b:s3+s2], $0x80, v3, vm0, $0xb8;
	[tilespmem:$0x10100] =	vst v63  }
0x87: {  	v3 =	vld [tilespmem:$0x90];
	_ =	sdelay $0x4  }
0x88: {  	v57 =	vshll.u32 v3, $0x1  }
0x89: {  	v3 =	vand.u32 $0x7, v3;
	v4 =	vand.u32 $0xFFFFFFF0, v57  }
0x8a: {  	v3 =	vor.u32 v3, v4  }
0x8b: {  	v4 =	vperm.xlane v3, v0;
	_ =	sdelay $0x1  }
0x8c: {  	v3 =	vperm.xlane v3, v2;
	v4 =	vadd.s32 v1, v4;
	_ =	sdelay $0x1  }
0x8d: {  	v3 =	vadd.s32 v1, v3;
	_ =	sdelay $0x1  }
0x8e: {  	s5 =	rddreg [dreg:$0x8]  }
0x8f: {  	[tilespmem:s5], [sflag:$0x1] =	stream.indirect_vreg.gather [hbm4b:s3+s2], $0x80, v4, vm0, $0xb8;
	[tilespmem:$0x10100] =	vst v63  }
0x90: {  	s6 =	rddreg [dreg:$0x9]  }
0x91: {  	[tilespmem:s6], [sflag:$0x1] =	stream.indirect_vreg.gather [hbm4b:s3+s2], $0x80, v3, vm0, $0xb8;
	[tilespmem:$0x10100] =	vst v63  }
0x92: {  	v3 =	vld [tilespmem:$0xA0];
	_ =	sdelay $0x4  }
0x93: {  	v58 =	vshll.u32 v3, $0x1  }
0x94: {  	v3 =	vand.u32 $0x7, v3;
	v4 =	vand.u32 $0xFFFFFFF0, v58  }
0x95: {  	v3 =	vor.u32 v3, v4  }
0x96: {  	v4 =	vperm.xlane v3, v0;
	_ =	sdelay $0x1  }
0x97: {  	v3 =	vperm.xlane v3, v2;
	v4 =	vadd.s32 v1, v4;
	_ =	sdelay $0x1  }
0x98: {  	v3 =	vadd.s32 v1, v3;
	_ =	sdelay $0x1  }
0x99: {  	s5 =	rddreg [dreg:$0xa]  }
0x9a: {  	[tilespmem:s5], [sflag:$0x1] =	stream.indirect_vreg.gather [hbm4b:s3+s2], $0x80, v4, vm0, $0xb8;
	[tilespmem:$0x10100] =	vst v63  }
0x9b: {  	s6 =	rddreg [dreg:$0xb]  }
0x9c: {  	[tilespmem:s6], [sflag:$0x1] =	stream.indirect_vreg.gather [hbm4b:s3+s2], $0x80, v3, vm0, $0xb8;
	[tilespmem:$0x10100] =	vst v63  }
0x9d: {  	v3 =	vld [tilespmem:$0xB0];
	_ =	sdelay $0x4  }
0x9e: {  	v59 =	vshll.u32 v3, $0x1  }
0x9f: {  	v3 =	vand.u32 $0x7, v3;
	v4 =	vand.u32 $0xFFFFFFF0, v59  }
0xa0: {  	v3 =	vor.u32 v3, v4  }
0xa1: {  	v4 =	vperm.xlane v3, v0;
	_ =	sdelay $0x1  }
0xa2: {  	v3 =	vperm.xlane v3, v2;
	v4 =	vadd.s32 v1, v4;
	_ =	sdelay $0x1  }
0xa3: {  	v3 =	vadd.s32 v1, v3;
	_ =	sdelay $0x1  }
0xa4: {  	s5 =	rddreg [dreg:$0xc]  }
0xa5: {  	[tilespmem:s5], [sflag:$0x1] =	stream.indirect_vreg.gather [hbm4b:s3+s2], $0x80, v4, vm0, $0xb8;
	[tilespmem:$0x10100] =	vst v63  }
0xa6: {  	s6 =	rddreg [dreg:$0xd]  }
0xa7: {  	[tilespmem:s6], [sflag:$0x1] =	stream.indirect_vreg.gather [hbm4b:s3+s2], $0x80, v3, vm0, $0xb8;
	[tilespmem:$0x10100] =	vst v63  }
0xa8: {  	v3 =	vld [tilespmem:$0xC0];
	_ =	sdelay $0x4  }
0xa9: {  	v60 =	vshll.u32 v3, $0x1  }
0xaa: {  	v3 =	vand.u32 $0x7, v3;
	v4 =	vand.u32 $0xFFFFFFF0, v60  }
0xab: {  	v3 =	vor.u32 v3, v4  }
0xac: {  	v4 =	vperm.xlane v3, v0;
	_ =	sdelay $0x1  }
0xad: {  	v3 =	vperm.xlane v3, v2;
	v4 =	vadd.s32 v1, v4;
	_ =	sdelay $0x1  }
0xae: {  	v3 =	vadd.s32 v1, v3;
	_ =	sdelay $0x1  }
0xaf: {  	s5 =	rddreg [dreg:$0xe]  }
0xb0: {  	[tilespmem:s5], [sflag:$0x1] =	stream.indirect_vreg.gather [hbm4b:s3+s2], $0x80, v4, vm0, $0xb8;
	[tilespmem:$0x10100] =	vst v63  }
0xb1: {  	s6 =	rddreg [dreg:$0xf]  }
0xb2: {  	[tilespmem:s6], [sflag:$0x1] =	stream.indirect_vreg.gather [hbm4b:s3+s2], $0x80, v3, vm0, $0xb8;
	[tilespmem:$0x10100] =	vst v63  }
0xb3: {  	v3 =	vld [tilespmem:$0xD0];
	_ =	sdelay $0x4  }
0xb4: {  	v61 =	vshll.u32 v3, $0x1  }
0xb5: {  	v3 =	vand.u32 $0x7, v3;
	v4 =	vand.u32 $0xFFFFFFF0, v61  }
0xb6: {  	v3 =	vor.u32 v3, v4  }
0xb7: {  	v4 =	vperm.xlane v3, v0;
	_ =	sdelay $0x1  }
0xb8: {  	v3 =	vperm.xlane v3, v2;
	v4 =	vadd.s32 v1, v4;
	_ =	sdelay $0x1  }
0xb9: {  	v3 =	vadd.s32 v1, v3;
	_ =	sdelay $0x1  }
0xba: {  	s5 =	rddreg [dreg:$0x10]  }
0xbb: {  	[tilespmem:s5], [sflag:$0x1] =	stream.indirect_vreg.gather [hbm4b:s3+s2], $0x80, v4, vm0, $0xb8;
	[tilespmem:$0x10100] =	vst v63  }
0xbc: {  	s6 =	rddreg [dreg:$0x11]  }
0xbd: {  	[tilespmem:s6], [sflag:$0x1] =	stream.indirect_vreg.gather [hbm4b:s3+s2], $0x80, v3, vm0, $0xb8;
	[tilespmem:$0x10100] =	vst v63  }
0xbe: {  	v3 =	vld [tilespmem:$0xE0];
	_ =	sdelay $0x4  }
0xbf: {  	v62 =	vshll.u32 v3, $0x1  }
0xc0: {  	v3 =	vand.u32 $0x7, v3;
	v4 =	vand.u32 $0xFFFFFFF0, v62  }
0xc1: {  	v3 =	vor.u32 v3, v4  }
0xc2: {  	v4 =	vperm.xlane v3, v0;
	_ =	sdelay $0x1  }
0xc3: {  	v3 =	vperm.xlane v3, v2;
	v4 =	vadd.s32 v1, v4;
	_ =	sdelay $0x1  }
0xc4: {  	v3 =	vadd.s32 v1, v3;
	_ =	sdelay $0x1  }
0xc5: {  	s5 =	rddreg [dreg:$0x12]  }
0xc6: {  	[tilespmem:s5], [sflag:$0x1] =	stream.indirect_vreg.gather [hbm4b:s3+s2], $0x80, v4, vm0, $0xb8;
	[tilespmem:$0x10100] =	vst v63  }
0xc7: {  	s6 =	rddreg [dreg:$0x13]  }
0xc8: {  	[tilespmem:s6], [sflag:$0x1] =	stream.indirect_vreg.gather [hbm4b:s3+s2], $0x80, v3, vm0, $0xb8;
	[tilespmem:$0x10100] =	vst v63  }
0xc9: {  	v3 =	vld [tilespmem:$0xF0];
	_ =	sdelay $0x4  }
0xca: {  	v63 =	vshll.u32 v3, $0x1  }
0xcb: {  	v3 =	vand.u32 $0x7, v3;
	v4 =	vand.u32 $0xFFFFFFF0, v63  }
0xcc: {  	v3 =	vor.u32 v3, v4  }
0xcd: {  	v4 =	vperm.xlane v3, v0;
	_ =	sdelay $0x1  }
0xce: {  	v3 =	vperm.xlane v3, v2;
	v4 =	vadd.s32 v1, v4;
	_ =	sdelay $0x1  }
0xcf: {  	v3 =	vadd.s32 v1, v3;
	_ =	sdelay $0x2  }
0xd0: {  	[tilespmem:s26], [sflag:$0x1] =	stream.indirect_vreg.gather [hbm4b:s3+s2], $0x80, v4, vm0, $0xb8;
	[tilespmem:$0x10100] =	vst v63  }
0xd1: {  	_ = 	snop  }
0xd2: {  	[tilespmem:s28], [sflag:$0x1] =	stream.indirect_vreg.gather [hbm4b:s3+s2], $0x80, v3, vm0, $0xb8;
	[tilespmem:$0x10100] =	vst v63  }
0xd3: {  	_ =	swait.ge [sflag:s29], $0x8000  }
0xd4: {  	[sflag:s29] =	ssyncset.done $0x0  }
0xd5: {  	[sflag:s29] =	ssyncadd.s32 $0xFFFF8000  }
0xd6: {  	_ =	swait.ge [sflag:s29], $0x8000  }
0xd7: {  	p0 =	sne.s32 s0, $0x1E0;
	[sflag:s29] =	ssyncset.done $0x0  }
.Ltmp0:
0xd8: {  	[sflag:s29] =	ssyncadd.s32 $0xFFFF8000;
	(pc) =	sbr.rel @p0 .LBB2_2-.Ltmp0, $4  }
0xd9: {  	[hbm4b:s31+s2] =	stream.linear.scatter [tilespmem:s10], [sflag:$0x2], $0x10000, $0x38;
	[tilespmem:$0x10100] =	vst v63  }
0xda: {  	_ =	swait.ge [sflag:s9], $0x10000  }
0xdb: {  	[sflag:s9] =	ssyncset.done $0x0  }
0xdc: {  	s0 =	sadd.s32 $0x20, s0;
	s31 =	sadd.s32 $0x2000, s31;
	[sflag:s9] =	ssyncadd.s32 $0xFFFF0000  }
0xdd: {  	s0 =	rddreg [dreg:$0x14]  }
0xde: {  	[tilespmem:s2], [sflag:$0x2] =	stream.linear.gather [hbm4b:s0+s2], $0x80, $0x38;
	[tilespmem:$0x10100] =	vst v63  }
0xdf: {  	_ =	swait.ge [sflag:s9], $0x80  }
0xe0: {  	[sflag:s9] =	ssyncset.done $0x0  }
0xe1: {  	[sflag:s9] =	ssyncadd.s32 $0xFFFFFF80  }
0xe2: {  	v3 =	vld [tilespmem:$0x0];
	_ =	sdelay $0x4  }
0xe3: {  	v4 =	vshll.u32 v3, $0x1  }
0xe4: {  	v3 =	vand.u32 $0x7, v3;
	v4 =	vand.u32 $0xFFFFFFF0, v4  }
0xe5: {  	v3 =	vor.u32 v3, v4  }
0xe6: {  	v4 =	vperm.xlane v3, v0;
	_ =	sdelay $0x1  }
0xe7: {  	v3 =	vperm.xlane v3, v2;
	v4 =	vadd.s32 v1, v4;
	_ =	sdelay $0x1  }
0xe8: {  	v3 =	vadd.s32 v1, v3;
	_ =	sdelay $0x2  }
0xe9: {  	[tilespmem:s10], [sflag:$0x1] =	stream.indirect_vreg.gather [hbm4b:s4+s2], $0x80, v4, vm0, $0xb8;
	[tilespmem:$0x10100] =	vst v63  }
0xea: {  	_ = 	snop  }
0xeb: {  	[tilespmem:s11], [sflag:$0x1] =	stream.indirect_vreg.gather [hbm4b:s4+s2], $0x80, v3, vm0, $0xb8;
	[tilespmem:$0x10100] =	vst v63  }
0xec: {  	v3 =	vld [tilespmem:$0x10];
	_ =	sdelay $0x4  }
0xed: {  	v57 =	vshll.u32 v3, $0x1  }
0xee: {  	v3 =	vand.u32 $0x7, v3;
	v4 =	vand.u32 $0xFFFFFFF0, v57  }
0xef: {  	v3 =	vor.u32 v3, v4  }
0xf0: {  	v4 =	vperm.xlane v3, v0;
	_ =	sdelay $0x1  }
0xf1: {  	v3 =	vperm.xlane v3, v2;
	v4 =	vadd.s32 v1, v4;
	_ =	sdelay $0x1  }
0xf2: {  	v3 =	vadd.s32 v1, v3;
	_ =	sdelay $0x2  }
0xf3: {  	[tilespmem:s12], [sflag:$0x1] =	stream.indirect_vreg.gather [hbm4b:s4+s2], $0x80, v4, vm0, $0xb8;
	[tilespmem:$0x10100] =	vst v63  }
0xf4: {  	_ = 	snop  }
0xf5: {  	[tilespmem:s13], [sflag:$0x1] =	stream.indirect_vreg.gather [hbm4b:s4+s2], $0x80, v3, vm0, $0xb8;
	[tilespmem:$0x10100] =	vst v63  }
0xf6: {  	v3 =	vld [tilespmem:$0x20];
	_ =	sdelay $0x4  }
0xf7: {  	v58 =	vshll.u32 v3, $0x1  }
0xf8: {  	v3 =	vand.u32 $0x7, v3;
	v4 =	vand.u32 $0xFFFFFFF0, v58  }
0xf9: {  	v3 =	vor.u32 v3, v4  }
0xfa: {  	v4 =	vperm.xlane v3, v0;
	_ =	sdelay $0x1  }
0xfb: {  	v3 =	vperm.xlane v3, v2;
	v4 =	vadd.s32 v1, v4;
	_ =	sdelay $0x1  }
0xfc: {  	v3 =	vadd.s32 v1, v3;
	_ =	sdelay $0x2  }
0xfd: {  	[tilespmem:s14], [sflag:$0x1] =	stream.indirect_vreg.gather [hbm4b:s4+s2], $0x80, v4, vm0, $0xb8;
	[tilespmem:$0x10100] =	vst v63  }
0xfe: {  	_ = 	snop  }
0xff: {  	[tilespmem:s15], [sflag:$0x1] =	stream.indirect_vreg.gather [hbm4b:s4+s2], $0x80, v3, vm0, $0xb8;
	[tilespmem:$0x10100] =	vst v63  }
0x100: {  	v3 =	vld [tilespmem:$0x30];
	_ =	sdelay $0x4  }
0x101: {  	v59 =	vshll.u32 v3, $0x1  }
0x102: {  	v3 =	vand.u32 $0x7, v3;
	v4 =	vand.u32 $0xFFFFFFF0, v59  }
0x103: {  	v3 =	vor.u32 v3, v4  }
0x104: {  	v4 =	vperm.xlane v3, v0;
	_ =	sdelay $0x1  }
0x105: {  	v3 =	vperm.xlane v3, v2;
	v4 =	vadd.s32 v1, v4;
	_ =	sdelay $0x1  }
0x106: {  	v3 =	vadd.s32 v1, v3;
	_ =	sdelay $0x2  }
0x107: {  	[tilespmem:s16], [sflag:$0x1] =	stream.indirect_vreg.gather [hbm4b:s4+s2], $0x80, v4, vm0, $0xb8;
	[tilespmem:$0x10100] =	vst v63  }
0x108: {  	_ = 	snop  }
0x109: {  	[tilespmem:s17], [sflag:$0x1] =	stream.indirect_vreg.gather [hbm4b:s4+s2], $0x80, v3, vm0, $0xb8;
	[tilespmem:$0x10100] =	vst v63  }
0x10a: {  	v3 =	vld [tilespmem:$0x40];
	_ =	sdelay $0x4  }
0x10b: {  	v60 =	vshll.u32 v3, $0x1  }
0x10c: {  	v3 =	vand.u32 $0x7, v3;
	v4 =	vand.u32 $0xFFFFFFF0, v60  }
0x10d: {  	v3 =	vor.u32 v3, v4  }
0x10e: {  	v4 =	vperm.xlane v3, v0;
	_ =	sdelay $0x1  }
0x10f: {  	v3 =	vperm.xlane v3, v2;
	v4 =	vadd.s32 v1, v4;
	_ =	sdelay $0x1  }
0x110: {  	v3 =	vadd.s32 v1, v3;
	_ =	sdelay $0x2  }
0x111: {  	[tilespmem:s18], [sflag:$0x1] =	stream.indirect_vreg.gather [hbm4b:s4+s2], $0x80, v4, vm0, $0xb8;
	[tilespmem:$0x10100] =	vst v63  }
0x112: {  	_ = 	snop  }
0x113: {  	[tilespmem:s19], [sflag:$0x1] =	stream.indirect_vreg.gather [hbm4b:s4+s2], $0x80, v3, vm0, $0xb8;
	[tilespmem:$0x10100] =	vst v63  }
0x114: {  	v3 =	vld [tilespmem:$0x50];
	_ =	sdelay $0x4  }
0x115: {  	v61 =	vshll.u32 v3, $0x1  }
0x116: {  	v3 =	vand.u32 $0x7, v3;
	v4 =	vand.u32 $0xFFFFFFF0, v61  }
0x117: {  	v3 =	vor.u32 v3, v4  }
0x118: {  	v4 =	vperm.xlane v3, v0;
	_ =	sdelay $0x1  }
0x119: {  	v3 =	vperm.xlane v3, v2;
	v4 =	vadd.s32 v1, v4;
	_ =	sdelay $0x1  }
0x11a: {  	v3 =	vadd.s32 v1, v3;
	_ =	sdelay $0x2  }
0x11b: {  	[tilespmem:s20], [sflag:$0x1] =	stream.indirect_vreg.gather [hbm4b:s4+s2], $0x80, v4, vm0, $0xb8;
	[tilespmem:$0x10100] =	vst v63  }
0x11c: {  	_ = 	snop  }
0x11d: {  	[tilespmem:s21], [sflag:$0x1] =	stream.indirect_vreg.gather [hbm4b:s4+s2], $0x80, v3, vm0, $0xb8;
	[tilespmem:$0x10100] =	vst v63  }
0x11e: {  	v3 =	vld [tilespmem:$0x60];
	_ =	sdelay $0x4  }
0x11f: {  	v62 =	vshll.u32 v3, $0x1  }
0x120: {  	v3 =	vand.u32 $0x7, v3;
	v4 =	vand.u32 $0xFFFFFFF0, v62  }
0x121: {  	v3 =	vor.u32 v3, v4  }
0x122: {  	v4 =	vperm.xlane v3, v0;
	_ =	sdelay $0x1  }
0x123: {  	v3 =	vperm.xlane v3, v2;
	v4 =	vadd.s32 v1, v4;
	_ =	sdelay $0x1  }
0x124: {  	v3 =	vadd.s32 v1, v3;
	_ =	sdelay $0x2  }
0x125: {  	[tilespmem:s22], [sflag:$0x1] =	stream.indirect_vreg.gather [hbm4b:s4+s2], $0x80, v4, vm0, $0xb8;
	[tilespmem:$0x10100] =	vst v63  }
0x126: {  	_ = 	snop  }
0x127: {  	[tilespmem:s23], [sflag:$0x1] =	stream.indirect_vreg.gather [hbm4b:s4+s2], $0x80, v3, vm0, $0xb8;
	[tilespmem:$0x10100] =	vst v63  }
0x128: {  	v3 =	vld [tilespmem:$0x70];
	_ =	sdelay $0x4  }
0x129: {  	v63 =	vshll.u32 v3, $0x1  }
0x12a: {  	v3 =	vand.u32 $0x7, v3;
	v4 =	vand.u32 $0xFFFFFFF0, v63  }
0x12b: {  	v3 =	vor.u32 v3, v4  }
0x12c: {  	v4 =	vperm.xlane v3, v0;
	_ =	sdelay $0x1  }
0x12d: {  	v3 =	vperm.xlane v3, v2;
	v4 =	vadd.s32 v1, v4;
	_ =	sdelay $0x1  }
0x12e: {  	v3 =	vadd.s32 v1, v3;
	_ =	sdelay $0x2  }
0x12f: {  	[tilespmem:s24], [sflag:$0x1] =	stream.indirect_vreg.gather [hbm4b:s4+s2], $0x80, v4, vm0, $0xb8;
	[tilespmem:$0x10100] =	vst v63  }
0x130: {  	_ = 	snop  }
0x131: {  	[tilespmem:s25], [sflag:$0x1] =	stream.indirect_vreg.gather [hbm4b:s4+s2], $0x80, v3, vm0, $0xb8;
	[tilespmem:$0x10100] =	vst v63  }
0x132: {  	s30 =	sadd.s32 $0x1, s30;
	_ =	swait.ge [sflag:s29], $0x8000  }
0x133: {  	p0 =	sne.s32 s30, s7;
	[sflag:s29] =	ssyncset.done $0x0  }
.Ltmp1:
0x134: {  	s31 =	rddreg [dreg:$0x15];
	[sflag:s29] =	ssyncadd.s32 $0xFFFF8000;
	(pc) =	sbr.rel @p0 .LBB2_1-.Ltmp1, $4  }
0x135: {  	[hbm4b:s31+s2] =	stream.linear.scatter [tilespmem:s10], [sflag:$0x2], $0x8000, $0x38;
	[tilespmem:$0x10100] =	vst v63  }
0x136: {  	_ =	swait.ge [sflag:s9], $0x8000  }
0x137: {  	[sflag:s9] =	ssyncset.done $0x0  }
0x138: {  	[sflag:s9] =	ssyncadd.s32 $0xFFFF8000  }
0x139: {  	_ =	sfence.sel $0x180000  }
0x13a: {  	[bflag:$0x0] =	sbarrier.arrive $0xFFFF  }
0x13b: {  	_ =	strace $0x9000004A  }
0x13c: {  	s0 =	stileid.u32;
	[bflag:$0x2] =	sbarrier.arrive $0xFFFF  }
0x13d: {  	p0 =	sne.s32 s0, $0x0;
	s0 =	rddreg [dreg:$0x2]  }
0x13e: {  	s0 =	sadd.s32 @!p0 $0x100000, s0  }
0x13f: {  	[sflag:s0] =	ssyncadd.tile.s32 @!p0 $0x1;
	_ =	shalt  }
.Lfunc_end2:
_tile_overlayer_lowered:
.L_overlay_start_2:
0x140: {  	(tag) =	ssettag $0x2  }
0x141: {  	s0 =	rddreg [dreg:$0x0];
	s2 =	stileid.u32  }
0x142: {  	s1 =	rddreg [dreg:$0x1];
	p0 =	sne.s32 s2, $0x0  }
0x143: {  	s3 =	rddreg [dreg:$0x2];
	[bflag:$0x3] =	sbarrier.arrive $0xFFFF;
	s2 =	simm.s32 @!p0 $0x1C02  }
0x144: {  	[timem:s3], [sflag:s2] =	dma.local @!p0 [hbm:s0], s1  }
0x145: {  	s0 =	simm.s32 @!p0 $0x2  }
0x146: {  	_ =	swait.ge @!p0 [sflag:s0], s1  }
0x147: {  	s1 =	ssub.s32 @!p0 $0x0, s1;
	[sflag:s0] =	ssyncset.done @!p0 $0x0  }
0x148: {  	[sflag:s0] =	ssyncadd.s32 @!p0 s1  }
0x149: {  	[bflag:$0x3] =	sbarrier.arrive $0xFFFF  }
0x14a: {  	_ =	shalt  }

</sc_bundles>
